<compile_context>
chip_gen: v7x
topology: tpu7x:2x2x1
jax: 0.10.2.dev20260603
libtpu: 0.0.44.dev20260713+nightly
codegen_flags: <defaults>
</compile_context>

<pallas_src>
import functools

import jax
import jax.numpy as jnp
from jax import lax
from jax.experimental import pallas as pl
from jax.experimental.pallas import tpu as pltpu
from jax.experimental.pallas import tpu_sc as plsc

N_NODES = 10000
F_IN = 128
F_HID = 256
F_OUT = 64

NC, NS = 2, 16
NW = NC * NS
CHUNK = 128
NCOL2 = 64
CT0_NUM, CT1_NUM = 1, 1
RPAD = 10240


def _spmm_parts(xs, sd3d, zrows, zdeg, with_deg):
    nx = len(xs)
    xr = xs[0].shape[0]
    ncols = xs[0].shape[1]
    chunks_total = sd3d.shape[0]
    ct = chunks_total // NW
    ct0 = (2 * ct * CT0_NUM // (CT0_NUM + CT1_NUM)) // 8 * 8
    ct1 = 2 * ct - ct0
    ctm = max(ct0, ct1)
    rpt = RPAD // NS

    mesh = plsc.VectorSubcoreMesh(
        core_axis_name="c", subcore_axis_name="s", num_cores=NC, num_subcores=NS
    )

    @functools.partial(
        pl.kernel,
        mesh=mesh,
        compiler_params=pltpu.CompilerParams(use_tc_tiling_on_sc=False),
        out_type=tuple(
            [jax.ShapeDtypeStruct((NC, RPAD, ncols), jnp.float32)] * nx
            + [jax.ShapeDtypeStruct((NC, RPAD), jnp.float32)]
        ),
        scratch_types=[
            pltpu.VMEM((8, 2, CHUNK), jnp.int32),
            pltpu.VMEM((4 * CHUNK, ncols), jnp.float32),
            pltpu.VMEM((CHUNK,), jnp.float32),
            pltpu.VMEM_SHARED((RPAD, ncols), jnp.float32),
            pltpu.VMEM_SHARED((RPAD,), jnp.float32),
            pltpu.VMEM_SHARED((xr, ncols), jnp.float32),
            pltpu.SemaphoreType.DMA,
            pltpu.SemaphoreType.DMA,
            pltpu.SemaphoreType.DMA,
        ],
    )
    def k(*refs):
        x_hbms = refs[:nx]
        sd_hbm, zrows_hbm, zdeg_hbm = refs[nx:nx + 3]
        out_hbms = refs[nx + 3:2 * nx + 3]
        deg_hbm = refs[2 * nx + 3]
        idxb, buf, ones_v, acc, dacc, xcache, sem0, semi, sems = refs[2 * nx + 4:]

        cid = lax.axis_index("c")
        sid = lax.axis_index("s")
        rbase = sid * rpt
        xpt = xr // NS
        ctc = jnp.where(cid == 0, ct0, ct1)
        cbase = jnp.where(cid == 0, sid * ct0, NS * ct0 + sid * ct1)
        if with_deg:
            pltpu.sync_copy(zdeg_hbm.at[pl.ds(rbase, rpt)],
                            dacc.at[pl.ds(rbase, rpt)])
            for i in range(CHUNK // 16):
                ones_v[pl.ds(i * 16, 16)] = jnp.ones((16,), jnp.float32)

        def bslice(j):
            return buf.at[pl.ds((j % 4) * CHUNK, CHUNK)]

        def islot(j):
            return idxb.at[j % 8]

        def idx_copy(j):
            pltpu.async_copy(sd_hbm.at[cbase + j], islot(j), semi)

        def wait_idx(j):
            pltpu.make_async_copy(sd_hbm.at[cbase + j], islot(j), semi).wait()

        def gather(j):
            pltpu.async_copy(xcache.at[idxb.at[j % 8, 0]], bslice(j), sem0)

        def wait_gather(j):
            pltpu.make_async_copy(
                xcache.at[idxb.at[j % 8, 0]], bslice(j), sem0).wait()

        def scatter(j):
            pltpu.async_copy(bslice(j), acc.at[idxb.at[j % 8, 1]], sems,
                             add=True)

        def wait_scatter(j):
            pltpu.make_async_copy(
                bslice(j), acc.at[idxb.at[j % 8, 1]], sems).wait()

        for h in range(nx):
            deg_now = with_deg and h == 0
            pltpu.sync_copy(x_hbms[h].at[pl.ds(sid * xpt, xpt)],
                            xcache.at[pl.ds(sid * xpt, xpt)])
            pltpu.sync_copy(zrows_hbm.at[pl.ds(rbase, rpt)],
                            acc.at[pl.ds(rbase, rpt)])
            plsc.subcore_barrier()

            idx_copy(0)
            idx_copy(1)
            idx_copy(2)
            wait_idx(0)
            gather(0)
            wait_idx(1)
            gather(1)

            def body(j, _):
                @pl.when(j + 3 < ctc)
                def _():
                    idx_copy(j + 3)

                @pl.when(j + 2 < ctc)
                def _():
                    wait_idx(j + 2)
                    gather(j + 2)

                wait_gather(j)
                scatter(j)
                if deg_now:
                    pltpu.sync_copy(ones_v, dacc.at[idxb.at[j % 8, 1]], add=True)

                @pl.when(j >= 3)
                def _():
                    wait_scatter(j - 3)

                return 0

            lax.fori_loop(0, ctc, body, 0)
            for p in range(3):
                wait_scatter(ctc - 3 + p)
            plsc.subcore_barrier()
            pltpu.sync_copy(acc.at[pl.ds(rbase, rpt)],
                            out_hbms[h].at[cid, pl.ds(rbase, rpt)])
        if with_deg:
            pltpu.sync_copy(dacc.at[pl.ds(rbase, rpt)],
                            deg_hbm.at[cid, pl.ds(rbase, rpt)])

    res = k(*xs, sd3d, zrows, zdeg)
    return list(res[:nx]), res[nx]


def _fused_mlp(axpL, axpR, degp, W1, b1, W2):
    BLK = 512
    grid = (RPAD // BLK,)
    degp3 = degp.reshape(NC, RPAD, 1)
    b1r = b1.reshape(1, F_HID)
    W1a, W1b = W1[:NCOL2], W1[NCOL2:]

    def body(aL_ref, aR_ref, d_ref, w1a_ref, w1b_ref, b1_ref, w2_ref, o_ref):
        aL = aL_ref[0] + aL_ref[1]
        aR = aR_ref[0] + aR_ref[1]
        deg = d_ref[0] + d_ref[1]
        h = (jnp.dot(aL, w1a_ref[...], preferred_element_type=jnp.float32)
             + jnp.dot(aR, w1b_ref[...], preferred_element_type=jnp.float32))
        h = jnp.maximum(h + deg * b1_ref[...], 0.0)
        o_ref[...] = jnp.dot(h, w2_ref[...], preferred_element_type=jnp.float32)

    return pl.pallas_call(
        body,
        grid=grid,
        in_specs=[
            pl.BlockSpec((NC, BLK, NCOL2), lambda i: (0, i, 0)),
            pl.BlockSpec((NC, BLK, NCOL2), lambda i: (0, i, 0)),
            pl.BlockSpec((NC, BLK, 1), lambda i: (0, i, 0)),
            pl.BlockSpec((NCOL2, F_HID), lambda i: (0, 0)),
            pl.BlockSpec((NCOL2, F_HID), lambda i: (0, 0)),
            pl.BlockSpec((1, F_HID), lambda i: (0, 0)),
            pl.BlockSpec((F_HID, F_OUT), lambda i: (0, 0)),
        ],
        out_specs=pl.BlockSpec((BLK, F_OUT), lambda i: (i, 0)),
        out_shape=jax.ShapeDtypeStruct((RPAD, F_OUT), jnp.float32),
    )(axpL, axpR, degp3, W1a, W1b, b1r, W2)


def _combine(outp, degp, b2):
    BLK = 1024
    grid = (RPAD // BLK,)
    degp3 = degp.reshape(NC, RPAD, 1)
    b2r = b2.reshape(1, F_OUT)

    def body(o_ref, d_ref, b2_ref, out_ref):
        deg = d_ref[0] + d_ref[1]
        out_ref[...] = o_ref[0] + o_ref[1] + deg * b2_ref[...]

    return pl.pallas_call(
        body,
        grid=grid,
        in_specs=[
            pl.BlockSpec((NC, BLK, F_OUT), lambda i: (0, i, 0)),
            pl.BlockSpec((NC, BLK, 1), lambda i: (0, i, 0)),
            pl.BlockSpec((1, F_OUT), lambda i: (0, 0)),
        ],
        out_specs=pl.BlockSpec((BLK, F_OUT), lambda i: (i, 0)),
        out_shape=jax.ShapeDtypeStruct((RPAD, F_OUT), jnp.float32),
    )(outp, degp3, b2r)


def kernel(x, edge_index, W1, b1, W2, b2):
    n_edges = edge_index.shape[1]
    src = edge_index[0].astype(jnp.int32)
    dst = edge_index[1].astype(jnp.int32)

    gran = NW * CHUNK * 8
    epad = -(-n_edges // gran) * gran
    src2d = jnp.concatenate(
        [src, jnp.zeros((epad - n_edges,), jnp.int32)]).reshape(-1, 1, CHUNK)
    dst2d = jnp.concatenate(
        [dst, jnp.full((epad - n_edges,), N_NODES, jnp.int32)]).reshape(-1, 1, CHUNK)
    sd3d = jnp.concatenate([src2d, dst2d], axis=1)

    zrows = jnp.zeros((RPAD, F_OUT), jnp.float32)
    zdeg = jnp.zeros((RPAD,), jnp.float32)

    XR = 10112
    xpad = jnp.zeros((XR - N_NODES, NCOL2), jnp.float32)
    xL = jnp.concatenate([x[:, :NCOL2], xpad])
    xR = jnp.concatenate([x[:, NCOL2:], xpad])

    (axpL, axpR), degp = _spmm_parts([xL, xR], sd3d, zrows, zdeg, with_deg=True)
    s2 = _fused_mlp(axpL, axpR, degp, W1, b1, W2)
    (outp,), _ = _spmm_parts([s2], sd3d, zrows, zdeg, with_deg=False)
    out = _combine(outp, degp, b2)
    return out[:N_NODES]

# --- scband reference (transcript-rebuilt; emitter-appended) ---
"""Pipeline reference for scband-gcn-10866267259416 (READ-ONLY COPY).

The authoritative reference and input builder live on the scoring server;
editing this copy changes nothing except your own understanding.
"""

import jax, jax.numpy as jnp
import numpy as np

N_NODES = 10000
N_EDGES = 320000
F_IN = 128
F_HID = 256
F_OUT = 64


def setup_inputs(seed: int = 0) -> dict:
    key = jax.random.key(seed)
    k1, k2, k3, k4, k5, k6 = jax.random.split(key, 6)
    x = jax.random.normal(k1, (N_NODES, F_IN), dtype=jnp.float32)
    edge_index = jax.random.randint(k2, (2, N_EDGES), 0, N_NODES, dtype=jnp.int64)
    # GraphConv layer 1 params (Glorot-ish scaling)
    W1 = jax.random.normal(k3, (F_IN, F_HID), dtype=jnp.float32) / np.sqrt(F_IN)
    b1 = jnp.zeros((F_HID,), dtype=jnp.float32)
    # GraphConv layer 2 params
    W2 = jax.random.normal(k4, (F_HID, F_OUT), dtype=jnp.float32) / np.sqrt(F_HID)
    b2 = jnp.zeros((F_OUT,), dtype=jnp.float32)
    return {"x": x, "edge_index": edge_index, "W1": W1, "b1": b1, "W2": W2, "b2": b2}


def reference(x, edge_index, W1, b1, W2, b2):
    # GCN forward (eval mode: dropout is identity):
    #   h = relu(adj @ (x @ W1 + b1))
    #   out = adj @ (h @ W2 + b2)
    # adj @ v is realized as a gather (v[src]) + scatter-add (segment_sum by dst).
    src = edge_index[0]
    dst = edge_index[1]

    def spmm(h):
        return jax.ops.segment_sum(h[src], dst, num_segments=N_NODES)

    support1 = x @ W1 + b1
    h = jax.nn.relu(spmm(support1))
    # F.dropout(..., training=self.training) -> identity in eval mode
    support2 = h @ W2 + b2
    out = spmm(support2)
    return out

if __name__ == "__main__":
    import jax
    _d = setup_inputs()
    print(jax.jit(kernel)(*tuple(_d.values())))

</pallas_src>

<mosaic_0001>
#map = affine_map<(d0, d1) -> (0, 0)>
#map1 = affine_map<(d0, d1) -> (0, 0, 0)>
#map2 = affine_map<(d0, d1) -> (0)>
module attributes {stable_mosaic.version = 14 : i64} {
  func.func @k(%arg0: i32, %arg1: i32, %arg2: memref<10112x64xf32, #tpu.memory_space<hbm>>, %arg3: memref<10112x64xf32, #tpu.memory_space<hbm>>, %arg4: memref<2560x2x128xi32, #tpu.memory_space<hbm>>, %arg5: memref<10240x64xf32, #tpu.memory_space<hbm>>, %arg6: memref<10240xf32, #tpu.memory_space<hbm>>, %arg7: memref<2x10240x64xf32, #tpu.memory_space<hbm>>, %arg8: memref<2x10240x64xf32, #tpu.memory_space<hbm>>, %arg9: memref<2x10240xf32, #tpu.memory_space<hbm>>, %arg10: memref<8x2x128xi32, #tpu.memory_space<vmem>>, %arg11: memref<512x64xf32, #tpu.memory_space<vmem>>, %arg12: memref<128xf32, #tpu.memory_space<vmem>>, %arg13: memref<10240x64xf32, #tpu.memory_space<vmem_shared>>, %arg14: memref<10240xf32, #tpu.memory_space<vmem_shared>>, %arg15: memref<10112x64xf32, #tpu.memory_space<vmem_shared>>, %arg16: memref<!tpu.dma_semaphore, #tpu.memory_space<semaphore_mem>>, %arg17: memref<!tpu.dma_semaphore, #tpu.memory_space<semaphore_mem>>, %arg18: memref<!tpu.dma_semaphore, #tpu.memory_space<semaphore_mem>>) attributes {dimension_semantics = [#tpu.dimension_semantics<core_parallel>, #tpu.dimension_semantics<subcore_parallel>], iteration_bounds = array<i64: 2, 16>, scalar_prefetch = 0 : i64, scratch_operands = 9 : i64, tpu.core_type = #tpu.core_type<sc_vector_subcore>, window_params = [{transform_indices = #map}, {transform_indices = #map}, {transform_indices = #map1}, {transform_indices = #map}, {transform_indices = #map2}, {transform_indices = #map1}, {transform_indices = #map1}, {transform_indices = #map}]} {
    %mul3A = arith.constant 640 : i32
    %mul3A_0 = arith.muli %arg1, %mul3A : i32
    %eq3A = arith.constant 0 : i32
    %eq3A_1 = arith.cmpi eq, %arg0, %eq3A : i32
    %jit3A = arith.constant 80 : i32
    %jit3A_2 = arith.constant 80 : i32
    %select_n3A = arith.select %eq3A_1, %jit3A, %jit3A_2 : i32
    %eq3A_3 = arith.constant 0 : i32
    %eq3A_4 = arith.cmpi eq, %arg0, %eq3A_3 : i32
    %mul3A_5 = arith.constant 80 : i32
    %mul3A_6 = arith.muli %arg1, %mul3A_5 : i32
    %mul3A_7 = arith.constant 80 : i32
    %mul3A_8 = arith.muli %arg1, %mul3A_7 : i32
    %add3A = arith.constant 1280 : i32
    %add3A_9 = arith.addi %add3A, %mul3A_8 : i32
    %select_n3A_10 = arith.select %eq3A_4, %mul3A_6, %add3A_9 : i32
    "tpu.region"() ({
      %run_scoped3A = tpu.sem_alloc : memref<!tpu.dma_semaphore, #tpu.memory_space<semaphore_mem>>
      %dma_start3A_600 = tpu.memref_slice %arg14[%mul3A_0] : memref<10240xf32, #tpu.memory_space<vmem_shared>> -> memref<640xf32, #tpu.memory_space<vmem_shared>>
      %dma_start3A_601 = tpu.memref_slice %arg6[%mul3A_0] : memref<10240xf32, #tpu.memory_space<hbm>> -> memref<640xf32, #tpu.memory_space<hbm>>
      tpu.enqueue_dma source(%dma_start3A_601 : memref<640xf32, #tpu.memory_space<hbm>>) target(%dma_start3A_600 : memref<640xf32, #tpu.memory_space<vmem_shared>>) target_semaphore(%run_scoped3A : memref<!tpu.dma_semaphore, #tpu.memory_space<semaphore_mem>>)
      %dma_wait3A_602 = tpu.memref_slice %arg14[%mul3A_0] : memref<10240xf32, #tpu.memory_space<vmem_shared>> -> memref<640xf32, #tpu.memory_space<vmem_shared>>
      %dma_wait3A_603 = tpu.memref_slice %arg6[%mul3A_0] : memref<10240xf32, #tpu.memory_space<hbm>> -> memref<640xf32, #tpu.memory_space<hbm>>
      tpu.wait_dma2 semaphore(%run_scoped3A : memref<!tpu.dma_semaphore, #tpu.memory_space<semaphore_mem>>) src(%dma_wait3A_603 : memref<640xf32, #tpu.memory_space<hbm>>) dst(%dma_wait3A_602 : memref<640xf32, #tpu.memory_space<vmem_shared>>)
      tpu.yield
    }) : () -> ()
    %broadcast_in_dim3A = arith.constant 1.000000e+00 : f32
    %broadcast_in_dim3A_11 = vector.broadcast %broadcast_in_dim3A : f32 to vector<16xf32>
    %swap3A = arith.constant 0 : index
    %swap3A_12 = tpu.vector_load %arg12[%swap3A] {strides = array<i32>} : memref<128xf32, #tpu.memory_space<vmem>>, vector<16xf32>,
    %swap3A_13 = vector.shape_cast %swap3A_12 : vector<16xf32> to vector<16xf32>
    %swap3A_14 = vector.shape_cast %broadcast_in_dim3A_11 : vector<16xf32> to vector<16xf32>
    tpu.vector_store %arg12[%swap3A], %swap3A_14 {strides = array<i32>} : memref<128xf32, #tpu.memory_space<vmem>>, vector<16xf32>,
    %broadcast_in_dim3A_15 = arith.constant 1.000000e+00 : f32
    %broadcast_in_dim3A_16 = vector.broadcast %broadcast_in_dim3A_15 : f32 to vector<16xf32>
    %swap3A_17 = arith.constant 16 : index
    %swap3A_18 = tpu.vector_load %arg12[%swap3A_17] {strides = array<i32>} : memref<128xf32, #tpu.memory_space<vmem>>, vector<16xf32>,
    %swap3A_19 = vector.shape_cast %swap3A_18 : vector<16xf32> to vector<16xf32>
    %swap3A_20 = vector.shape_cast %broadcast_in_dim3A_16 : vector<16xf32> to vector<16xf32>
    tpu.vector_store %arg12[%swap3A_17], %swap3A_20 {strides = array<i32>} : memref<128xf32, #tpu.memory_space<vmem>>, vector<16xf32>,
    %broadcast_in_dim3A_21 = arith.constant 1.000000e+00 : f32
    %broadcast_in_dim3A_22 = vector.broadcast %broadcast_in_dim3A_21 : f32 to vector<16xf32>
    %swap3A_23 = arith.constant 32 : index
    %swap3A_24 = tpu.vector_load %arg12[%swap3A_23] {strides = array<i32>} : memref<128xf32, #tpu.memory_space<vmem>>, vector<16xf32>,
    %swap3A_25 = vector.shape_cast %swap3A_24 : vector<16xf32> to vector<16xf32>
    %swap3A_26 = vector.shape_cast %broadcast_in_dim3A_22 : vector<16xf32> to vector<16xf32>
    tpu.vector_store %arg12[%swap3A_23], %swap3A_26 {strides = array<i32>} : memref<128xf32, #tpu.memory_space<vmem>>, vector<16xf32>,
    %broadcast_in_dim3A_27 = arith.constant 1.000000e+00 : f32
    %broadcast_in_dim3A_28 = vector.broadcast %broadcast_in_dim3A_27 : f32 to vector<16xf32>
    %swap3A_29 = arith.constant 48 : index
    %swap3A_30 = tpu.vector_load %arg12[%swap3A_29] {strides = array<i32>} : memref<128xf32, #tpu.memory_space<vmem>>, vector<16xf32>,
    %swap3A_31 = vector.shape_cast %swap3A_30 : vector<16xf32> to vector<16xf32>
    %swap3A_32 = vector.shape_cast %broadcast_in_dim3A_28 : vector<16xf32> to vector<16xf32>
    tpu.vector_store %arg12[%swap3A_29], %swap3A_32 {strides = array<i32>} : memref<128xf32, #tpu.memory_space<vmem>>, vector<16xf32>,
    %broadcast_in_dim3A_33 = arith.constant 1.000000e+00 : f32
    %broadcast_in_dim3A_34 = vector.broadcast %broadcast_in_dim3A_33 : f32 to vector<16xf32>
    %swap3A_35 = arith.constant 64 : index
    %swap3A_36 = tpu.vector_load %arg12[%swap3A_35] {strides = array<i32>} : memref<128xf32, #tpu.memory_space<vmem>>, vector<16xf32>,
    %swap3A_37 = vector.shape_cast %swap3A_36 : vector<16xf32> to vector<16xf32>
    %swap3A_38 = vector.shape_cast %broadcast_in_dim3A_34 : vector<16xf32> to vector<16xf32>
    tpu.vector_store %arg12[%swap3A_35], %swap3A_38 {strides = array<i32>} : memref<128xf32, #tpu.memory_space<vmem>>, vector<16xf32>,
    %broadcast_in_dim3A_39 = arith.constant 1.000000e+00 : f32
    %broadcast_in_dim3A_40 = vector.broadcast %broadcast_in_dim3A_39 : f32 to vector<16xf32>
    %swap3A_41 = arith.constant 80 : index
    %swap3A_42 = tpu.vector_load %arg12[%swap3A_41] {strides = array<i32>} : memref<128xf32, #tpu.memory_space<vmem>>, vector<16xf32>,
    %swap3A_43 = vector.shape_cast %swap3A_42 : vector<16xf32> to vector<16xf32>
    %swap3A_44 = vector.shape_cast %broadcast_in_dim3A_40 : vector<16xf32> to vector<16xf32>
    tpu.vector_store %arg12[%swap3A_41], %swap3A_44 {strides = array<i32>} : memref<128xf32, #tpu.memory_space<vmem>>, vector<16xf32>,
    %broadcast_in_dim3A_45 = arith.constant 1.000000e+00 : f32
    %broadcast_in_dim3A_46 = vector.broadcast %broadcast_in_dim3A_45 : f32 to vector<16xf32>
    %swap3A_47 = arith.constant 96 : index
    %swap3A_48 = tpu.vector_load %arg12[%swap3A_47] {strides = array<i32>} : memref<128xf32, #tpu.memory_space<vmem>>, vector<16xf32>,
    %swap3A_49 = vector.shape_cast %swap3A_48 : vector<16xf32> to vector<16xf32>
    %swap3A_50 = vector.shape_cast %broadcast_in_dim3A_46 : vector<16xf32> to vector<16xf32>
    tpu.vector_store %arg12[%swap3A_47], %swap3A_50 {strides = array<i32>} : memref<128xf32, #tpu.memory_space<vmem>>, vector<16xf32>,
    %broadcast_in_dim3A_51 = arith.constant 1.000000e+00 : f32
    %broadcast_in_dim3A_52 = vector.broadcast %broadcast_in_dim3A_51 : f32 to vector<16xf32>
    %swap3A_53 = arith.constant 112 : index
    %swap3A_54 = tpu.vector_load %arg12[%swap3A_53] {strides = array<i32>} : memref<128xf32, #tpu.memory_space<vmem>>, vector<16xf32>,
    %swap3A_55 = vector.shape_cast %swap3A_54 : vector<16xf32> to vector<16xf32>
    %swap3A_56 = vector.shape_cast %broadcast_in_dim3A_52 : vector<16xf32> to vector<16xf32>
    tpu.vector_store %arg12[%swap3A_53], %swap3A_56 {strides = array<i32>} : memref<128xf32, #tpu.memory_space<vmem>>, vector<16xf32>,
    %mul3A_57 = arith.constant 632 : i32
    %mul3A_58 = arith.muli %arg1, %mul3A_57 : i32
    %mul3A_59 = arith.constant 632 : i32
    %mul3A_60 = arith.muli %arg1, %mul3A_59 : i32
    "tpu.region"() ({
      %run_scoped3A = tpu.sem_alloc : memref<!tpu.dma_semaphore, #tpu.memory_space<semaphore_mem>>
      %dma_start3A_600 = arith.constant 0 : i32
      %dma_start3A_601 = tpu.memref_slice %arg15[%mul3A_60, %dma_start3A_600] : memref<10112x64xf32, #tpu.memory_space<vmem_shared>> -> memref<632x64xf32, #tpu.memory_space<vmem_shared>>
      %dma_start3A_602 = arith.constant 0 : i32
      %dma_start3A_603 = tpu.memref_slice %arg2[%mul3A_58, %dma_start3A_602] : memref<10112x64xf32, #tpu.memory_space<hbm>> -> memref<632x64xf32, #tpu.memory_space<hbm>>
      tpu.enqueue_dma source(%dma_start3A_603 : memref<632x64xf32, #tpu.memory_space<hbm>>) target(%dma_start3A_601 : memref<632x64xf32, #tpu.memory_space<vmem_shared>>) target_semaphore(%run_scoped3A : memref<!tpu.dma_semaphore, #tpu.memory_space<semaphore_mem>>)
      %dma_wait3A_604 = arith.constant 0 : i32
      %dma_wait3A_605 = tpu.memref_slice %arg15[%mul3A_60, %dma_wait3A_604] : memref<10112x64xf32, #tpu.memory_space<vmem_shared>> -> memref<632x64xf32, #tpu.memory_space<vmem_shared>>
      %dma_wait3A_606 = arith.constant 0 : i32
      %dma_wait3A_607 = tpu.memref_slice %arg2[%mul3A_58, %dma_wait3A_606] : memref<10112x64xf32, #tpu.memory_space<hbm>> -> memref<632x64xf32, #tpu.memory_space<hbm>>
      tpu.wait_dma2 semaphore(%run_scoped3A : memref<!tpu.dma_semaphore, #tpu.memory_space<semaphore_mem>>) src(%dma_wait3A_607 : memref<632x64xf32, #tpu.memory_space<hbm>>) dst(%dma_wait3A_605 : memref<632x64xf32, #tpu.memory_space<vmem_shared>>)
      tpu.yield
    }) : () -> ()
    "tpu.region"() ({
      %run_scoped3A = tpu.sem_alloc : memref<!tpu.dma_semaphore, #tpu.memory_space<semaphore_mem>>
      %dma_start3A_600 = arith.constant 0 : i32
      %dma_start3A_601 = tpu.memref_slice %arg13[%mul3A_0, %dma_start3A_600] : memref<10240x64xf32, #tpu.memory_space<vmem_shared>> -> memref<640x64xf32, #tpu.memory_space<vmem_shared>>
      %dma_start3A_602 = arith.constant 0 : i32
      %dma_start3A_603 = tpu.memref_slice %arg5[%mul3A_0, %dma_start3A_602] : memref<10240x64xf32, #tpu.memory_space<hbm>> -> memref<640x64xf32, #tpu.memory_space<hbm>>
      tpu.enqueue_dma source(%dma_start3A_603 : memref<640x64xf32, #tpu.memory_space<hbm>>) target(%dma_start3A_601 : memref<640x64xf32, #tpu.memory_space<vmem_shared>>) target_semaphore(%run_scoped3A : memref<!tpu.dma_semaphore, #tpu.memory_space<semaphore_mem>>)
      %dma_wait3A_604 = arith.constant 0 : i32
      %dma_wait3A_605 = tpu.memref_slice %arg13[%mul3A_0, %dma_wait3A_604] : memref<10240x64xf32, #tpu.memory_space<vmem_shared>> -> memref<640x64xf32, #tpu.memory_space<vmem_shared>>
      %dma_wait3A_606 = arith.constant 0 : i32
      %dma_wait3A_607 = tpu.memref_slice %arg5[%mul3A_0, %dma_wait3A_606] : memref<10240x64xf32, #tpu.memory_space<hbm>> -> memref<640x64xf32, #tpu.memory_space<hbm>>
      tpu.wait_dma2 semaphore(%run_scoped3A : memref<!tpu.dma_semaphore, #tpu.memory_space<semaphore_mem>>) src(%dma_wait3A_607 : memref<640x64xf32, #tpu.memory_space<hbm>>) dst(%dma_wait3A_605 : memref<640x64xf32, #tpu.memory_space<vmem_shared>>)
      tpu.yield
    }) : () -> ()
    %barrier3A = arith.constant 0 : index
    tpu.barrier barrier_id(%barrier3A)
    %add3A_61 = arith.constant 0 : i32
    %add3A_62 = arith.addi %select_n3A_10, %add3A_61 : i32
    %dma_start3A = arith.constant 0 : i32
    %dma_start3A_63 = arith.constant 0 : i32
    %dma_start3A_64 = arith.constant 0 : i32
    %dma_start3A_65 = tpu.memref_slice %arg10[%dma_start3A, %dma_start3A_63, %dma_start3A_64] : memref<8x2x128xi32, #tpu.memory_space<vmem>> -> memref<1x2x128xi32, #tpu.memory_space<vmem>>
    %dma_start3A_66 = tpu.memref_squeeze %dma_start3A_65 : memref<1x2x128xi32, #tpu.memory_space<vmem>> -> memref<2x128xi32, #tpu.memory_space<vmem>>
    %dma_start3A_67 = arith.constant 0 : i32
    %dma_start3A_68 = arith.constant 0 : i32
    %dma_start3A_69 = tpu.memref_slice %arg4[%add3A_62, %dma_start3A_67, %dma_start3A_68] : memref<2560x2x128xi32, #tpu.memory_space<hbm>> -> memref<1x2x128xi32, #tpu.memory_space<hbm>>
    %dma_start3A_70 = tpu.memref_squeeze %dma_start3A_69 : memref<1x2x128xi32, #tpu.memory_space<hbm>> -> memref<2x128xi32, #tpu.memory_space<hbm>>
    %dma_start3A_71 = arith.constant 0 : i32
    %dma_start3A_72 = arith.constant 0 : i32
    %dma_start3A_73 = tpu.memref_slice %arg10[%dma_start3A, %dma_start3A_71, %dma_start3A_72] : memref<8x2x128xi32, #tpu.memory_space<vmem>> -> memref<1x2x128xi32, #tpu.memory_space<vmem>>
    %dma_start3A_74 = tpu.memref_squeeze %dma_start3A_73 : memref<1x2x128xi32, #tpu.memory_space<vmem>> -> memref<2x128xi32, #tpu.memory_space<vmem>>
    %dma_start3A_75 = arith.constant 0 : i32
    %dma_start3A_76 = arith.constant 0 : i32
    %dma_start3A_77 = tpu.memref_slice %arg4[%add3A_62, %dma_start3A_75, %dma_start3A_76] : memref<2560x2x128xi32, #tpu.memory_space<hbm>> -> memref<1x2x128xi32, #tpu.memory_space<hbm>>
    %dma_start3A_78 = tpu.memref_squeeze %dma_start3A_77 : memref<1x2x128xi32, #tpu.memory_space<hbm>> -> memref<2x128xi32, #tpu.memory_space<hbm>>
    tpu.enqueue_dma source(%dma_start3A_78 : memref<2x128xi32, #tpu.memory_space<hbm>>) target(%dma_start3A_74 : memref<2x128xi32, #tpu.memory_space<vmem>>) target_semaphore(%arg17 : memref<!tpu.dma_semaphore, #tpu.memory_space<semaphore_mem>>)
    %add3A_79 = arith.constant 1 : i32
    %add3A_80 = arith.addi %select_n3A_10, %add3A_79 : i32
    %dma_start3A_81 = arith.constant 1 : i32
    %dma_start3A_82 = arith.constant 0 : i32
    %dma_start3A_83 = arith.constant 0 : i32
    %dma_start3A_84 = tpu.memref_slice %arg10[%dma_start3A_81, %dma_start3A_82, %dma_start3A_83] : memref<8x2x128xi32, #tpu.memory_space<vmem>> -> memref<1x2x128xi32, #tpu.memory_space<vmem>>
    %dma_start3A_85 = tpu.memref_squeeze %dma_start3A_84 : memref<1x2x128xi32, #tpu.memory_space<vmem>> -> memref<2x128xi32, #tpu.memory_space<vmem>>
    %dma_start3A_86 = arith.constant 0 : i32
    %dma_start3A_87 = arith.constant 0 : i32
    %dma_start3A_88 = tpu.memref_slice %arg4[%add3A_80, %dma_start3A_86, %dma_start3A_87] : memref<2560x2x128xi32, #tpu.memory_space<hbm>> -> memref<1x2x128xi32, #tpu.memory_space<hbm>>
    %dma_start3A_89 = tpu.memref_squeeze %dma_start3A_88 : memref<1x2x128xi32, #tpu.memory_space<hbm>> -> memref<2x128xi32, #tpu.memory_space<hbm>>
    %dma_start3A_90 = arith.constant 0 : i32
    %dma_start3A_91 = arith.constant 0 : i32
    %dma_start3A_92 = tpu.memref_slice %arg10[%dma_start3A_81, %dma_start3A_90, %dma_start3A_91] : memref<8x2x128xi32, #tpu.memory_space<vmem>> -> memref<1x2x128xi32, #tpu.memory_space<vmem>>
    %dma_start3A_93 = tpu.memref_squeeze %dma_start3A_92 : memref<1x2x128xi32, #tpu.memory_space<vmem>> -> memref<2x128xi32, #tpu.memory_space<vmem>>
    %dma_start3A_94 = arith.constant 0 : i32
    %dma_start3A_95 = arith.constant 0 : i32
    %dma_start3A_96 = tpu.memref_slice %arg4[%add3A_80, %dma_start3A_94, %dma_start3A_95] : memref<2560x2x128xi32, #tpu.memory_space<hbm>> -> memref<1x2x128xi32, #tpu.memory_space<hbm>>
    %dma_start3A_97 = tpu.memref_squeeze %dma_start3A_96 : memref<1x2x128xi32, #tpu.memory_space<hbm>> -> memref<2x128xi32, #tpu.memory_space<hbm>>
    tpu.enqueue_dma source(%dma_start3A_97 : memref<2x128xi32, #tpu.memory_space<hbm>>) target(%dma_start3A_93 : memref<2x128xi32, #tpu.memory_space<vmem>>) target_semaphore(%arg17 : memref<!tpu.dma_semaphore, #tpu.memory_space<semaphore_mem>>)
    %add3A_98 = arith.constant 2 : i32
    %add3A_99 = arith.addi %select_n3A_10, %add3A_98 : i32
    %dma_start3A_100 = arith.constant 2 : i32
    %dma_start3A_101 = arith.constant 0 : i32
    %dma_start3A_102 = arith.constant 0 : i32
    %dma_start3A_103 = tpu.memref_slice %arg10[%dma_start3A_100, %dma_start3A_101, %dma_start3A_102] : memref<8x2x128xi32, #tpu.memory_space<vmem>> -> memref<1x2x128xi32, #tpu.memory_space<vmem>>
    %dma_start3A_104 = tpu.memref_squeeze %dma_start3A_103 : memref<1x2x128xi32, #tpu.memory_space<vmem>> -> memref<2x128xi32, #tpu.memory_space<vmem>>
    %dma_start3A_105 = arith.constant 0 : i32
    %dma_start3A_106 = arith.constant 0 : i32
    %dma_start3A_107 = tpu.memref_slice %arg4[%add3A_99, %dma_start3A_105, %dma_start3A_106] : memref<2560x2x128xi32, #tpu.memory_space<hbm>> -> memref<1x2x128xi32, #tpu.memory_space<hbm>>
    %dma_start3A_108 = tpu.memref_squeeze %dma_start3A_107 : memref<1x2x128xi32, #tpu.memory_space<hbm>> -> memref<2x128xi32, #tpu.memory_space<hbm>>
    %dma_start3A_109 = arith.constant 0 : i32
    %dma_start3A_110 = arith.constant 0 : i32
    %dma_start3A_111 = tpu.memref_slice %arg10[%dma_start3A_100, %dma_start3A_109, %dma_start3A_110] : memref<8x2x128xi32, #tpu.memory_space<vmem>> -> memref<1x2x128xi32, #tpu.memory_space<vmem>>
    %dma_start3A_112 = tpu.memref_squeeze %dma_start3A_111 : memref<1x2x128xi32, #tpu.memory_space<vmem>> -> memref<2x128xi32, #tpu.memory_space<vmem>>
    %dma_start3A_113 = arith.constant 0 : i32
    %dma_start3A_114 = arith.constant 0 : i32
    %dma_start3A_115 = tpu.memref_slice %arg4[%add3A_99, %dma_start3A_113, %dma_start3A_114] : memref<2560x2x128xi32, #tpu.memory_space<hbm>> -> memref<1x2x128xi32, #tpu.memory_space<hbm>>
    %dma_start3A_116 = tpu.memref_squeeze %dma_start3A_115 : memref<1x2x128xi32, #tpu.memory_space<hbm>> -> memref<2x128xi32, #tpu.memory_space<hbm>>
    tpu.enqueue_dma source(%dma_start3A_116 : memref<2x128xi32, #tpu.memory_space<hbm>>) target(%dma_start3A_112 : memref<2x128xi32, #tpu.memory_space<vmem>>) target_semaphore(%arg17 : memref<!tpu.dma_semaphore, #tpu.memory_space<semaphore_mem>>)
    %add3A_117 = arith.constant 0 : i32
    %add3A_118 = arith.addi %select_n3A_10, %add3A_117 : i32
    %dma_wait3A = arith.constant 0 : i32
    %dma_wait3A_119 = arith.constant 0 : i32
    %dma_wait3A_120 = arith.constant 0 : i32
    %dma_wait3A_121 = tpu.memref_slice %arg10[%dma_wait3A, %dma_wait3A_119, %dma_wait3A_120] : memref<8x2x128xi32, #tpu.memory_space<vmem>> -> memref<1x2x128xi32, #tpu.memory_space<vmem>>
    %dma_wait3A_122 = tpu.memref_squeeze %dma_wait3A_121 : memref<1x2x128xi32, #tpu.memory_space<vmem>> -> memref<2x128xi32, #tpu.memory_space<vmem>>
    %dma_wait3A_123 = arith.constant 0 : i32
    %dma_wait3A_124 = arith.constant 0 : i32
    %dma_wait3A_125 = tpu.memref_slice %arg4[%add3A_118, %dma_wait3A_123, %dma_wait3A_124] : memref<2560x2x128xi32, #tpu.memory_space<hbm>> -> memref<1x2x128xi32, #tpu.memory_space<hbm>>
    %dma_wait3A_126 = tpu.memref_squeeze %dma_wait3A_125 : memref<1x2x128xi32, #tpu.memory_space<hbm>> -> memref<2x128xi32, #tpu.memory_space<hbm>>
    %dma_wait3A_127 = arith.constant 0 : i32
    %dma_wait3A_128 = arith.constant 0 : i32
    %dma_wait3A_129 = tpu.memref_slice %arg10[%dma_wait3A, %dma_wait3A_127, %dma_wait3A_128] : memref<8x2x128xi32, #tpu.memory_space<vmem>> -> memref<1x2x128xi32, #tpu.memory_space<vmem>>
    %dma_wait3A_130 = tpu.memref_squeeze %dma_wait3A_129 : memref<1x2x128xi32, #tpu.memory_space<vmem>> -> memref<2x128xi32, #tpu.memory_space<vmem>>
    %dma_wait3A_131 = arith.constant 0 : i32
    %dma_wait3A_132 = arith.constant 0 : i32
    %dma_wait3A_133 = tpu.memref_slice %arg4[%add3A_118, %dma_wait3A_131, %dma_wait3A_132] : memref<2560x2x128xi32, #tpu.memory_space<hbm>> -> memref<1x2x128xi32, #tpu.memory_space<hbm>>
    %dma_wait3A_134 = tpu.memref_squeeze %dma_wait3A_133 : memref<1x2x128xi32, #tpu.memory_space<hbm>> -> memref<2x128xi32, #tpu.memory_space<hbm>>
    tpu.wait_dma2 semaphore(%arg17 : memref<!tpu.dma_semaphore, #tpu.memory_space<semaphore_mem>>) src(%dma_wait3A_134 : memref<2x128xi32, #tpu.memory_space<hbm>>) dst(%dma_wait3A_130 : memref<2x128xi32, #tpu.memory_space<vmem>>)
    %dma_start3A_135 = arith.constant 0 : i32
    %dma_start3A_136 = arith.constant 0 : i32
    %dma_start3A_137 = arith.constant 0 : i32
    %dma_start3A_138 = arith.constant 0 : i32
    %dma_start3A_139 = tpu.memref_slice %arg11[%dma_start3A_137, %dma_start3A_138] : memref<512x64xf32, #tpu.memory_space<vmem>> -> memref<128x64xf32, #tpu.memory_space<vmem>>
    %dma_start3A_140 = arith.constant 0 : i32
    %dma_start3A_141 = tpu.memref_slice %arg10[%dma_start3A_135, %dma_start3A_136, %dma_start3A_140] : memref<8x2x128xi32, #tpu.memory_space<vmem>> -> memref<1x1x128xi32, #tpu.memory_space<vmem>>
    %dma_start3A_142 = tpu.memref_squeeze %dma_start3A_141 : memref<1x1x128xi32, #tpu.memory_space<vmem>> -> memref<128xi32, #tpu.memory_space<vmem>>
    %dma_start3A_143 = arith.constant 0 : i32
    %dma_start3A_144 = arith.constant 0 : i32
    %dma_start3A_145 = tpu.memref_slice %arg15[%dma_start3A_143, %dma_start3A_144] : memref<10112x64xf32, #tpu.memory_space<vmem_shared>> -> memref<10112x64xf32, #tpu.memory_space<vmem_shared>>
    tpu.enqueue_indirect_dma source(%dma_start3A_145 : memref<10112x64xf32, #tpu.memory_space<vmem_shared>>) target(%dma_start3A_139 : memref<128x64xf32, #tpu.memory_space<vmem>>) offsets(%dma_start3A_142 : memref<128xi32, #tpu.memory_space<vmem>>) semaphore(%arg16 : memref<!tpu.dma_semaphore, #tpu.memory_space<semaphore_mem>>)
    %add3A_146 = arith.constant 1 : i32
    %add3A_147 = arith.addi %select_n3A_10, %add3A_146 : i32
    %dma_wait3A_148 = arith.constant 1 : i32
    %dma_wait3A_149 = arith.constant 0 : i32
    %dma_wait3A_150 = arith.constant 0 : i32
    %dma_wait3A_151 = tpu.memref_slice %arg10[%dma_wait3A_148, %dma_wait3A_149, %dma_wait3A_150] : memref<8x2x128xi32, #tpu.memory_space<vmem>> -> memref<1x2x128xi32, #tpu.memory_space<vmem>>
    %dma_wait3A_152 = tpu.memref_squeeze %dma_wait3A_151 : memref<1x2x128xi32, #tpu.memory_space<vmem>> -> memref<2x128xi32, #tpu.memory_space<vmem>>
    %dma_wait3A_153 = arith.constant 0 : i32
    %dma_wait3A_154 = arith.constant 0 : i32
    %dma_wait3A_155 = tpu.memref_slice %arg4[%add3A_147, %dma_wait3A_153, %dma_wait3A_154] : memref<2560x2x128xi32, #tpu.memory_space<hbm>> -> memref<1x2x128xi32, #tpu.memory_space<hbm>>
    %dma_wait3A_156 = tpu.memref_squeeze %dma_wait3A_155 : memref<1x2x128xi32, #tpu.memory_space<hbm>> -> memref<2x128xi32, #tpu.memory_space<hbm>>
    %dma_wait3A_157 = arith.constant 0 : i32
    %dma_wait3A_158 = arith.constant 0 : i32
    %dma_wait3A_159 = tpu.memref_slice %arg10[%dma_wait3A_148, %dma_wait3A_157, %dma_wait3A_158] : memref<8x2x128xi32, #tpu.memory_space<vmem>> -> memref<1x2x128xi32, #tpu.memory_space<vmem>>
    %dma_wait3A_160 = tpu.memref_squeeze %dma_wait3A_159 : memref<1x2x128xi32, #tpu.memory_space<vmem>> -> memref<2x128xi32, #tpu.memory_space<vmem>>
    %dma_wait3A_161 = arith.constant 0 : i32
    %dma_wait3A_162 = arith.constant 0 : i32
    %dma_wait3A_163 = tpu.memref_slice %arg4[%add3A_147, %dma_wait3A_161, %dma_wait3A_162] : memref<2560x2x128xi32, #tpu.memory_space<hbm>> -> memref<1x2x128xi32, #tpu.memory_space<hbm>>
    %dma_wait3A_164 = tpu.memref_squeeze %dma_wait3A_163 : memref<1x2x128xi32, #tpu.memory_space<hbm>> -> memref<2x128xi32, #tpu.memory_space<hbm>>
    tpu.wait_dma2 semaphore(%arg17 : memref<!tpu.dma_semaphore, #tpu.memory_space<semaphore_mem>>) src(%dma_wait3A_164 : memref<2x128xi32, #tpu.memory_space<hbm>>) dst(%dma_wait3A_160 : memref<2x128xi32, #tpu.memory_space<vmem>>)
    %dma_start3A_165 = arith.constant 1 : i32
    %dma_start3A_166 = arith.constant 0 : i32
    %dma_start3A_167 = arith.constant 128 : i32
    %dma_start3A_168 = arith.constant 0 : i32
    %dma_start3A_169 = tpu.memref_slice %arg11[%dma_start3A_167, %dma_start3A_168] : memref<512x64xf32, #tpu.memory_space<vmem>> -> memref<128x64xf32, #tpu.memory_space<vmem>>
    %dma_start3A_170 = arith.constant 0 : i32
    %dma_start3A_171 = tpu.memref_slice %arg10[%dma_start3A_165, %dma_start3A_166, %dma_start3A_170] : memref<8x2x128xi32, #tpu.memory_space<vmem>> -> memref<1x1x128xi32, #tpu.memory_space<vmem>>
    %dma_start3A_172 = tpu.memref_squeeze %dma_start3A_171 : memref<1x1x128xi32, #tpu.memory_space<vmem>> -> memref<128xi32, #tpu.memory_space<vmem>>
    %dma_start3A_173 = arith.constant 0 : i32
    %dma_start3A_174 = arith.constant 0 : i32
    %dma_start3A_175 = tpu.memref_slice %arg15[%dma_start3A_173, %dma_start3A_174] : memref<10112x64xf32, #tpu.memory_space<vmem_shared>> -> memref<10112x64xf32, #tpu.memory_space<vmem_shared>>
    tpu.enqueue_indirect_dma source(%dma_start3A_175 : memref<10112x64xf32, #tpu.memory_space<vmem_shared>>) target(%dma_start3A_169 : memref<128x64xf32, #tpu.memory_space<vmem>>) offsets(%dma_start3A_172 : memref<128xi32, #tpu.memory_space<vmem>>) semaphore(%arg16 : memref<!tpu.dma_semaphore, #tpu.memory_space<semaphore_mem>>)
    %while3A = arith.constant 0 : i32
    %while3A_176 = arith.constant 0 : i32
    %while3A_177 = arith.subi %select_n3A, %while3A : i32
    %while3A_178 = arith.addi %while3A, %while3A_177 : i32
    %while3A_179 = arith.constant 1 : i32
    %while3A_180 = arith.divsi %while3A_177, %while3A_179 : i32
    %while3A_181 = arith.muli %while3A_180, %while3A_179 : i32
    %while3A_182 = arith.addi %while3A, %while3A_181 : i32
    %while3A_183 = arith.constant 1 : i32
    %while3A_184 = scf.for %while3A_600 = %while3A to %while3A_182 step %while3A_183 iter_args(%while3A_601 = %while3A_176) -> (i32)  : i32 {
      %add3A_602 = arith.constant 3 : i32
      %add3A_603 = arith.addi %while3A_600, %add3A_602 : i32
      %lt3A_604 = arith.cmpi slt, %add3A_603, %select_n3A : i32
      %convert_element_type3A = arith.extui %lt3A_604 : i1 to i32
      %cond3A = arith.constant 0 : i32
      %cond3A_605 = arith.cmpi ne, %convert_element_type3A, %cond3A : i32
      scf.if %cond3A_605 {
        %add3A_719 = arith.constant 3 : i32
        %add3A_720 = arith.addi %while3A_600, %add3A_719 : i32
        %add3A_721 = arith.addi %select_n3A_10, %add3A_720 : i32
        %jit3A_722 = arith.constant 8 : i32
        %eq3A_723 = arith.constant 0 : i32
        %eq3A_724 = arith.cmpi eq, %jit3A_722, %eq3A_723 : i32
        %jit3A_725 = arith.constant 1 : i32
        %select_n3A_726 = arith.select %eq3A_724, %jit3A_725, %jit3A_722 : i32
        %rem3A_727 = arith.remsi %add3A_720, %select_n3A_726 : i32
        %ne3A_728 = arith.constant 0 : i32
        %ne3A_729 = arith.cmpi ne, %rem3A_727, %ne3A_728 : i32
        %lt3A_730 = arith.constant 0 : i32
        %lt3A_731 = arith.cmpi slt, %rem3A_727, %lt3A_730 : i32
        %lt3A_732 = arith.constant 0 : i32
        %lt3A_733 = arith.cmpi slt, %select_n3A_726, %lt3A_732 : i32
        %ne3A_734 = arith.xori %lt3A_731, %lt3A_733 : i1
        %and3A_735 = arith.andi %ne3A_734, %ne3A_729 : i1
        %add3A_736 = arith.addi %rem3A_727, %select_n3A_726 : i32
        %select_n3A_737 = arith.select %and3A_735, %add3A_736, %rem3A_727 : i32
        %dma_start3A_738 = arith.constant 0 : i32
        %dma_start3A_739 = arith.constant 0 : i32
        %dma_start3A_740 = tpu.memref_slice %arg10[%select_n3A_737, %dma_start3A_738, %dma_start3A_739] : memref<8x2x128xi32, #tpu.memory_space<vmem>> -> memref<1x2x128xi32, #tpu.memory_space<vmem>>
        %dma_start3A_741 = tpu.memref_squeeze %dma_start3A_740 : memref<1x2x128xi32, #tpu.memory_space<vmem>> -> memref<2x128xi32, #tpu.memory_space<vmem>>
        %dma_start3A_742 = arith.constant 0 : i32
        %dma_start3A_743 = arith.constant 0 : i32
        %dma_start3A_744 = tpu.memref_slice %arg4[%add3A_721, %dma_start3A_742, %dma_start3A_743] : memref<2560x2x128xi32, #tpu.memory_space<hbm>> -> memref<1x2x128xi32, #tpu.memory_space<hbm>>
        %dma_start3A_745 = tpu.memref_squeeze %dma_start3A_744 : memref<1x2x128xi32, #tpu.memory_space<hbm>> -> memref<2x128xi32, #tpu.memory_space<hbm>>
        %dma_start3A_746 = arith.constant 0 : i32
        %dma_start3A_747 = arith.constant 0 : i32
        %dma_start3A_748 = tpu.memref_slice %arg10[%select_n3A_737, %dma_start3A_746, %dma_start3A_747] : memref<8x2x128xi32, #tpu.memory_space<vmem>> -> memref<1x2x128xi32, #tpu.memory_space<vmem>>
        %dma_start3A_749 = tpu.memref_squeeze %dma_start3A_748 : memref<1x2x128xi32, #tpu.memory_space<vmem>> -> memref<2x128xi32, #tpu.memory_space<vmem>>
        %dma_start3A_750 = arith.constant 0 : i32
        %dma_start3A_751 = arith.constant 0 : i32
        %dma_start3A_752 = tpu.memref_slice %arg4[%add3A_721, %dma_start3A_750, %dma_start3A_751] : memref<2560x2x128xi32, #tpu.memory_space<hbm>> -> memref<1x2x128xi32, #tpu.memory_space<hbm>>
        %dma_start3A_753 = tpu.memref_squeeze %dma_start3A_752 : memref<1x2x128xi32, #tpu.memory_space<hbm>> -> memref<2x128xi32, #tpu.memory_space<hbm>>
        tpu.enqueue_dma source(%dma_start3A_753 : memref<2x128xi32, #tpu.memory_space<hbm>>) target(%dma_start3A_749 : memref<2x128xi32, #tpu.memory_space<vmem>>) target_semaphore(%arg17 : memref<!tpu.dma_semaphore, #tpu.memory_space<semaphore_mem>>)
      } else {
      }
      %add3A_606 = arith.constant 2 : i32
      %add3A_607 = arith.addi %while3A_600, %add3A_606 : i32
      %lt3A_608 = arith.cmpi slt, %add3A_607, %select_n3A : i32
      %convert_element_type3A_609 = arith.extui %lt3A_608 : i1 to i32
      %cond3A_610 = arith.constant 0 : i32
      %cond3A_611 = arith.cmpi ne, %convert_element_type3A_609, %cond3A_610 : i32
      scf.if %cond3A_611 {
        %add3A_719 = arith.constant 2 : i32
        %add3A_720 = arith.addi %while3A_600, %add3A_719 : i32
        %add3A_721 = arith.addi %select_n3A_10, %add3A_720 : i32
        %jit3A_722 = arith.constant 8 : i32
        %eq3A_723 = arith.constant 0 : i32
        %eq3A_724 = arith.cmpi eq, %jit3A_722, %eq3A_723 : i32
        %jit3A_725 = arith.constant 1 : i32
        %select_n3A_726 = arith.select %eq3A_724, %jit3A_725, %jit3A_722 : i32
        %rem3A_727 = arith.remsi %add3A_720, %select_n3A_726 : i32
        %ne3A_728 = arith.constant 0 : i32
        %ne3A_729 = arith.cmpi ne, %rem3A_727, %ne3A_728 : i32
        %lt3A_730 = arith.constant 0 : i32
        %lt3A_731 = arith.cmpi slt, %rem3A_727, %lt3A_730 : i32
        %lt3A_732 = arith.constant 0 : i32
        %lt3A_733 = arith.cmpi slt, %select_n3A_726, %lt3A_732 : i32
        %ne3A_734 = arith.xori %lt3A_731, %lt3A_733 : i1
        %and3A_735 = arith.andi %ne3A_734, %ne3A_729 : i1
        %add3A_736 = arith.addi %rem3A_727, %select_n3A_726 : i32
        %select_n3A_737 = arith.select %and3A_735, %add3A_736, %rem3A_727 : i32
        %dma_wait3A_738 = arith.constant 0 : i32
        %dma_wait3A_739 = arith.constant 0 : i32
        %dma_wait3A_740 = tpu.memref_slice %arg10[%select_n3A_737, %dma_wait3A_738, %dma_wait3A_739] : memref<8x2x128xi32, #tpu.memory_space<vmem>> -> memref<1x2x128xi32, #tpu.memory_space<vmem>>
        %dma_wait3A_741 = tpu.memref_squeeze %dma_wait3A_740 : memref<1x2x128xi32, #tpu.memory_space<vmem>> -> memref<2x128xi32, #tpu.memory_space<vmem>>
        %dma_wait3A_742 = arith.constant 0 : i32
        %dma_wait3A_743 = arith.constant 0 : i32
        %dma_wait3A_744 = tpu.memref_slice %arg4[%add3A_721, %dma_wait3A_742, %dma_wait3A_743] : memref<2560x2x128xi32, #tpu.memory_space<hbm>> -> memref<1x2x128xi32, #tpu.memory_space<hbm>>
        %dma_wait3A_745 = tpu.memref_squeeze %dma_wait3A_744 : memref<1x2x128xi32, #tpu.memory_space<hbm>> -> memref<2x128xi32, #tpu.memory_space<hbm>>
        %dma_wait3A_746 = arith.constant 0 : i32
        %dma_wait3A_747 = arith.constant 0 : i32
        %dma_wait3A_748 = tpu.memref_slice %arg10[%select_n3A_737, %dma_wait3A_746, %dma_wait3A_747] : memref<8x2x128xi32, #tpu.memory_space<vmem>> -> memref<1x2x128xi32, #tpu.memory_space<vmem>>
        %dma_wait3A_749 = tpu.memref_squeeze %dma_wait3A_748 : memref<1x2x128xi32, #tpu.memory_space<vmem>> -> memref<2x128xi32, #tpu.memory_space<vmem>>
        %dma_wait3A_750 = arith.constant 0 : i32
        %dma_wait3A_751 = arith.constant 0 : i32
        %dma_wait3A_752 = tpu.memref_slice %arg4[%add3A_721, %dma_wait3A_750, %dma_wait3A_751] : memref<2560x2x128xi32, #tpu.memory_space<hbm>> -> memref<1x2x128xi32, #tpu.memory_space<hbm>>
        %dma_wait3A_753 = tpu.memref_squeeze %dma_wait3A_752 : memref<1x2x128xi32, #tpu.memory_space<hbm>> -> memref<2x128xi32, #tpu.memory_space<hbm>>
        tpu.wait_dma2 semaphore(%arg17 : memref<!tpu.dma_semaphore, #tpu.memory_space<semaphore_mem>>) src(%dma_wait3A_753 : memref<2x128xi32, #tpu.memory_space<hbm>>) dst(%dma_wait3A_749 : memref<2x128xi32, #tpu.memory_space<vmem>>)
        %add3A_754 = arith.constant 2 : i32
        %add3A_755 = arith.addi %while3A_600, %add3A_754 : i32
        %jit3A_756 = arith.constant 8 : i32
        %eq3A_757 = arith.constant 0 : i32
        %eq3A_758 = arith.cmpi eq, %jit3A_756, %eq3A_757 : i32
        %jit3A_759 = arith.constant 1 : i32
        %select_n3A_760 = arith.select %eq3A_758, %jit3A_759, %jit3A_756 : i32
        %rem3A_761 = arith.remsi %add3A_755, %select_n3A_760 : i32
        %ne3A_762 = arith.constant 0 : i32
        %ne3A_763 = arith.cmpi ne, %rem3A_761, %ne3A_762 : i32
        %lt3A_764 = arith.constant 0 : i32
        %lt3A_765 = arith.cmpi slt, %rem3A_761, %lt3A_764 : i32
        %lt3A_766 = arith.constant 0 : i32
        %lt3A_767 = arith.cmpi slt, %select_n3A_760, %lt3A_766 : i32
        %ne3A_768 = arith.xori %lt3A_765, %lt3A_767 : i1
        %and3A_769 = arith.andi %ne3A_768, %ne3A_763 : i1
        %add3A_770 = arith.addi %rem3A_761, %select_n3A_760 : i32
        %select_n3A_771 = arith.select %and3A_769, %add3A_770, %rem3A_761 : i32
        %jit3A_772 = arith.constant 4 : i32
        %eq3A_773 = arith.constant 0 : i32
        %eq3A_774 = arith.cmpi eq, %jit3A_772, %eq3A_773 : i32
        %jit3A_775 = arith.constant 1 : i32
        %select_n3A_776 = arith.select %eq3A_774, %jit3A_775, %jit3A_772 : i32
        %rem3A_777 = arith.remsi %add3A_755, %select_n3A_776 : i32
        %ne3A_778 = arith.constant 0 : i32
        %ne3A_779 = arith.cmpi ne, %rem3A_777, %ne3A_778 : i32
        %lt3A_780 = arith.constant 0 : i32
        %lt3A_781 = arith.cmpi slt, %rem3A_777, %lt3A_780 : i32
        %lt3A_782 = arith.constant 0 : i32
        %lt3A_783 = arith.cmpi slt, %select_n3A_776, %lt3A_782 : i32
        %ne3A_784 = arith.xori %lt3A_781, %lt3A_783 : i1
        %and3A_785 = arith.andi %ne3A_784, %ne3A_779 : i1
        %add3A_786 = arith.addi %rem3A_777, %select_n3A_776 : i32
        %select_n3A_787 = arith.select %and3A_785, %add3A_786, %rem3A_777 : i32
        %mul3A_788 = arith.constant 128 : i32
        %mul3A_789 = arith.muli %select_n3A_787, %mul3A_788 : i32
        %dma_start3A_790 = arith.constant 0 : i32
        %dma_start3A_791 = arith.constant 0 : i32
        %dma_start3A_792 = tpu.memref_slice %arg11[%mul3A_789, %dma_start3A_791] : memref<512x64xf32, #tpu.memory_space<vmem>> -> memref<128x64xf32, #tpu.memory_space<vmem>>
        %dma_start3A_793 = arith.constant 0 : i32
        %dma_start3A_794 = tpu.memref_slice %arg10[%select_n3A_771, %dma_start3A_790, %dma_start3A_793] : memref<8x2x128xi32, #tpu.memory_space<vmem>> -> memref<1x1x128xi32, #tpu.memory_space<vmem>>
        %dma_start3A_795 = tpu.memref_squeeze %dma_start3A_794 : memref<1x1x128xi32, #tpu.memory_space<vmem>> -> memref<128xi32, #tpu.memory_space<vmem>>
        %dma_start3A_796 = arith.constant 0 : i32
        %dma_start3A_797 = arith.constant 0 : i32
        %dma_start3A_798 = tpu.memref_slice %arg15[%dma_start3A_796, %dma_start3A_797] : memref<10112x64xf32, #tpu.memory_space<vmem_shared>> -> memref<10112x64xf32, #tpu.memory_space<vmem_shared>>
        tpu.enqueue_indirect_dma source(%dma_start3A_798 : memref<10112x64xf32, #tpu.memory_space<vmem_shared>>) target(%dma_start3A_792 : memref<128x64xf32, #tpu.memory_space<vmem>>) offsets(%dma_start3A_795 : memref<128xi32, #tpu.memory_space<vmem>>) semaphore(%arg16 : memref<!tpu.dma_semaphore, #tpu.memory_space<semaphore_mem>>)
      } else {
      }
      %jit3A_612 = arith.constant 8 : i32
      %eq3A_613 = arith.constant 0 : i32
      %eq3A_614 = arith.cmpi eq, %jit3A_612, %eq3A_613 : i32
      %jit3A_615 = arith.constant 1 : i32
      %select_n3A_616 = arith.select %eq3A_614, %jit3A_615, %jit3A_612 : i32
      %rem3A_617 = arith.remsi %while3A_600, %select_n3A_616 : i32
      %ne3A_618 = arith.constant 0 : i32
      %ne3A_619 = arith.cmpi ne, %rem3A_617, %ne3A_618 : i32
      %lt3A_620 = arith.constant 0 : i32
      %lt3A_621 = arith.cmpi slt, %rem3A_617, %lt3A_620 : i32
      %lt3A_622 = arith.constant 0 : i32
      %lt3A_623 = arith.cmpi slt, %select_n3A_616, %lt3A_622 : i32
      %ne3A_624 = arith.xori %lt3A_621, %lt3A_623 : i1
      %and3A_625 = arith.andi %ne3A_624, %ne3A_619 : i1
      %add3A_626 = arith.addi %rem3A_617, %select_n3A_616 : i32
      %select_n3A_627 = arith.select %and3A_625, %add3A_626, %rem3A_617 : i32
      %jit3A_628 = arith.constant 4 : i32
      %eq3A_629 = arith.constant 0 : i32
      %eq3A_630 = arith.cmpi eq, %jit3A_628, %eq3A_629 : i32
      %jit3A_631 = arith.constant 1 : i32
      %select_n3A_632 = arith.select %eq3A_630, %jit3A_631, %jit3A_628 : i32
      %rem3A_633 = arith.remsi %while3A_600, %select_n3A_632 : i32
      %ne3A_634 = arith.constant 0 : i32
      %ne3A_635 = arith.cmpi ne, %rem3A_633, %ne3A_634 : i32
      %lt3A_636 = arith.constant 0 : i32
      %lt3A_637 = arith.cmpi slt, %rem3A_633, %lt3A_636 : i32
      %lt3A_638 = arith.constant 0 : i32
      %lt3A_639 = arith.cmpi slt, %select_n3A_632, %lt3A_638 : i32
      %ne3A_640 = arith.xori %lt3A_637, %lt3A_639 : i1
      %and3A_641 = arith.andi %ne3A_640, %ne3A_635 : i1
      %add3A_642 = arith.addi %rem3A_633, %select_n3A_632 : i32
      %select_n3A_643 = arith.select %and3A_641, %add3A_642, %rem3A_633 : i32
      %mul3A_644 = arith.constant 128 : i32
      %mul3A_645 = arith.muli %select_n3A_643, %mul3A_644 : i32
      %dma_wait3A_646 = arith.constant 0 : i32
      %dma_wait3A_647 = arith.constant 0 : i32
      %dma_wait3A_648 = tpu.memref_slice %arg11[%mul3A_645, %dma_wait3A_647] : memref<512x64xf32, #tpu.memory_space<vmem>> -> memref<128x64xf32, #tpu.memory_space<vmem>>
      %dma_wait3A_649 = arith.constant 0 : i32
      %dma_wait3A_650 = tpu.memref_slice %arg10[%select_n3A_627, %dma_wait3A_646, %dma_wait3A_649] : memref<8x2x128xi32, #tpu.memory_space<vmem>> -> memref<1x1x128xi32, #tpu.memory_space<vmem>>
      %dma_wait3A_651 = tpu.memref_squeeze %dma_wait3A_650 : memref<1x1x128xi32, #tpu.memory_space<vmem>> -> memref<128xi32, #tpu.memory_space<vmem>>
      %dma_wait3A_652 = arith.constant 0 : i32
      %dma_wait3A_653 = arith.constant 0 : i32
      %dma_wait3A_654 = tpu.memref_slice %arg15[%dma_wait3A_652, %dma_wait3A_653] : memref<10112x64xf32, #tpu.memory_space<vmem_shared>> -> memref<10112x64xf32, #tpu.memory_space<vmem_shared>>
      tpu.wait_indirect_dma semaphore(%arg16 : memref<!tpu.dma_semaphore, #tpu.memory_space<semaphore_mem>>) src(%dma_wait3A_654 : memref<10112x64xf32, #tpu.memory_space<vmem_shared>>) dst(%dma_wait3A_648 : memref<128x64xf32, #tpu.memory_space<vmem>>)
      %jit3A_655 = arith.constant 4 : i32
      %eq3A_656 = arith.constant 0 : i32
      %eq3A_657 = arith.cmpi eq, %jit3A_655, %eq3A_656 : i32
      %jit3A_658 = arith.constant 1 : i32
      %select_n3A_659 = arith.select %eq3A_657, %jit3A_658, %jit3A_655 : i32
      %rem3A_660 = arith.remsi %while3A_600, %select_n3A_659 : i32
      %ne3A_661 = arith.constant 0 : i32
      %ne3A_662 = arith.cmpi ne, %rem3A_660, %ne3A_661 : i32
      %lt3A_663 = arith.constant 0 : i32
      %lt3A_664 = arith.cmpi slt, %rem3A_660, %lt3A_663 : i32
      %lt3A_665 = arith.constant 0 : i32
      %lt3A_666 = arith.cmpi slt, %select_n3A_659, %lt3A_665 : i32
      %ne3A_667 = arith.xori %lt3A_664, %lt3A_666 : i1
      %and3A_668 = arith.andi %ne3A_667, %ne3A_662 : i1
      %add3A_669 = arith.addi %rem3A_660, %select_n3A_659 : i32
      %select_n3A_670 = arith.select %and3A_668, %add3A_669, %rem3A_660 : i32
      %mul3A_671 = arith.constant 128 : i32
      %mul3A_672 = arith.muli %select_n3A_670, %mul3A_671 : i32
      %jit3A_673 = arith.constant 8 : i32
      %eq3A_674 = arith.constant 0 : i32
      %eq3A_675 = arith.cmpi eq, %jit3A_673, %eq3A_674 : i32
      %jit3A_676 = arith.constant 1 : i32
      %select_n3A_677 = arith.select %eq3A_675, %jit3A_676, %jit3A_673 : i32
      %rem3A_678 = arith.remsi %while3A_600, %select_n3A_677 : i32
      %ne3A_679 = arith.constant 0 : i32
      %ne3A_680 = arith.cmpi ne, %rem3A_678, %ne3A_679 : i32
      %lt3A_681 = arith.constant 0 : i32
      %lt3A_682 = arith.cmpi slt, %rem3A_678, %lt3A_681 : i32
      %lt3A_683 = arith.constant 0 : i32
      %lt3A_684 = arith.cmpi slt, %select_n3A_677, %lt3A_683 : i32
      %ne3A_685 = arith.xori %lt3A_682, %lt3A_684 : i1
      %and3A_686 = arith.andi %ne3A_685, %ne3A_680 : i1
      %add3A_687 = arith.addi %rem3A_678, %select_n3A_677 : i32
      %select_n3A_688 = arith.select %and3A_686, %add3A_687, %rem3A_678 : i32
      %dma_start3A_689 = arith.constant 1 : i32
      %dma_start3A_690 = arith.constant 0 : i32
      %dma_start3A_691 = tpu.memref_slice %arg11[%mul3A_672, %dma_start3A_690] : memref<512x64xf32, #tpu.memory_space<vmem>> -> memref<128x64xf32, #tpu.memory_space<vmem>>
      %dma_start3A_692 = arith.constant 0 : i32
      %dma_start3A_693 = tpu.memref_slice %arg10[%select_n3A_688, %dma_start3A_689, %dma_start3A_692] : memref<8x2x128xi32, #tpu.memory_space<vmem>> -> memref<1x1x128xi32, #tpu.memory_space<vmem>>
      %dma_start3A_694 = tpu.memref_squeeze %dma_start3A_693 : memref<1x1x128xi32, #tpu.memory_space<vmem>> -> memref<128xi32, #tpu.memory_space<vmem>>
      %dma_start3A_695 = arith.constant 0 : i32
      %dma_start3A_696 = arith.constant 0 : i32
      %dma_start3A_697 = tpu.memref_slice %arg13[%dma_start3A_695, %dma_start3A_696] : memref<10240x64xf32, #tpu.memory_space<vmem_shared>> -> memref<10240x64xf32, #tpu.memory_space<vmem_shared>>
      tpu.enqueue_indirect_dma source(%dma_start3A_691 : memref<128x64xf32, #tpu.memory_space<vmem>>) target(%dma_start3A_697 : memref<10240x64xf32, #tpu.memory_space<vmem_shared>>) offsets(%dma_start3A_694 : memref<128xi32, #tpu.memory_space<vmem>>) semaphore(%arg18 : memref<!tpu.dma_semaphore, #tpu.memory_space<semaphore_mem>>) {add = true}
      %jit3A_698 = arith.constant 8 : i32
      %eq3A_699 = arith.constant 0 : i32
      %eq3A_700 = arith.cmpi eq, %jit3A_698, %eq3A_699 : i32
      %jit3A_701 = arith.constant 1 : i32
      %select_n3A_702 = arith.select %eq3A_700, %jit3A_701, %jit3A_698 : i32
      %rem3A_703 = arith.remsi %while3A_600, %select_n3A_702 : i32
      %ne3A_704 = arith.constant 0 : i32
      %ne3A_705 = arith.cmpi ne, %rem3A_703, %ne3A_704 : i32
      %lt3A_706 = arith.constant 0 : i32
      %lt3A_707 = arith.cmpi slt, %rem3A_703, %lt3A_706 : i32
      %lt3A_708 = arith.constant 0 : i32
      %lt3A_709 = arith.cmpi slt, %select_n3A_702, %lt3A_708 : i32
      %ne3A_710 = arith.xori %lt3A_707, %lt3A_709 : i1
      %and3A_711 = arith.andi %ne3A_710, %ne3A_705 : i1
      %add3A_712 = arith.addi %rem3A_703, %select_n3A_702 : i32
      %select_n3A_713 = arith.select %and3A_711, %add3A_712, %rem3A_703 : i32
      %run_scoped3A = arith.constant 1 : i32
      "tpu.region"() ({
        %run_scoped3A_719 = tpu.sem_alloc : memref<!tpu.dma_semaphore, #tpu.memory_space<semaphore_mem>>
        %dma_start3A_720 = arith.constant 0 : i32
        %dma_start3A_721 = tpu.memref_slice %arg10[%select_n3A_713, %run_scoped3A, %dma_start3A_720] : memref<8x2x128xi32, #tpu.memory_space<vmem>> -> memref<1x1x128xi32, #tpu.memory_space<vmem>>
        %dma_start3A_722 = tpu.memref_squeeze %dma_start3A_721 : memref<1x1x128xi32, #tpu.memory_space<vmem>> -> memref<128xi32, #tpu.memory_space<vmem>>
        %dma_start3A_723 = arith.constant 0 : i32
        %dma_start3A_724 = tpu.memref_slice %arg14[%dma_start3A_723] : memref<10240xf32, #tpu.memory_space<vmem_shared>> -> memref<10240xf32, #tpu.memory_space<vmem_shared>>
        tpu.enqueue_indirect_dma source(%arg12 : memref<128xf32, #tpu.memory_space<vmem>>) target(%dma_start3A_724 : memref<10240xf32, #tpu.memory_space<vmem_shared>>) offsets(%dma_start3A_722 : memref<128xi32, #tpu.memory_space<vmem>>) semaphore(%run_scoped3A_719 : memref<!tpu.dma_semaphore, #tpu.memory_space<semaphore_mem>>) {add = true}
        %dma_wait3A_725 = arith.constant 0 : i32
        %dma_wait3A_726 = tpu.memref_slice %arg10[%select_n3A_713, %run_scoped3A, %dma_wait3A_725] : memref<8x2x128xi32, #tpu.memory_space<vmem>> -> memref<1x1x128xi32, #tpu.memory_space<vmem>>
        %dma_wait3A_727 = tpu.memref_squeeze %dma_wait3A_726 : memref<1x1x128xi32, #tpu.memory_space<vmem>> -> memref<128xi32, #tpu.memory_space<vmem>>
        %dma_wait3A_728 = arith.constant 0 : i32
        %dma_wait3A_729 = tpu.memref_slice %arg14[%dma_wait3A_728] : memref<10240xf32, #tpu.memory_space<vmem_shared>> -> memref<10240xf32, #tpu.memory_space<vmem_shared>>
        tpu.wait_indirect_dma semaphore(%run_scoped3A_719 : memref<!tpu.dma_semaphore, #tpu.memory_space<semaphore_mem>>) src(%arg12 : memref<128xf32, #tpu.memory_space<vmem>>) dst(%dma_wait3A_729 : memref<10240xf32, #tpu.memory_space<vmem_shared>>)
        tpu.yield
      }) : () -> ()
      %ge3A = arith.constant 3 : i32
      %ge3A_714 = arith.cmpi sge, %while3A_600, %ge3A : i32
      %convert_element_type3A_715 = arith.extui %ge3A_714 : i1 to i32
      %cond3A_716 = arith.constant 0 : i32
      %cond3A_717 = arith.cmpi ne, %convert_element_type3A_715, %cond3A_716 : i32
      scf.if %cond3A_717 {
        %sub3A_719 = arith.constant 3 : i32
        %sub3A_720 = arith.subi %while3A_600, %sub3A_719 : i32
        %jit3A_721 = arith.constant 4 : i32
        %eq3A_722 = arith.constant 0 : i32
        %eq3A_723 = arith.cmpi eq, %jit3A_721, %eq3A_722 : i32
        %jit3A_724 = arith.constant 1 : i32
        %select_n3A_725 = arith.select %eq3A_723, %jit3A_724, %jit3A_721 : i32
        %rem3A_726 = arith.remsi %sub3A_720, %select_n3A_725 : i32
        %ne3A_727 = arith.constant 0 : i32
        %ne3A_728 = arith.cmpi ne, %rem3A_726, %ne3A_727 : i32
        %lt3A_729 = arith.constant 0 : i32
        %lt3A_730 = arith.cmpi slt, %rem3A_726, %lt3A_729 : i32
        %lt3A_731 = arith.constant 0 : i32
        %lt3A_732 = arith.cmpi slt, %select_n3A_725, %lt3A_731 : i32
        %ne3A_733 = arith.xori %lt3A_730, %lt3A_732 : i1
        %and3A_734 = arith.andi %ne3A_733, %ne3A_728 : i1
        %add3A_735 = arith.addi %rem3A_726, %select_n3A_725 : i32
        %select_n3A_736 = arith.select %and3A_734, %add3A_735, %rem3A_726 : i32
        %mul3A_737 = arith.constant 128 : i32
        %mul3A_738 = arith.muli %select_n3A_736, %mul3A_737 : i32
        %jit3A_739 = arith.constant 8 : i32
        %eq3A_740 = arith.constant 0 : i32
        %eq3A_741 = arith.cmpi eq, %jit3A_739, %eq3A_740 : i32
        %jit3A_742 = arith.constant 1 : i32
        %select_n3A_743 = arith.select %eq3A_741, %jit3A_742, %jit3A_739 : i32
        %rem3A_744 = arith.remsi %sub3A_720, %select_n3A_743 : i32
        %ne3A_745 = arith.constant 0 : i32
        %ne3A_746 = arith.cmpi ne, %rem3A_744, %ne3A_745 : i32
        %lt3A_747 = arith.constant 0 : i32
        %lt3A_748 = arith.cmpi slt, %rem3A_744, %lt3A_747 : i32
        %lt3A_749 = arith.constant 0 : i32
        %lt3A_750 = arith.cmpi slt, %select_n3A_743, %lt3A_749 : i32
        %ne3A_751 = arith.xori %lt3A_748, %lt3A_750 : i1
        %and3A_752 = arith.andi %ne3A_751, %ne3A_746 : i1
        %add3A_753 = arith.addi %rem3A_744, %select_n3A_743 : i32
        %select_n3A_754 = arith.select %and3A_752, %add3A_753, %rem3A_744 : i32
        %dma_wait3A_755 = arith.constant 1 : i32
        %dma_wait3A_756 = arith.constant 0 : i32
        %dma_wait3A_757 = tpu.memref_slice %arg11[%mul3A_738, %dma_wait3A_756] : memref<512x64xf32, #tpu.memory_space<vmem>> -> memref<128x64xf32, #tpu.memory_space<vmem>>
        %dma_wait3A_758 = arith.constant 0 : i32
        %dma_wait3A_759 = tpu.memref_slice %arg10[%select_n3A_754, %dma_wait3A_755, %dma_wait3A_758] : memref<8x2x128xi32, #tpu.memory_space<vmem>> -> memref<1x1x128xi32, #tpu.memory_space<vmem>>
        %dma_wait3A_760 = tpu.memref_squeeze %dma_wait3A_759 : memref<1x1x128xi32, #tpu.memory_space<vmem>> -> memref<128xi32, #tpu.memory_space<vmem>>
        %dma_wait3A_761 = arith.constant 0 : i32
        %dma_wait3A_762 = arith.constant 0 : i32
        %dma_wait3A_763 = tpu.memref_slice %arg13[%dma_wait3A_761, %dma_wait3A_762] : memref<10240x64xf32, #tpu.memory_space<vmem_shared>> -> memref<10240x64xf32, #tpu.memory_space<vmem_shared>>
        tpu.wait_indirect_dma semaphore(%arg18 : memref<!tpu.dma_semaphore, #tpu.memory_space<semaphore_mem>>) src(%dma_wait3A_757 : memref<128x64xf32, #tpu.memory_space<vmem>>) dst(%dma_wait3A_763 : memref<10240x64xf32, #tpu.memory_space<vmem_shared>>)
      } else {
      }
      %while3A_718 = arith.constant 0 : i32
      scf.yield %while3A_718 : i32
    }
    %while3A_185 = arith.constant 1 : i32
    %while3A_186 = scf.for %while3A_600 = %while3A_182 to %while3A_178 step %while3A_185 iter_args(%while3A_601 = %while3A_184) -> (i32)  : i32 {
      %add3A_602 = arith.constant 3 : i32
      %add3A_603 = arith.addi %while3A_600, %add3A_602 : i32
      %lt3A_604 = arith.cmpi slt, %add3A_603, %select_n3A : i32
      %convert_element_type3A = arith.extui %lt3A_604 : i1 to i32
      %cond3A = arith.constant 0 : i32
      %cond3A_605 = arith.cmpi ne, %convert_element_type3A, %cond3A : i32
      scf.if %cond3A_605 {
        %add3A_719 = arith.constant 3 : i32
        %add3A_720 = arith.addi %while3A_600, %add3A_719 : i32
        %add3A_721 = arith.addi %select_n3A_10, %add3A_720 : i32
        %jit3A_722 = arith.constant 8 : i32
        %eq3A_723 = arith.constant 0 : i32
        %eq3A_724 = arith.cmpi eq, %jit3A_722, %eq3A_723 : i32
        %jit3A_725 = arith.constant 1 : i32
        %select_n3A_726 = arith.select %eq3A_724, %jit3A_725, %jit3A_722 : i32
        %rem3A_727 = arith.remsi %add3A_720, %select_n3A_726 : i32
        %ne3A_728 = arith.constant 0 : i32
        %ne3A_729 = arith.cmpi ne, %rem3A_727, %ne3A_728 : i32
        %lt3A_730 = arith.constant 0 : i32
        %lt3A_731 = arith.cmpi slt, %rem3A_727, %lt3A_730 : i32
        %lt3A_732 = arith.constant 0 : i32
        %lt3A_733 = arith.cmpi slt, %select_n3A_726, %lt3A_732 : i32
        %ne3A_734 = arith.xori %lt3A_731, %lt3A_733 : i1
        %and3A_735 = arith.andi %ne3A_734, %ne3A_729 : i1
        %add3A_736 = arith.addi %rem3A_727, %select_n3A_726 : i32
        %select_n3A_737 = arith.select %and3A_735, %add3A_736, %rem3A_727 : i32
        %dma_start3A_738 = arith.constant 0 : i32
        %dma_start3A_739 = arith.constant 0 : i32
        %dma_start3A_740 = tpu.memref_slice %arg10[%select_n3A_737, %dma_start3A_738, %dma_start3A_739] : memref<8x2x128xi32, #tpu.memory_space<vmem>> -> memref<1x2x128xi32, #tpu.memory_space<vmem>>
        %dma_start3A_741 = tpu.memref_squeeze %dma_start3A_740 : memref<1x2x128xi32, #tpu.memory_space<vmem>> -> memref<2x128xi32, #tpu.memory_space<vmem>>
        %dma_start3A_742 = arith.constant 0 : i32
        %dma_start3A_743 = arith.constant 0 : i32
        %dma_start3A_744 = tpu.memref_slice %arg4[%add3A_721, %dma_start3A_742, %dma_start3A_743] : memref<2560x2x128xi32, #tpu.memory_space<hbm>> -> memref<1x2x128xi32, #tpu.memory_space<hbm>>
        %dma_start3A_745 = tpu.memref_squeeze %dma_start3A_744 : memref<1x2x128xi32, #tpu.memory_space<hbm>> -> memref<2x128xi32, #tpu.memory_space<hbm>>
        %dma_start3A_746 = arith.constant 0 : i32
        %dma_start3A_747 = arith.constant 0 : i32
        %dma_start3A_748 = tpu.memref_slice %arg10[%select_n3A_737, %dma_start3A_746, %dma_start3A_747] : memref<8x2x128xi32, #tpu.memory_space<vmem>> -> memref<1x2x128xi32, #tpu.memory_space<vmem>>
        %dma_start3A_749 = tpu.memref_squeeze %dma_start3A_748 : memref<1x2x128xi32, #tpu.memory_space<vmem>> -> memref<2x128xi32, #tpu.memory_space<vmem>>
        %dma_start3A_750 = arith.constant 0 : i32
        %dma_start3A_751 = arith.constant 0 : i32
        %dma_start3A_752 = tpu.memref_slice %arg4[%add3A_721, %dma_start3A_750, %dma_start3A_751] : memref<2560x2x128xi32, #tpu.memory_space<hbm>> -> memref<1x2x128xi32, #tpu.memory_space<hbm>>
        %dma_start3A_753 = tpu.memref_squeeze %dma_start3A_752 : memref<1x2x128xi32, #tpu.memory_space<hbm>> -> memref<2x128xi32, #tpu.memory_space<hbm>>
        tpu.enqueue_dma source(%dma_start3A_753 : memref<2x128xi32, #tpu.memory_space<hbm>>) target(%dma_start3A_749 : memref<2x128xi32, #tpu.memory_space<vmem>>) target_semaphore(%arg17 : memref<!tpu.dma_semaphore, #tpu.memory_space<semaphore_mem>>)
      } else {
      }
      %add3A_606 = arith.constant 2 : i32
      %add3A_607 = arith.addi %while3A_600, %add3A_606 : i32
      %lt3A_608 = arith.cmpi slt, %add3A_607, %select_n3A : i32
      %convert_element_type3A_609 = arith.extui %lt3A_608 : i1 to i32
      %cond3A_610 = arith.constant 0 : i32
      %cond3A_611 = arith.cmpi ne, %convert_element_type3A_609, %cond3A_610 : i32
      scf.if %cond3A_611 {
        %add3A_719 = arith.constant 2 : i32
        %add3A_720 = arith.addi %while3A_600, %add3A_719 : i32
        %add3A_721 = arith.addi %select_n3A_10, %add3A_720 : i32
        %jit3A_722 = arith.constant 8 : i32
        %eq3A_723 = arith.constant 0 : i32
        %eq3A_724 = arith.cmpi eq, %jit3A_722, %eq3A_723 : i32
        %jit3A_725 = arith.constant 1 : i32
        %select_n3A_726 = arith.select %eq3A_724, %jit3A_725, %jit3A_722 : i32
        %rem3A_727 = arith.remsi %add3A_720, %select_n3A_726 : i32
        %ne3A_728 = arith.constant 0 : i32
        %ne3A_729 = arith.cmpi ne, %rem3A_727, %ne3A_728 : i32
        %lt3A_730 = arith.constant 0 : i32
        %lt3A_731 = arith.cmpi slt, %rem3A_727, %lt3A_730 : i32
        %lt3A_732 = arith.constant 0 : i32
        %lt3A_733 = arith.cmpi slt, %select_n3A_726, %lt3A_732 : i32
        %ne3A_734 = arith.xori %lt3A_731, %lt3A_733 : i1
        %and3A_735 = arith.andi %ne3A_734, %ne3A_729 : i1
        %add3A_736 = arith.addi %rem3A_727, %select_n3A_726 : i32
        %select_n3A_737 = arith.select %and3A_735, %add3A_736, %rem3A_727 : i32
        %dma_wait3A_738 = arith.constant 0 : i32
        %dma_wait3A_739 = arith.constant 0 : i32
        %dma_wait3A_740 = tpu.memref_slice %arg10[%select_n3A_737, %dma_wait3A_738, %dma_wait3A_739] : memref<8x2x128xi32, #tpu.memory_space<vmem>> -> memref<1x2x128xi32, #tpu.memory_space<vmem>>
        %dma_wait3A_741 = tpu.memref_squeeze %dma_wait3A_740 : memref<1x2x128xi32, #tpu.memory_space<vmem>> -> memref<2x128xi32, #tpu.memory_space<vmem>>
        %dma_wait3A_742 = arith.constant 0 : i32
        %dma_wait3A_743 = arith.constant 0 : i32
        %dma_wait3A_744 = tpu.memref_slice %arg4[%add3A_721, %dma_wait3A_742, %dma_wait3A_743] : memref<2560x2x128xi32, #tpu.memory_space<hbm>> -> memref<1x2x128xi32, #tpu.memory_space<hbm>>
        %dma_wait3A_745 = tpu.memref_squeeze %dma_wait3A_744 : memref<1x2x128xi32, #tpu.memory_space<hbm>> -> memref<2x128xi32, #tpu.memory_space<hbm>>
        %dma_wait3A_746 = arith.constant 0 : i32
        %dma_wait3A_747 = arith.constant 0 : i32
        %dma_wait3A_748 = tpu.memref_slice %arg10[%select_n3A_737, %dma_wait3A_746, %dma_wait3A_747] : memref<8x2x128xi32, #tpu.memory_space<vmem>> -> memref<1x2x128xi32, #tpu.memory_space<vmem>>
        %dma_wait3A_749 = tpu.memref_squeeze %dma_wait3A_748 : memref<1x2x128xi32, #tpu.memory_space<vmem>> -> memref<2x128xi32, #tpu.memory_space<vmem>>
        %dma_wait3A_750 = arith.constant 0 : i32
        %dma_wait3A_751 = arith.constant 0 : i32
        %dma_wait3A_752 = tpu.memref_slice %arg4[%add3A_721, %dma_wait3A_750, %dma_wait3A_751] : memref<2560x2x128xi32, #tpu.memory_space<hbm>> -> memref<1x2x128xi32, #tpu.memory_space<hbm>>
        %dma_wait3A_753 = tpu.memref_squeeze %dma_wait3A_752 : memref<1x2x128xi32, #tpu.memory_space<hbm>> -> memref<2x128xi32, #tpu.memory_space<hbm>>
        tpu.wait_dma2 semaphore(%arg17 : memref<!tpu.dma_semaphore, #tpu.memory_space<semaphore_mem>>) src(%dma_wait3A_753 : memref<2x128xi32, #tpu.memory_space<hbm>>) dst(%dma_wait3A_749 : memref<2x128xi32, #tpu.memory_space<vmem>>)
        %add3A_754 = arith.constant 2 : i32
        %add3A_755 = arith.addi %while3A_600, %add3A_754 : i32
        %jit3A_756 = arith.constant 8 : i32
        %eq3A_757 = arith.constant 0 : i32
        %eq3A_758 = arith.cmpi eq, %jit3A_756, %eq3A_757 : i32
        %jit3A_759 = arith.constant 1 : i32
        %select_n3A_760 = arith.select %eq3A_758, %jit3A_759, %jit3A_756 : i32
        %rem3A_761 = arith.remsi %add3A_755, %select_n3A_760 : i32
        %ne3A_762 = arith.constant 0 : i32
        %ne3A_763 = arith.cmpi ne, %rem3A_761, %ne3A_762 : i32
        %lt3A_764 = arith.constant 0 : i32
        %lt3A_765 = arith.cmpi slt, %rem3A_761, %lt3A_764 : i32
        %lt3A_766 = arith.constant 0 : i32
        %lt3A_767 = arith.cmpi slt, %select_n3A_760, %lt3A_766 : i32
        %ne3A_768 = arith.xori %lt3A_765, %lt3A_767 : i1
        %and3A_769 = arith.andi %ne3A_768, %ne3A_763 : i1
        %add3A_770 = arith.addi %rem3A_761, %select_n3A_760 : i32
        %select_n3A_771 = arith.select %and3A_769, %add3A_770, %rem3A_761 : i32
        %jit3A_772 = arith.constant 4 : i32
        %eq3A_773 = arith.constant 0 : i32
        %eq3A_774 = arith.cmpi eq, %jit3A_772, %eq3A_773 : i32
        %jit3A_775 = arith.constant 1 : i32
        %select_n3A_776 = arith.select %eq3A_774, %jit3A_775, %jit3A_772 : i32
        %rem3A_777 = arith.remsi %add3A_755, %select_n3A_776 : i32
        %ne3A_778 = arith.constant 0 : i32
        %ne3A_779 = arith.cmpi ne, %rem3A_777, %ne3A_778 : i32
        %lt3A_780 = arith.constant 0 : i32
        %lt3A_781 = arith.cmpi slt, %rem3A_777, %lt3A_780 : i32
        %lt3A_782 = arith.constant 0 : i32
        %lt3A_783 = arith.cmpi slt, %select_n3A_776, %lt3A_782 : i32
        %ne3A_784 = arith.xori %lt3A_781, %lt3A_783 : i1
        %and3A_785 = arith.andi %ne3A_784, %ne3A_779 : i1
        %add3A_786 = arith.addi %rem3A_777, %select_n3A_776 : i32
        %select_n3A_787 = arith.select %and3A_785, %add3A_786, %rem3A_777 : i32
        %mul3A_788 = arith.constant 128 : i32
        %mul3A_789 = arith.muli %select_n3A_787, %mul3A_788 : i32
        %dma_start3A_790 = arith.constant 0 : i32
        %dma_start3A_791 = arith.constant 0 : i32
        %dma_start3A_792 = tpu.memref_slice %arg11[%mul3A_789, %dma_start3A_791] : memref<512x64xf32, #tpu.memory_space<vmem>> -> memref<128x64xf32, #tpu.memory_space<vmem>>
        %dma_start3A_793 = arith.constant 0 : i32
        %dma_start3A_794 = tpu.memref_slice %arg10[%select_n3A_771, %dma_start3A_790, %dma_start3A_793] : memref<8x2x128xi32, #tpu.memory_space<vmem>> -> memref<1x1x128xi32, #tpu.memory_space<vmem>>
        %dma_start3A_795 = tpu.memref_squeeze %dma_start3A_794 : memref<1x1x128xi32, #tpu.memory_space<vmem>> -> memref<128xi32, #tpu.memory_space<vmem>>
        %dma_start3A_796 = arith.constant 0 : i32
        %dma_start3A_797 = arith.constant 0 : i32
        %dma_start3A_798 = tpu.memref_slice %arg15[%dma_start3A_796, %dma_start3A_797] : memref<10112x64xf32, #tpu.memory_space<vmem_shared>> -> memref<10112x64xf32, #tpu.memory_space<vmem_shared>>
        tpu.enqueue_indirect_dma source(%dma_start3A_798 : memref<10112x64xf32, #tpu.memory_space<vmem_shared>>) target(%dma_start3A_792 : memref<128x64xf32, #tpu.memory_space<vmem>>) offsets(%dma_start3A_795 : memref<128xi32, #tpu.memory_space<vmem>>) semaphore(%arg16 : memref<!tpu.dma_semaphore, #tpu.memory_space<semaphore_mem>>)
      } else {
      }
      %jit3A_612 = arith.constant 8 : i32
      %eq3A_613 = arith.constant 0 : i32
      %eq3A_614 = arith.cmpi eq, %jit3A_612, %eq3A_613 : i32
      %jit3A_615 = arith.constant 1 : i32
      %select_n3A_616 = arith.select %eq3A_614, %jit3A_615, %jit3A_612 : i32
      %rem3A_617 = arith.remsi %while3A_600, %select_n3A_616 : i32
      %ne3A_618 = arith.constant 0 : i32
      %ne3A_619 = arith.cmpi ne, %rem3A_617, %ne3A_618 : i32
      %lt3A_620 = arith.constant 0 : i32
      %lt3A_621 = arith.cmpi slt, %rem3A_617, %lt3A_620 : i32
      %lt3A_622 = arith.constant 0 : i32
      %lt3A_623 = arith.cmpi slt, %select_n3A_616, %lt3A_622 : i32
      %ne3A_624 = arith.xori %lt3A_621, %lt3A_623 : i1
      %and3A_625 = arith.andi %ne3A_624, %ne3A_619 : i1
      %add3A_626 = arith.addi %rem3A_617, %select_n3A_616 : i32
      %select_n3A_627 = arith.select %and3A_625, %add3A_626, %rem3A_617 : i32
      %jit3A_628 = arith.constant 4 : i32
      %eq3A_629 = arith.constant 0 : i32
      %eq3A_630 = arith.cmpi eq, %jit3A_628, %eq3A_629 : i32
      %jit3A_631 = arith.constant 1 : i32
      %select_n3A_632 = arith.select %eq3A_630, %jit3A_631, %jit3A_628 : i32
      %rem3A_633 = arith.remsi %while3A_600, %select_n3A_632 : i32
      %ne3A_634 = arith.constant 0 : i32
      %ne3A_635 = arith.cmpi ne, %rem3A_633, %ne3A_634 : i32
      %lt3A_636 = arith.constant 0 : i32
      %lt3A_637 = arith.cmpi slt, %rem3A_633, %lt3A_636 : i32
      %lt3A_638 = arith.constant 0 : i32
      %lt3A_639 = arith.cmpi slt, %select_n3A_632, %lt3A_638 : i32
      %ne3A_640 = arith.xori %lt3A_637, %lt3A_639 : i1
      %and3A_641 = arith.andi %ne3A_640, %ne3A_635 : i1
      %add3A_642 = arith.addi %rem3A_633, %select_n3A_632 : i32
      %select_n3A_643 = arith.select %and3A_641, %add3A_642, %rem3A_633 : i32
      %mul3A_644 = arith.constant 128 : i32
      %mul3A_645 = arith.muli %select_n3A_643, %mul3A_644 : i32
      %dma_wait3A_646 = arith.constant 0 : i32
      %dma_wait3A_647 = arith.constant 0 : i32
      %dma_wait3A_648 = tpu.memref_slice %arg11[%mul3A_645, %dma_wait3A_647] : memref<512x64xf32, #tpu.memory_space<vmem>> -> memref<128x64xf32, #tpu.memory_space<vmem>>
      %dma_wait3A_649 = arith.constant 0 : i32
      %dma_wait3A_650 = tpu.memref_slice %arg10[%select_n3A_627, %dma_wait3A_646, %dma_wait3A_649] : memref<8x2x128xi32, #tpu.memory_space<vmem>> -> memref<1x1x128xi32, #tpu.memory_space<vmem>>
      %dma_wait3A_651 = tpu.memref_squeeze %dma_wait3A_650 : memref<1x1x128xi32, #tpu.memory_space<vmem>> -> memref<128xi32, #tpu.memory_space<vmem>>
      %dma_wait3A_652 = arith.constant 0 : i32
      %dma_wait3A_653 = arith.constant 0 : i32
      %dma_wait3A_654 = tpu.memref_slice %arg15[%dma_wait3A_652, %dma_wait3A_653] : memref<10112x64xf32, #tpu.memory_space<vmem_shared>> -> memref<10112x64xf32, #tpu.memory_space<vmem_shared>>
      tpu.wait_indirect_dma semaphore(%arg16 : memref<!tpu.dma_semaphore, #tpu.memory_space<semaphore_mem>>) src(%dma_wait3A_654 : memref<10112x64xf32, #tpu.memory_space<vmem_shared>>) dst(%dma_wait3A_648 : memref<128x64xf32, #tpu.memory_space<vmem>>)
      %jit3A_655 = arith.constant 4 : i32
      %eq3A_656 = arith.constant 0 : i32
      %eq3A_657 = arith.cmpi eq, %jit3A_655, %eq3A_656 : i32
      %jit3A_658 = arith.constant 1 : i32
      %select_n3A_659 = arith.select %eq3A_657, %jit3A_658, %jit3A_655 : i32
      %rem3A_660 = arith.remsi %while3A_600, %select_n3A_659 : i32
      %ne3A_661 = arith.constant 0 : i32
      %ne3A_662 = arith.cmpi ne, %rem3A_660, %ne3A_661 : i32
      %lt3A_663 = arith.constant 0 : i32
      %lt3A_664 = arith.cmpi slt, %rem3A_660, %lt3A_663 : i32
      %lt3A_665 = arith.constant 0 : i32
      %lt3A_666 = arith.cmpi slt, %select_n3A_659, %lt3A_665 : i32
      %ne3A_667 = arith.xori %lt3A_664, %lt3A_666 : i1
      %and3A_668 = arith.andi %ne3A_667, %ne3A_662 : i1
      %add3A_669 = arith.addi %rem3A_660, %select_n3A_659 : i32
      %select_n3A_670 = arith.select %and3A_668, %add3A_669, %rem3A_660 : i32
      %mul3A_671 = arith.constant 128 : i32
      %mul3A_672 = arith.muli %select_n3A_670, %mul3A_671 : i32
      %jit3A_673 = arith.constant 8 : i32
      %eq3A_674 = arith.constant 0 : i32
      %eq3A_675 = arith.cmpi eq, %jit3A_673, %eq3A_674 : i32
      %jit3A_676 = arith.constant 1 : i32
      %select_n3A_677 = arith.select %eq3A_675, %jit3A_676, %jit3A_673 : i32
      %rem3A_678 = arith.remsi %while3A_600, %select_n3A_677 : i32
      %ne3A_679 = arith.constant 0 : i32
      %ne3A_680 = arith.cmpi ne, %rem3A_678, %ne3A_679 : i32
      %lt3A_681 = arith.constant 0 : i32
      %lt3A_682 = arith.cmpi slt, %rem3A_678, %lt3A_681 : i32
      %lt3A_683 = arith.constant 0 : i32
      %lt3A_684 = arith.cmpi slt, %select_n3A_677, %lt3A_683 : i32
      %ne3A_685 = arith.xori %lt3A_682, %lt3A_684 : i1
      %and3A_686 = arith.andi %ne3A_685, %ne3A_680 : i1
      %add3A_687 = arith.addi %rem3A_678, %select_n3A_677 : i32
      %select_n3A_688 = arith.select %and3A_686, %add3A_687, %rem3A_678 : i32
      %dma_start3A_689 = arith.constant 1 : i32
      %dma_start3A_690 = arith.constant 0 : i32
      %dma_start3A_691 = tpu.memref_slice %arg11[%mul3A_672, %dma_start3A_690] : memref<512x64xf32, #tpu.memory_space<vmem>> -> memref<128x64xf32, #tpu.memory_space<vmem>>
      %dma_start3A_692 = arith.constant 0 : i32
      %dma_start3A_693 = tpu.memref_slice %arg10[%select_n3A_688, %dma_start3A_689, %dma_start3A_692] : memref<8x2x128xi32, #tpu.memory_space<vmem>> -> memref<1x1x128xi32, #tpu.memory_space<vmem>>
      %dma_start3A_694 = tpu.memref_squeeze %dma_start3A_693 : memref<1x1x128xi32, #tpu.memory_space<vmem>> -> memref<128xi32, #tpu.memory_space<vmem>>
      %dma_start3A_695 = arith.constant 0 : i32
      %dma_start3A_696 = arith.constant 0 : i32
      %dma_start3A_697 = tpu.memref_slice %arg13[%dma_start3A_695, %dma_start3A_696] : memref<10240x64xf32, #tpu.memory_space<vmem_shared>> -> memref<10240x64xf32, #tpu.memory_space<vmem_shared>>
      tpu.enqueue_indirect_dma source(%dma_start3A_691 : memref<128x64xf32, #tpu.memory_space<vmem>>) target(%dma_start3A_697 : memref<10240x64xf32, #tpu.memory_space<vmem_shared>>) offsets(%dma_start3A_694 : memref<128xi32, #tpu.memory_space<vmem>>) semaphore(%arg18 : memref<!tpu.dma_semaphore, #tpu.memory_space<semaphore_mem>>) {add = true}
      %jit3A_698 = arith.constant 8 : i32
      %eq3A_699 = arith.constant 0 : i32
      %eq3A_700 = arith.cmpi eq, %jit3A_698, %eq3A_699 : i32
      %jit3A_701 = arith.constant 1 : i32
      %select_n3A_702 = arith.select %eq3A_700, %jit3A_701, %jit3A_698 : i32
      %rem3A_703 = arith.remsi %while3A_600, %select_n3A_702 : i32
      %ne3A_704 = arith.constant 0 : i32
      %ne3A_705 = arith.cmpi ne, %rem3A_703, %ne3A_704 : i32
      %lt3A_706 = arith.constant 0 : i32
      %lt3A_707 = arith.cmpi slt, %rem3A_703, %lt3A_706 : i32
      %lt3A_708 = arith.constant 0 : i32
      %lt3A_709 = arith.cmpi slt, %select_n3A_702, %lt3A_708 : i32
      %ne3A_710 = arith.xori %lt3A_707, %lt3A_709 : i1
      %and3A_711 = arith.andi %ne3A_710, %ne3A_705 : i1
      %add3A_712 = arith.addi %rem3A_703, %select_n3A_702 : i32
      %select_n3A_713 = arith.select %and3A_711, %add3A_712, %rem3A_703 : i32
      %run_scoped3A = arith.constant 1 : i32
      "tpu.region"() ({
        %run_scoped3A_719 = tpu.sem_alloc : memref<!tpu.dma_semaphore, #tpu.memory_space<semaphore_mem>>
        %dma_start3A_720 = arith.constant 0 : i32
        %dma_start3A_721 = tpu.memref_slice %arg10[%select_n3A_713, %run_scoped3A, %dma_start3A_720] : memref<8x2x128xi32, #tpu.memory_space<vmem>> -> memref<1x1x128xi32, #tpu.memory_space<vmem>>
        %dma_start3A_722 = tpu.memref_squeeze %dma_start3A_721 : memref<1x1x128xi32, #tpu.memory_space<vmem>> -> memref<128xi32, #tpu.memory_space<vmem>>
        %dma_start3A_723 = arith.constant 0 : i32
        %dma_start3A_724 = tpu.memref_slice %arg14[%dma_start3A_723] : memref<10240xf32, #tpu.memory_space<vmem_shared>> -> memref<10240xf32, #tpu.memory_space<vmem_shared>>
        tpu.enqueue_indirect_dma source(%arg12 : memref<128xf32, #tpu.memory_space<vmem>>) target(%dma_start3A_724 : memref<10240xf32, #tpu.memory_space<vmem_shared>>) offsets(%dma_start3A_722 : memref<128xi32, #tpu.memory_space<vmem>>) semaphore(%run_scoped3A_719 : memref<!tpu.dma_semaphore, #tpu.memory_space<semaphore_mem>>) {add = true}
        %dma_wait3A_725 = arith.constant 0 : i32
        %dma_wait3A_726 = tpu.memref_slice %arg10[%select_n3A_713, %run_scoped3A, %dma_wait3A_725] : memref<8x2x128xi32, #tpu.memory_space<vmem>> -> memref<1x1x128xi32, #tpu.memory_space<vmem>>
        %dma_wait3A_727 = tpu.memref_squeeze %dma_wait3A_726 : memref<1x1x128xi32, #tpu.memory_space<vmem>> -> memref<128xi32, #tpu.memory_space<vmem>>
        %dma_wait3A_728 = arith.constant 0 : i32
        %dma_wait3A_729 = tpu.memref_slice %arg14[%dma_wait3A_728] : memref<10240xf32, #tpu.memory_space<vmem_shared>> -> memref<10240xf32, #tpu.memory_space<vmem_shared>>
        tpu.wait_indirect_dma semaphore(%run_scoped3A_719 : memref<!tpu.dma_semaphore, #tpu.memory_space<semaphore_mem>>) src(%arg12 : memref<128xf32, #tpu.memory_space<vmem>>) dst(%dma_wait3A_729 : memref<10240xf32, #tpu.memory_space<vmem_shared>>)
        tpu.yield
      }) : () -> ()
      %ge3A = arith.constant 3 : i32
      %ge3A_714 = arith.cmpi sge, %while3A_600, %ge3A : i32
      %convert_element_type3A_715 = arith.extui %ge3A_714 : i1 to i32
      %cond3A_716 = arith.constant 0 : i32
      %cond3A_717 = arith.cmpi ne, %convert_element_type3A_715, %cond3A_716 : i32
      scf.if %cond3A_717 {
        %sub3A_719 = arith.constant 3 : i32
        %sub3A_720 = arith.subi %while3A_600, %sub3A_719 : i32
        %jit3A_721 = arith.constant 4 : i32
        %eq3A_722 = arith.constant 0 : i32
        %eq3A_723 = arith.cmpi eq, %jit3A_721, %eq3A_722 : i32
        %jit3A_724 = arith.constant 1 : i32
        %select_n3A_725 = arith.select %eq3A_723, %jit3A_724, %jit3A_721 : i32
        %rem3A_726 = arith.remsi %sub3A_720, %select_n3A_725 : i32
        %ne3A_727 = arith.constant 0 : i32
        %ne3A_728 = arith.cmpi ne, %rem3A_726, %ne3A_727 : i32
        %lt3A_729 = arith.constant 0 : i32
        %lt3A_730 = arith.cmpi slt, %rem3A_726, %lt3A_729 : i32
        %lt3A_731 = arith.constant 0 : i32
        %lt3A_732 = arith.cmpi slt, %select_n3A_725, %lt3A_731 : i32
        %ne3A_733 = arith.xori %lt3A_730, %lt3A_732 : i1
        %and3A_734 = arith.andi %ne3A_733, %ne3A_728 : i1
        %add3A_735 = arith.addi %rem3A_726, %select_n3A_725 : i32
        %select_n3A_736 = arith.select %and3A_734, %add3A_735, %rem3A_726 : i32
        %mul3A_737 = arith.constant 128 : i32
        %mul3A_738 = arith.muli %select_n3A_736, %mul3A_737 : i32
        %jit3A_739 = arith.constant 8 : i32
        %eq3A_740 = arith.constant 0 : i32
        %eq3A_741 = arith.cmpi eq, %jit3A_739, %eq3A_740 : i32
        %jit3A_742 = arith.constant 1 : i32
        %select_n3A_743 = arith.select %eq3A_741, %jit3A_742, %jit3A_739 : i32
        %rem3A_744 = arith.remsi %sub3A_720, %select_n3A_743 : i32
        %ne3A_745 = arith.constant 0 : i32
        %ne3A_746 = arith.cmpi ne, %rem3A_744, %ne3A_745 : i32
        %lt3A_747 = arith.constant 0 : i32
        %lt3A_748 = arith.cmpi slt, %rem3A_744, %lt3A_747 : i32
        %lt3A_749 = arith.constant 0 : i32
        %lt3A_750 = arith.cmpi slt, %select_n3A_743, %lt3A_749 : i32
        %ne3A_751 = arith.xori %lt3A_748, %lt3A_750 : i1
        %and3A_752 = arith.andi %ne3A_751, %ne3A_746 : i1
        %add3A_753 = arith.addi %rem3A_744, %select_n3A_743 : i32
        %select_n3A_754 = arith.select %and3A_752, %add3A_753, %rem3A_744 : i32
        %dma_wait3A_755 = arith.constant 1 : i32
        %dma_wait3A_756 = arith.constant 0 : i32
        %dma_wait3A_757 = tpu.memref_slice %arg11[%mul3A_738, %dma_wait3A_756] : memref<512x64xf32, #tpu.memory_space<vmem>> -> memref<128x64xf32, #tpu.memory_space<vmem>>
        %dma_wait3A_758 = arith.constant 0 : i32
        %dma_wait3A_759 = tpu.memref_slice %arg10[%select_n3A_754, %dma_wait3A_755, %dma_wait3A_758] : memref<8x2x128xi32, #tpu.memory_space<vmem>> -> memref<1x1x128xi32, #tpu.memory_space<vmem>>
        %dma_wait3A_760 = tpu.memref_squeeze %dma_wait3A_759 : memref<1x1x128xi32, #tpu.memory_space<vmem>> -> memref<128xi32, #tpu.memory_space<vmem>>
        %dma_wait3A_761 = arith.constant 0 : i32
        %dma_wait3A_762 = arith.constant 0 : i32
        %dma_wait3A_763 = tpu.memref_slice %arg13[%dma_wait3A_761, %dma_wait3A_762] : memref<10240x64xf32, #tpu.memory_space<vmem_shared>> -> memref<10240x64xf32, #tpu.memory_space<vmem_shared>>
        tpu.wait_indirect_dma semaphore(%arg18 : memref<!tpu.dma_semaphore, #tpu.memory_space<semaphore_mem>>) src(%dma_wait3A_757 : memref<128x64xf32, #tpu.memory_space<vmem>>) dst(%dma_wait3A_763 : memref<10240x64xf32, #tpu.memory_space<vmem_shared>>)
      } else {
      }
      %while3A_718 = arith.constant 0 : i32
      scf.yield %while3A_718 : i32
    }
    %sub3A = arith.constant 3 : i32
    %sub3A_187 = arith.subi %select_n3A, %sub3A : i32
    %add3A_188 = arith.constant 0 : i32
    %add3A_189 = arith.addi %sub3A_187, %add3A_188 : i32
    %jit3A_190 = arith.constant 4 : i32
    %eq3A_191 = arith.constant 0 : i32
    %eq3A_192 = arith.cmpi eq, %jit3A_190, %eq3A_191 : i32
    %jit3A_193 = arith.constant 1 : i32
    %select_n3A_194 = arith.select %eq3A_192, %jit3A_193, %jit3A_190 : i32
    %rem3A = arith.remsi %add3A_189, %select_n3A_194 : i32
    %ne3A = arith.constant 0 : i32
    %ne3A_195 = arith.cmpi ne, %rem3A, %ne3A : i32
    %lt3A = arith.constant 0 : i32
    %lt3A_196 = arith.cmpi slt, %rem3A, %lt3A : i32
    %lt3A_197 = arith.constant 0 : i32
    %lt3A_198 = arith.cmpi slt, %select_n3A_194, %lt3A_197 : i32
    %ne3A_199 = arith.xori %lt3A_196, %lt3A_198 : i1
    %and3A = arith.andi %ne3A_199, %ne3A_195 : i1
    %add3A_200 = arith.addi %rem3A, %select_n3A_194 : i32
    %select_n3A_201 = arith.select %and3A, %add3A_200, %rem3A : i32
    %mul3A_202 = arith.constant 128 : i32
    %mul3A_203 = arith.muli %select_n3A_201, %mul3A_202 : i32
    %jit3A_204 = arith.constant 8 : i32
    %eq3A_205 = arith.constant 0 : i32
    %eq3A_206 = arith.cmpi eq, %jit3A_204, %eq3A_205 : i32
    %jit3A_207 = arith.constant 1 : i32
    %select_n3A_208 = arith.select %eq3A_206, %jit3A_207, %jit3A_204 : i32
    %rem3A_209 = arith.remsi %add3A_189, %select_n3A_208 : i32
    %ne3A_210 = arith.constant 0 : i32
    %ne3A_211 = arith.cmpi ne, %rem3A_209, %ne3A_210 : i32
    %lt3A_212 = arith.constant 0 : i32
    %lt3A_213 = arith.cmpi slt, %rem3A_209, %lt3A_212 : i32
    %lt3A_214 = arith.constant 0 : i32
    %lt3A_215 = arith.cmpi slt, %select_n3A_208, %lt3A_214 : i32
    %ne3A_216 = arith.xori %lt3A_213, %lt3A_215 : i1
    %and3A_217 = arith.andi %ne3A_216, %ne3A_211 : i1
    %add3A_218 = arith.addi %rem3A_209, %select_n3A_208 : i32
    %select_n3A_219 = arith.select %and3A_217, %add3A_218, %rem3A_209 : i32
    %dma_wait3A_220 = arith.constant 1 : i32
    %dma_wait3A_221 = arith.constant 0 : i32
    %dma_wait3A_222 = tpu.memref_slice %arg11[%mul3A_203, %dma_wait3A_221] : memref<512x64xf32, #tpu.memory_space<vmem>> -> memref<128x64xf32, #tpu.memory_space<vmem>>
    %dma_wait3A_223 = arith.constant 0 : i32
    %dma_wait3A_224 = tpu.memref_slice %arg10[%select_n3A_219, %dma_wait3A_220, %dma_wait3A_223] : memref<8x2x128xi32, #tpu.memory_space<vmem>> -> memref<1x1x128xi32, #tpu.memory_space<vmem>>
    %dma_wait3A_225 = tpu.memref_squeeze %dma_wait3A_224 : memref<1x1x128xi32, #tpu.memory_space<vmem>> -> memref<128xi32, #tpu.memory_space<vmem>>
    %dma_wait3A_226 = arith.constant 0 : i32
    %dma_wait3A_227 = arith.constant 0 : i32
    %dma_wait3A_228 = tpu.memref_slice %arg13[%dma_wait3A_226, %dma_wait3A_227] : memref<10240x64xf32, #tpu.memory_space<vmem_shared>> -> memref<10240x64xf32, #tpu.memory_space<vmem_shared>>
    tpu.wait_indirect_dma semaphore(%arg18 : memref<!tpu.dma_semaphore, #tpu.memory_space<semaphore_mem>>) src(%dma_wait3A_222 : memref<128x64xf32, #tpu.memory_space<vmem>>) dst(%dma_wait3A_228 : memref<10240x64xf32, #tpu.memory_space<vmem_shared>>)
    %sub3A_229 = arith.constant 3 : i32
    %sub3A_230 = arith.subi %select_n3A, %sub3A_229 : i32
    %add3A_231 = arith.constant 1 : i32
    %add3A_232 = arith.addi %sub3A_230, %add3A_231 : i32
    %jit3A_233 = arith.constant 4 : i32
    %eq3A_234 = arith.constant 0 : i32
    %eq3A_235 = arith.cmpi eq, %jit3A_233, %eq3A_234 : i32
    %jit3A_236 = arith.constant 1 : i32
    %select_n3A_237 = arith.select %eq3A_235, %jit3A_236, %jit3A_233 : i32
    %rem3A_238 = arith.remsi %add3A_232, %select_n3A_237 : i32
    %ne3A_239 = arith.constant 0 : i32
    %ne3A_240 = arith.cmpi ne, %rem3A_238, %ne3A_239 : i32
    %lt3A_241 = arith.constant 0 : i32
    %lt3A_242 = arith.cmpi slt, %rem3A_238, %lt3A_241 : i32
    %lt3A_243 = arith.constant 0 : i32
    %lt3A_244 = arith.cmpi slt, %select_n3A_237, %lt3A_243 : i32
    %ne3A_245 = arith.xori %lt3A_242, %lt3A_244 : i1
    %and3A_246 = arith.andi %ne3A_245, %ne3A_240 : i1
    %add3A_247 = arith.addi %rem3A_238, %select_n3A_237 : i32
    %select_n3A_248 = arith.select %and3A_246, %add3A_247, %rem3A_238 : i32
    %mul3A_249 = arith.constant 128 : i32
    %mul3A_250 = arith.muli %select_n3A_248, %mul3A_249 : i32
    %jit3A_251 = arith.constant 8 : i32
    %eq3A_252 = arith.constant 0 : i32
    %eq3A_253 = arith.cmpi eq, %jit3A_251, %eq3A_252 : i32
    %jit3A_254 = arith.constant 1 : i32
    %select_n3A_255 = arith.select %eq3A_253, %jit3A_254, %jit3A_251 : i32
    %rem3A_256 = arith.remsi %add3A_232, %select_n3A_255 : i32
    %ne3A_257 = arith.constant 0 : i32
    %ne3A_258 = arith.cmpi ne, %rem3A_256, %ne3A_257 : i32
    %lt3A_259 = arith.constant 0 : i32
    %lt3A_260 = arith.cmpi slt, %rem3A_256, %lt3A_259 : i32
    %lt3A_261 = arith.constant 0 : i32
    %lt3A_262 = arith.cmpi slt, %select_n3A_255, %lt3A_261 : i32
    %ne3A_263 = arith.xori %lt3A_260, %lt3A_262 : i1
    %and3A_264 = arith.andi %ne3A_263, %ne3A_258 : i1
    %add3A_265 = arith.addi %rem3A_256, %select_n3A_255 : i32
    %select_n3A_266 = arith.select %and3A_264, %add3A_265, %rem3A_256 : i32
    %dma_wait3A_267 = arith.constant 1 : i32
    %dma_wait3A_268 = arith.constant 0 : i32
    %dma_wait3A_269 = tpu.memref_slice %arg11[%mul3A_250, %dma_wait3A_268] : memref<512x64xf32, #tpu.memory_space<vmem>> -> memref<128x64xf32, #tpu.memory_space<vmem>>
    %dma_wait3A_270 = arith.constant 0 : i32
    %dma_wait3A_271 = tpu.memref_slice %arg10[%select_n3A_266, %dma_wait3A_267, %dma_wait3A_270] : memref<8x2x128xi32, #tpu.memory_space<vmem>> -> memref<1x1x128xi32, #tpu.memory_space<vmem>>
    %dma_wait3A_272 = tpu.memref_squeeze %dma_wait3A_271 : memref<1x1x128xi32, #tpu.memory_space<vmem>> -> memref<128xi32, #tpu.memory_space<vmem>>
    %dma_wait3A_273 = arith.constant 0 : i32
    %dma_wait3A_274 = arith.constant 0 : i32
    %dma_wait3A_275 = tpu.memref_slice %arg13[%dma_wait3A_273, %dma_wait3A_274] : memref<10240x64xf32, #tpu.memory_space<vmem_shared>> -> memref<10240x64xf32, #tpu.memory_space<vmem_shared>>
    tpu.wait_indirect_dma semaphore(%arg18 : memref<!tpu.dma_semaphore, #tpu.memory_space<semaphore_mem>>) src(%dma_wait3A_269 : memref<128x64xf32, #tpu.memory_space<vmem>>) dst(%dma_wait3A_275 : memref<10240x64xf32, #tpu.memory_space<vmem_shared>>)
    %sub3A_276 = arith.constant 3 : i32
    %sub3A_277 = arith.subi %select_n3A, %sub3A_276 : i32
    %add3A_278 = arith.constant 2 : i32
    %add3A_279 = arith.addi %sub3A_277, %add3A_278 : i32
    %jit3A_280 = arith.constant 4 : i32
    %eq3A_281 = arith.constant 0 : i32
    %eq3A_282 = arith.cmpi eq, %jit3A_280, %eq3A_281 : i32
    %jit3A_283 = arith.constant 1 : i32
    %select_n3A_284 = arith.select %eq3A_282, %jit3A_283, %jit3A_280 : i32
    %rem3A_285 = arith.remsi %add3A_279, %select_n3A_284 : i32
    %ne3A_286 = arith.constant 0 : i32
    %ne3A_287 = arith.cmpi ne, %rem3A_285, %ne3A_286 : i32
    %lt3A_288 = arith.constant 0 : i32
    %lt3A_289 = arith.cmpi slt, %rem3A_285, %lt3A_288 : i32
    %lt3A_290 = arith.constant 0 : i32
    %lt3A_291 = arith.cmpi slt, %select_n3A_284, %lt3A_290 : i32
    %ne3A_292 = arith.xori %lt3A_289, %lt3A_291 : i1
    %and3A_293 = arith.andi %ne3A_292, %ne3A_287 : i1
    %add3A_294 = arith.addi %rem3A_285, %select_n3A_284 : i32
    %select_n3A_295 = arith.select %and3A_293, %add3A_294, %rem3A_285 : i32
    %mul3A_296 = arith.constant 128 : i32
    %mul3A_297 = arith.muli %select_n3A_295, %mul3A_296 : i32
    %jit3A_298 = arith.constant 8 : i32
    %eq3A_299 = arith.constant 0 : i32
    %eq3A_300 = arith.cmpi eq, %jit3A_298, %eq3A_299 : i32
    %jit3A_301 = arith.constant 1 : i32
    %select_n3A_302 = arith.select %eq3A_300, %jit3A_301, %jit3A_298 : i32
    %rem3A_303 = arith.remsi %add3A_279, %select_n3A_302 : i32
    %ne3A_304 = arith.constant 0 : i32
    %ne3A_305 = arith.cmpi ne, %rem3A_303, %ne3A_304 : i32
    %lt3A_306 = arith.constant 0 : i32
    %lt3A_307 = arith.cmpi slt, %rem3A_303, %lt3A_306 : i32
    %lt3A_308 = arith.constant 0 : i32
    %lt3A_309 = arith.cmpi slt, %select_n3A_302, %lt3A_308 : i32
    %ne3A_310 = arith.xori %lt3A_307, %lt3A_309 : i1
    %and3A_311 = arith.andi %ne3A_310, %ne3A_305 : i1
    %add3A_312 = arith.addi %rem3A_303, %select_n3A_302 : i32
    %select_n3A_313 = arith.select %and3A_311, %add3A_312, %rem3A_303 : i32
    %dma_wait3A_314 = arith.constant 1 : i32
    %dma_wait3A_315 = arith.constant 0 : i32
    %dma_wait3A_316 = tpu.memref_slice %arg11[%mul3A_297, %dma_wait3A_315] : memref<512x64xf32, #tpu.memory_space<vmem>> -> memref<128x64xf32, #tpu.memory_space<vmem>>
    %dma_wait3A_317 = arith.constant 0 : i32
    %dma_wait3A_318 = tpu.memref_slice %arg10[%select_n3A_313, %dma_wait3A_314, %dma_wait3A_317] : memref<8x2x128xi32, #tpu.memory_space<vmem>> -> memref<1x1x128xi32, #tpu.memory_space<vmem>>
    %dma_wait3A_319 = tpu.memref_squeeze %dma_wait3A_318 : memref<1x1x128xi32, #tpu.memory_space<vmem>> -> memref<128xi32, #tpu.memory_space<vmem>>
    %dma_wait3A_320 = arith.constant 0 : i32
    %dma_wait3A_321 = arith.constant 0 : i32
    %dma_wait3A_322 = tpu.memref_slice %arg13[%dma_wait3A_320, %dma_wait3A_321] : memref<10240x64xf32, #tpu.memory_space<vmem_shared>> -> memref<10240x64xf32, #tpu.memory_space<vmem_shared>>
    tpu.wait_indirect_dma semaphore(%arg18 : memref<!tpu.dma_semaphore, #tpu.memory_space<semaphore_mem>>) src(%dma_wait3A_316 : memref<128x64xf32, #tpu.memory_space<vmem>>) dst(%dma_wait3A_322 : memref<10240x64xf32, #tpu.memory_space<vmem_shared>>)
    %barrier3A_323 = arith.constant 0 : index
    tpu.barrier barrier_id(%barrier3A_323)
    "tpu.region"() ({
      %run_scoped3A = tpu.sem_alloc : memref<!tpu.dma_semaphore, #tpu.memory_space<semaphore_mem>>
      %dma_start3A_600 = arith.constant 0 : i32
      %dma_start3A_601 = tpu.memref_slice %arg7[%arg0, %mul3A_0, %dma_start3A_600] : memref<2x10240x64xf32, #tpu.memory_space<hbm>> -> memref<1x640x64xf32, #tpu.memory_space<hbm>>
      %dma_start3A_602 = tpu.memref_squeeze %dma_start3A_601 : memref<1x640x64xf32, #tpu.memory_space<hbm>> -> memref<640x64xf32, #tpu.memory_space<hbm>>
      %dma_start3A_603 = arith.constant 0 : i32
      %dma_start3A_604 = tpu.memref_slice %arg13[%mul3A_0, %dma_start3A_603] : memref<10240x64xf32, #tpu.memory_space<vmem_shared>> -> memref<640x64xf32, #tpu.memory_space<vmem_shared>>
      tpu.enqueue_dma source(%dma_start3A_604 : memref<640x64xf32, #tpu.memory_space<vmem_shared>>) target(%dma_start3A_602 : memref<640x64xf32, #tpu.memory_space<hbm>>) target_semaphore(%run_scoped3A : memref<!tpu.dma_semaphore, #tpu.memory_space<semaphore_mem>>)
      %dma_wait3A_605 = arith.constant 0 : i32
      %dma_wait3A_606 = tpu.memref_slice %arg7[%arg0, %mul3A_0, %dma_wait3A_605] : memref<2x10240x64xf32, #tpu.memory_space<hbm>> -> memref<1x640x64xf32, #tpu.memory_space<hbm>>
      %dma_wait3A_607 = tpu.memref_squeeze %dma_wait3A_606 : memref<1x640x64xf32, #tpu.memory_space<hbm>> -> memref<640x64xf32, #tpu.memory_space<hbm>>
      %dma_wait3A_608 = arith.constant 0 : i32
      %dma_wait3A_609 = tpu.memref_slice %arg13[%mul3A_0, %dma_wait3A_608] : memref<10240x64xf32, #tpu.memory_space<vmem_shared>> -> memref<640x64xf32, #tpu.memory_space<vmem_shared>>
      tpu.wait_dma2 semaphore(%run_scoped3A : memref<!tpu.dma_semaphore, #tpu.memory_space<semaphore_mem>>) src(%dma_wait3A_609 : memref<640x64xf32, #tpu.memory_space<vmem_shared>>) dst(%dma_wait3A_607 : memref<640x64xf32, #tpu.memory_space<hbm>>)
      tpu.yield
    }) : () -> ()
    %mul3A_324 = arith.constant 632 : i32
    %mul3A_325 = arith.muli %arg1, %mul3A_324 : i32
    %mul3A_326 = arith.constant 632 : i32
    %mul3A_327 = arith.muli %arg1, %mul3A_326 : i32
    "tpu.region"() ({
      %run_scoped3A = tpu.sem_alloc : memref<!tpu.dma_semaphore, #tpu.memory_space<semaphore_mem>>
      %dma_start3A_600 = arith.constant 0 : i32
      %dma_start3A_601 = tpu.memref_slice %arg15[%mul3A_327, %dma_start3A_600] : memref<10112x64xf32, #tpu.memory_space<vmem_shared>> -> memref<632x64xf32, #tpu.memory_space<vmem_shared>>
      %dma_start3A_602 = arith.constant 0 : i32
      %dma_start3A_603 = tpu.memref_slice %arg3[%mul3A_325, %dma_start3A_602] : memref<10112x64xf32, #tpu.memory_space<hbm>> -> memref<632x64xf32, #tpu.memory_space<hbm>>
      tpu.enqueue_dma source(%dma_start3A_603 : memref<632x64xf32, #tpu.memory_space<hbm>>) target(%dma_start3A_601 : memref<632x64xf32, #tpu.memory_space<vmem_shared>>) target_semaphore(%run_scoped3A : memref<!tpu.dma_semaphore, #tpu.memory_space<semaphore_mem>>)
      %dma_wait3A_604 = arith.constant 0 : i32
      %dma_wait3A_605 = tpu.memref_slice %arg15[%mul3A_327, %dma_wait3A_604] : memref<10112x64xf32, #tpu.memory_space<vmem_shared>> -> memref<632x64xf32, #tpu.memory_space<vmem_shared>>
      %dma_wait3A_606 = arith.constant 0 : i32
      %dma_wait3A_607 = tpu.memref_slice %arg3[%mul3A_325, %dma_wait3A_606] : memref<10112x64xf32, #tpu.memory_space<hbm>> -> memref<632x64xf32, #tpu.memory_space<hbm>>
      tpu.wait_dma2 semaphore(%run_scoped3A : memref<!tpu.dma_semaphore, #tpu.memory_space<semaphore_mem>>) src(%dma_wait3A_607 : memref<632x64xf32, #tpu.memory_space<hbm>>) dst(%dma_wait3A_605 : memref<632x64xf32, #tpu.memory_space<vmem_shared>>)
      tpu.yield
    }) : () -> ()
    "tpu.region"() ({
      %run_scoped3A = tpu.sem_alloc : memref<!tpu.dma_semaphore, #tpu.memory_space<semaphore_mem>>
      %dma_start3A_600 = arith.constant 0 : i32
      %dma_start3A_601 = tpu.memref_slice %arg13[%mul3A_0, %dma_start3A_600] : memref<10240x64xf32, #tpu.memory_space<vmem_shared>> -> memref<640x64xf32, #tpu.memory_space<vmem_shared>>
      %dma_start3A_602 = arith.constant 0 : i32
      %dma_start3A_603 = tpu.memref_slice %arg5[%mul3A_0, %dma_start3A_602] : memref<10240x64xf32, #tpu.memory_space<hbm>> -> memref<640x64xf32, #tpu.memory_space<hbm>>
      tpu.enqueue_dma source(%dma_start3A_603 : memref<640x64xf32, #tpu.memory_space<hbm>>) target(%dma_start3A_601 : memref<640x64xf32, #tpu.memory_space<vmem_shared>>) target_semaphore(%run_scoped3A : memref<!tpu.dma_semaphore, #tpu.memory_space<semaphore_mem>>)
      %dma_wait3A_604 = arith.constant 0 : i32
      %dma_wait3A_605 = tpu.memref_slice %arg13[%mul3A_0, %dma_wait3A_604] : memref<10240x64xf32, #tpu.memory_space<vmem_shared>> -> memref<640x64xf32, #tpu.memory_space<vmem_shared>>
      %dma_wait3A_606 = arith.constant 0 : i32
      %dma_wait3A_607 = tpu.memref_slice %arg5[%mul3A_0, %dma_wait3A_606] : memref<10240x64xf32, #tpu.memory_space<hbm>> -> memref<640x64xf32, #tpu.memory_space<hbm>>
      tpu.wait_dma2 semaphore(%run_scoped3A : memref<!tpu.dma_semaphore, #tpu.memory_space<semaphore_mem>>) src(%dma_wait3A_607 : memref<640x64xf32, #tpu.memory_space<hbm>>) dst(%dma_wait3A_605 : memref<640x64xf32, #tpu.memory_space<vmem_shared>>)
      tpu.yield
    }) : () -> ()
    %barrier3A_328 = arith.constant 0 : index
    tpu.barrier barrier_id(%barrier3A_328)
    %add3A_329 = arith.constant 0 : i32
    %add3A_330 = arith.addi %select_n3A_10, %add3A_329 : i32
    %dma_start3A_331 = arith.constant 0 : i32
    %dma_start3A_332 = arith.constant 0 : i32
    %dma_start3A_333 = arith.constant 0 : i32
    %dma_start3A_334 = tpu.memref_slice %arg10[%dma_start3A_331, %dma_start3A_332, %dma_start3A_333] : memref<8x2x128xi32, #tpu.memory_space<vmem>> -> memref<1x2x128xi32, #tpu.memory_space<vmem>>
    %dma_start3A_335 = tpu.memref_squeeze %dma_start3A_334 : memref<1x2x128xi32, #tpu.memory_space<vmem>> -> memref<2x128xi32, #tpu.memory_space<vmem>>
    %dma_start3A_336 = arith.constant 0 : i32
    %dma_start3A_337 = arith.constant 0 : i32
    %dma_start3A_338 = tpu.memref_slice %arg4[%add3A_330, %dma_start3A_336, %dma_start3A_337] : memref<2560x2x128xi32, #tpu.memory_space<hbm>> -> memref<1x2x128xi32, #tpu.memory_space<hbm>>
    %dma_start3A_339 = tpu.memref_squeeze %dma_start3A_338 : memref<1x2x128xi32, #tpu.memory_space<hbm>> -> memref<2x128xi32, #tpu.memory_space<hbm>>
    %dma_start3A_340 = arith.constant 0 : i32
    %dma_start3A_341 = arith.constant 0 : i32
    %dma_start3A_342 = tpu.memref_slice %arg10[%dma_start3A_331, %dma_start3A_340, %dma_start3A_341] : memref<8x2x128xi32, #tpu.memory_space<vmem>> -> memref<1x2x128xi32, #tpu.memory_space<vmem>>
    %dma_start3A_343 = tpu.memref_squeeze %dma_start3A_342 : memref<1x2x128xi32, #tpu.memory_space<vmem>> -> memref<2x128xi32, #tpu.memory_space<vmem>>
    %dma_start3A_344 = arith.constant 0 : i32
    %dma_start3A_345 = arith.constant 0 : i32
    %dma_start3A_346 = tpu.memref_slice %arg4[%add3A_330, %dma_start3A_344, %dma_start3A_345] : memref<2560x2x128xi32, #tpu.memory_space<hbm>> -> memref<1x2x128xi32, #tpu.memory_space<hbm>>
    %dma_start3A_347 = tpu.memref_squeeze %dma_start3A_346 : memref<1x2x128xi32, #tpu.memory_space<hbm>> -> memref<2x128xi32, #tpu.memory_space<hbm>>
    tpu.enqueue_dma source(%dma_start3A_347 : memref<2x128xi32, #tpu.memory_space<hbm>>) target(%dma_start3A_343 : memref<2x128xi32, #tpu.memory_space<vmem>>) target_semaphore(%arg17 : memref<!tpu.dma_semaphore, #tpu.memory_space<semaphore_mem>>)
    %add3A_348 = arith.constant 1 : i32
    %add3A_349 = arith.addi %select_n3A_10, %add3A_348 : i32
    %dma_start3A_350 = arith.constant 1 : i32
    %dma_start3A_351 = arith.constant 0 : i32
    %dma_start3A_352 = arith.constant 0 : i32
    %dma_start3A_353 = tpu.memref_slice %arg10[%dma_start3A_350, %dma_start3A_351, %dma_start3A_352] : memref<8x2x128xi32, #tpu.memory_space<vmem>> -> memref<1x2x128xi32, #tpu.memory_space<vmem>>
    %dma_start3A_354 = tpu.memref_squeeze %dma_start3A_353 : memref<1x2x128xi32, #tpu.memory_space<vmem>> -> memref<2x128xi32, #tpu.memory_space<vmem>>
    %dma_start3A_355 = arith.constant 0 : i32
    %dma_start3A_356 = arith.constant 0 : i32
    %dma_start3A_357 = tpu.memref_slice %arg4[%add3A_349, %dma_start3A_355, %dma_start3A_356] : memref<2560x2x128xi32, #tpu.memory_space<hbm>> -> memref<1x2x128xi32, #tpu.memory_space<hbm>>
    %dma_start3A_358 = tpu.memref_squeeze %dma_start3A_357 : memref<1x2x128xi32, #tpu.memory_space<hbm>> -> memref<2x128xi32, #tpu.memory_space<hbm>>
    %dma_start3A_359 = arith.constant 0 : i32
    %dma_start3A_360 = arith.constant 0 : i32
    %dma_start3A_361 = tpu.memref_slice %arg10[%dma_start3A_350, %dma_start3A_359, %dma_start3A_360] : memref<8x2x128xi32, #tpu.memory_space<vmem>> -> memref<1x2x128xi32, #tpu.memory_space<vmem>>
    %dma_start3A_362 = tpu.memref_squeeze %dma_start3A_361 : memref<1x2x128xi32, #tpu.memory_space<vmem>> -> memref<2x128xi32, #tpu.memory_space<vmem>>
    %dma_start3A_363 = arith.constant 0 : i32
    %dma_start3A_364 = arith.constant 0 : i32
    %dma_start3A_365 = tpu.memref_slice %arg4[%add3A_349, %dma_start3A_363, %dma_start3A_364] : memref<2560x2x128xi32, #tpu.memory_space<hbm>> -> memref<1x2x128xi32, #tpu.memory_space<hbm>>
    %dma_start3A_366 = tpu.memref_squeeze %dma_start3A_365 : memref<1x2x128xi32, #tpu.memory_space<hbm>> -> memref<2x128xi32, #tpu.memory_space<hbm>>
    tpu.enqueue_dma source(%dma_start3A_366 : memref<2x128xi32, #tpu.memory_space<hbm>>) target(%dma_start3A_362 : memref<2x128xi32, #tpu.memory_space<vmem>>) target_semaphore(%arg17 : memref<!tpu.dma_semaphore, #tpu.memory_space<semaphore_mem>>)
    %add3A_367 = arith.constant 2 : i32
    %add3A_368 = arith.addi %select_n3A_10, %add3A_367 : i32
    %dma_start3A_369 = arith.constant 2 : i32
    %dma_start3A_370 = arith.constant 0 : i32
    %dma_start3A_371 = arith.constant 0 : i32
    %dma_start3A_372 = tpu.memref_slice %arg10[%dma_start3A_369, %dma_start3A_370, %dma_start3A_371] : memref<8x2x128xi32, #tpu.memory_space<vmem>> -> memref<1x2x128xi32, #tpu.memory_space<vmem>>
    %dma_start3A_373 = tpu.memref_squeeze %dma_start3A_372 : memref<1x2x128xi32, #tpu.memory_space<vmem>> -> memref<2x128xi32, #tpu.memory_space<vmem>>
    %dma_start3A_374 = arith.constant 0 : i32
    %dma_start3A_375 = arith.constant 0 : i32
    %dma_start3A_376 = tpu.memref_slice %arg4[%add3A_368, %dma_start3A_374, %dma_start3A_375] : memref<2560x2x128xi32, #tpu.memory_space<hbm>> -> memref<1x2x128xi32, #tpu.memory_space<hbm>>
    %dma_start3A_377 = tpu.memref_squeeze %dma_start3A_376 : memref<1x2x128xi32, #tpu.memory_space<hbm>> -> memref<2x128xi32, #tpu.memory_space<hbm>>
    %dma_start3A_378 = arith.constant 0 : i32
    %dma_start3A_379 = arith.constant 0 : i32
    %dma_start3A_380 = tpu.memref_slice %arg10[%dma_start3A_369, %dma_start3A_378, %dma_start3A_379] : memref<8x2x128xi32, #tpu.memory_space<vmem>> -> memref<1x2x128xi32, #tpu.memory_space<vmem>>
    %dma_start3A_381 = tpu.memref_squeeze %dma_start3A_380 : memref<1x2x128xi32, #tpu.memory_space<vmem>> -> memref<2x128xi32, #tpu.memory_space<vmem>>
    %dma_start3A_382 = arith.constant 0 : i32
    %dma_start3A_383 = arith.constant 0 : i32
    %dma_start3A_384 = tpu.memref_slice %arg4[%add3A_368, %dma_start3A_382, %dma_start3A_383] : memref<2560x2x128xi32, #tpu.memory_space<hbm>> -> memref<1x2x128xi32, #tpu.memory_space<hbm>>
    %dma_start3A_385 = tpu.memref_squeeze %dma_start3A_384 : memref<1x2x128xi32, #tpu.memory_space<hbm>> -> memref<2x128xi32, #tpu.memory_space<hbm>>
    tpu.enqueue_dma source(%dma_start3A_385 : memref<2x128xi32, #tpu.memory_space<hbm>>) target(%dma_start3A_381 : memref<2x128xi32, #tpu.memory_space<vmem>>) target_semaphore(%arg17 : memref<!tpu.dma_semaphore, #tpu.memory_space<semaphore_mem>>)
    %add3A_386 = arith.constant 0 : i32
    %add3A_387 = arith.addi %select_n3A_10, %add3A_386 : i32
    %dma_wait3A_388 = arith.constant 0 : i32
    %dma_wait3A_389 = arith.constant 0 : i32
    %dma_wait3A_390 = arith.constant 0 : i32
    %dma_wait3A_391 = tpu.memref_slice %arg10[%dma_wait3A_388, %dma_wait3A_389, %dma_wait3A_390] : memref<8x2x128xi32, #tpu.memory_space<vmem>> -> memref<1x2x128xi32, #tpu.memory_space<vmem>>
    %dma_wait3A_392 = tpu.memref_squeeze %dma_wait3A_391 : memref<1x2x128xi32, #tpu.memory_space<vmem>> -> memref<2x128xi32, #tpu.memory_space<vmem>>
    %dma_wait3A_393 = arith.constant 0 : i32
    %dma_wait3A_394 = arith.constant 0 : i32
    %dma_wait3A_395 = tpu.memref_slice %arg4[%add3A_387, %dma_wait3A_393, %dma_wait3A_394] : memref<2560x2x128xi32, #tpu.memory_space<hbm>> -> memref<1x2x128xi32, #tpu.memory_space<hbm>>
    %dma_wait3A_396 = tpu.memref_squeeze %dma_wait3A_395 : memref<1x2x128xi32, #tpu.memory_space<hbm>> -> memref<2x128xi32, #tpu.memory_space<hbm>>
    %dma_wait3A_397 = arith.constant 0 : i32
    %dma_wait3A_398 = arith.constant 0 : i32
    %dma_wait3A_399 = tpu.memref_slice %arg10[%dma_wait3A_388, %dma_wait3A_397, %dma_wait3A_398] : memref<8x2x128xi32, #tpu.memory_space<vmem>> -> memref<1x2x128xi32, #tpu.memory_space<vmem>>
    %dma_wait3A_400 = tpu.memref_squeeze %dma_wait3A_399 : memref<1x2x128xi32, #tpu.memory_space<vmem>> -> memref<2x128xi32, #tpu.memory_space<vmem>>
    %dma_wait3A_401 = arith.constant 0 : i32
    %dma_wait3A_402 = arith.constant 0 : i32
    %dma_wait3A_403 = tpu.memref_slice %arg4[%add3A_387, %dma_wait3A_401, %dma_wait3A_402] : memref<2560x2x128xi32, #tpu.memory_space<hbm>> -> memref<1x2x128xi32, #tpu.memory_space<hbm>>
    %dma_wait3A_404 = tpu.memref_squeeze %dma_wait3A_403 : memref<1x2x128xi32, #tpu.memory_space<hbm>> -> memref<2x128xi32, #tpu.memory_space<hbm>>
    tpu.wait_dma2 semaphore(%arg17 : memref<!tpu.dma_semaphore, #tpu.memory_space<semaphore_mem>>) src(%dma_wait3A_404 : memref<2x128xi32, #tpu.memory_space<hbm>>) dst(%dma_wait3A_400 : memref<2x128xi32, #tpu.memory_space<vmem>>)
    %dma_start3A_405 = arith.constant 0 : i32
    %dma_start3A_406 = arith.constant 0 : i32
    %dma_start3A_407 = arith.constant 0 : i32
    %dma_start3A_408 = arith.constant 0 : i32
    %dma_start3A_409 = tpu.memref_slice %arg11[%dma_start3A_407, %dma_start3A_408] : memref<512x64xf32, #tpu.memory_space<vmem>> -> memref<128x64xf32, #tpu.memory_space<vmem>>
    %dma_start3A_410 = arith.constant 0 : i32
    %dma_start3A_411 = tpu.memref_slice %arg10[%dma_start3A_405, %dma_start3A_406, %dma_start3A_410] : memref<8x2x128xi32, #tpu.memory_space<vmem>> -> memref<1x1x128xi32, #tpu.memory_space<vmem>>
    %dma_start3A_412 = tpu.memref_squeeze %dma_start3A_411 : memref<1x1x128xi32, #tpu.memory_space<vmem>> -> memref<128xi32, #tpu.memory_space<vmem>>
    %dma_start3A_413 = arith.constant 0 : i32
    %dma_start3A_414 = arith.constant 0 : i32
    %dma_start3A_415 = tpu.memref_slice %arg15[%dma_start3A_413, %dma_start3A_414] : memref<10112x64xf32, #tpu.memory_space<vmem_shared>> -> memref<10112x64xf32, #tpu.memory_space<vmem_shared>>
    tpu.enqueue_indirect_dma source(%dma_start3A_415 : memref<10112x64xf32, #tpu.memory_space<vmem_shared>>) target(%dma_start3A_409 : memref<128x64xf32, #tpu.memory_space<vmem>>) offsets(%dma_start3A_412 : memref<128xi32, #tpu.memory_space<vmem>>) semaphore(%arg16 : memref<!tpu.dma_semaphore, #tpu.memory_space<semaphore_mem>>)
    %add3A_416 = arith.constant 1 : i32
    %add3A_417 = arith.addi %select_n3A_10, %add3A_416 : i32
    %dma_wait3A_418 = arith.constant 1 : i32
    %dma_wait3A_419 = arith.constant 0 : i32
    %dma_wait3A_420 = arith.constant 0 : i32
    %dma_wait3A_421 = tpu.memref_slice %arg10[%dma_wait3A_418, %dma_wait3A_419, %dma_wait3A_420] : memref<8x2x128xi32, #tpu.memory_space<vmem>> -> memref<1x2x128xi32, #tpu.memory_space<vmem>>
    %dma_wait3A_422 = tpu.memref_squeeze %dma_wait3A_421 : memref<1x2x128xi32, #tpu.memory_space<vmem>> -> memref<2x128xi32, #tpu.memory_space<vmem>>
    %dma_wait3A_423 = arith.constant 0 : i32
    %dma_wait3A_424 = arith.constant 0 : i32
    %dma_wait3A_425 = tpu.memref_slice %arg4[%add3A_417, %dma_wait3A_423, %dma_wait3A_424] : memref<2560x2x128xi32, #tpu.memory_space<hbm>> -> memref<1x2x128xi32, #tpu.memory_space<hbm>>
    %dma_wait3A_426 = tpu.memref_squeeze %dma_wait3A_425 : memref<1x2x128xi32, #tpu.memory_space<hbm>> -> memref<2x128xi32, #tpu.memory_space<hbm>>
    %dma_wait3A_427 = arith.constant 0 : i32
    %dma_wait3A_428 = arith.constant 0 : i32
    %dma_wait3A_429 = tpu.memref_slice %arg10[%dma_wait3A_418, %dma_wait3A_427, %dma_wait3A_428] : memref<8x2x128xi32, #tpu.memory_space<vmem>> -> memref<1x2x128xi32, #tpu.memory_space<vmem>>
    %dma_wait3A_430 = tpu.memref_squeeze %dma_wait3A_429 : memref<1x2x128xi32, #tpu.memory_space<vmem>> -> memref<2x128xi32, #tpu.memory_space<vmem>>
    %dma_wait3A_431 = arith.constant 0 : i32
    %dma_wait3A_432 = arith.constant 0 : i32
    %dma_wait3A_433 = tpu.memref_slice %arg4[%add3A_417, %dma_wait3A_431, %dma_wait3A_432] : memref<2560x2x128xi32, #tpu.memory_space<hbm>> -> memref<1x2x128xi32, #tpu.memory_space<hbm>>
    %dma_wait3A_434 = tpu.memref_squeeze %dma_wait3A_433 : memref<1x2x128xi32, #tpu.memory_space<hbm>> -> memref<2x128xi32, #tpu.memory_space<hbm>>
    tpu.wait_dma2 semaphore(%arg17 : memref<!tpu.dma_semaphore, #tpu.memory_space<semaphore_mem>>) src(%dma_wait3A_434 : memref<2x128xi32, #tpu.memory_space<hbm>>) dst(%dma_wait3A_430 : memref<2x128xi32, #tpu.memory_space<vmem>>)
    %dma_start3A_435 = arith.constant 1 : i32
    %dma_start3A_436 = arith.constant 0 : i32
    %dma_start3A_437 = arith.constant 128 : i32
    %dma_start3A_438 = arith.constant 0 : i32
    %dma_start3A_439 = tpu.memref_slice %arg11[%dma_start3A_437, %dma_start3A_438] : memref<512x64xf32, #tpu.memory_space<vmem>> -> memref<128x64xf32, #tpu.memory_space<vmem>>
    %dma_start3A_440 = arith.constant 0 : i32
    %dma_start3A_441 = tpu.memref_slice %arg10[%dma_start3A_435, %dma_start3A_436, %dma_start3A_440] : memref<8x2x128xi32, #tpu.memory_space<vmem>> -> memref<1x1x128xi32, #tpu.memory_space<vmem>>
    %dma_start3A_442 = tpu.memref_squeeze %dma_start3A_441 : memref<1x1x128xi32, #tpu.memory_space<vmem>> -> memref<128xi32, #tpu.memory_space<vmem>>
    %dma_start3A_443 = arith.constant 0 : i32
    %dma_start3A_444 = arith.constant 0 : i32
    %dma_start3A_445 = tpu.memref_slice %arg15[%dma_start3A_443, %dma_start3A_444] : memref<10112x64xf32, #tpu.memory_space<vmem_shared>> -> memref<10112x64xf32, #tpu.memory_space<vmem_shared>>
    tpu.enqueue_indirect_dma source(%dma_start3A_445 : memref<10112x64xf32, #tpu.memory_space<vmem_shared>>) target(%dma_start3A_439 : memref<128x64xf32, #tpu.memory_space<vmem>>) offsets(%dma_start3A_442 : memref<128xi32, #tpu.memory_space<vmem>>) semaphore(%arg16 : memref<!tpu.dma_semaphore, #tpu.memory_space<semaphore_mem>>)
    %while3A_446 = arith.constant 0 : i32
    %while3A_447 = arith.constant 0 : i32
    %while3A_448 = arith.subi %select_n3A, %while3A_446 : i32
    %while3A_449 = arith.addi %while3A_446, %while3A_448 : i32
    %while3A_450 = arith.constant 1 : i32
    %while3A_451 = arith.divsi %while3A_448, %while3A_450 : i32
    %while3A_452 = arith.muli %while3A_451, %while3A_450 : i32
    %while3A_453 = arith.addi %while3A_446, %while3A_452 : i32
    %while3A_454 = arith.constant 1 : i32
    %while3A_455 = scf.for %while3A_600 = %while3A_446 to %while3A_453 step %while3A_454 iter_args(%while3A_601 = %while3A_447) -> (i32)  : i32 {
      %add3A_602 = arith.constant 3 : i32
      %add3A_603 = arith.addi %while3A_600, %add3A_602 : i32
      %lt3A_604 = arith.cmpi slt, %add3A_603, %select_n3A : i32
      %convert_element_type3A = arith.extui %lt3A_604 : i1 to i32
      %cond3A = arith.constant 0 : i32
      %cond3A_605 = arith.cmpi ne, %convert_element_type3A, %cond3A : i32
      scf.if %cond3A_605 {
        %add3A_703 = arith.constant 3 : i32
        %add3A_704 = arith.addi %while3A_600, %add3A_703 : i32
        %add3A_705 = arith.addi %select_n3A_10, %add3A_704 : i32
        %jit3A_706 = arith.constant 8 : i32
        %eq3A_707 = arith.constant 0 : i32
        %eq3A_708 = arith.cmpi eq, %jit3A_706, %eq3A_707 : i32
        %jit3A_709 = arith.constant 1 : i32
        %select_n3A_710 = arith.select %eq3A_708, %jit3A_709, %jit3A_706 : i32
        %rem3A_711 = arith.remsi %add3A_704, %select_n3A_710 : i32
        %ne3A_712 = arith.constant 0 : i32
        %ne3A_713 = arith.cmpi ne, %rem3A_711, %ne3A_712 : i32
        %lt3A_714 = arith.constant 0 : i32
        %lt3A_715 = arith.cmpi slt, %rem3A_711, %lt3A_714 : i32
        %lt3A_716 = arith.constant 0 : i32
        %lt3A_717 = arith.cmpi slt, %select_n3A_710, %lt3A_716 : i32
        %ne3A_718 = arith.xori %lt3A_715, %lt3A_717 : i1
        %and3A_719 = arith.andi %ne3A_718, %ne3A_713 : i1
        %add3A_720 = arith.addi %rem3A_711, %select_n3A_710 : i32
        %select_n3A_721 = arith.select %and3A_719, %add3A_720, %rem3A_711 : i32
        %dma_start3A_722 = arith.constant 0 : i32
        %dma_start3A_723 = arith.constant 0 : i32
        %dma_start3A_724 = tpu.memref_slice %arg10[%select_n3A_721, %dma_start3A_722, %dma_start3A_723] : memref<8x2x128xi32, #tpu.memory_space<vmem>> -> memref<1x2x128xi32, #tpu.memory_space<vmem>>
        %dma_start3A_725 = tpu.memref_squeeze %dma_start3A_724 : memref<1x2x128xi32, #tpu.memory_space<vmem>> -> memref<2x128xi32, #tpu.memory_space<vmem>>
        %dma_start3A_726 = arith.constant 0 : i32
        %dma_start3A_727 = arith.constant 0 : i32
        %dma_start3A_728 = tpu.memref_slice %arg4[%add3A_705, %dma_start3A_726, %dma_start3A_727] : memref<2560x2x128xi32, #tpu.memory_space<hbm>> -> memref<1x2x128xi32, #tpu.memory_space<hbm>>
        %dma_start3A_729 = tpu.memref_squeeze %dma_start3A_728 : memref<1x2x128xi32, #tpu.memory_space<hbm>> -> memref<2x128xi32, #tpu.memory_space<hbm>>
        %dma_start3A_730 = arith.constant 0 : i32
        %dma_start3A_731 = arith.constant 0 : i32
        %dma_start3A_732 = tpu.memref_slice %arg10[%select_n3A_721, %dma_start3A_730, %dma_start3A_731] : memref<8x2x128xi32, #tpu.memory_space<vmem>> -> memref<1x2x128xi32, #tpu.memory_space<vmem>>
        %dma_start3A_733 = tpu.memref_squeeze %dma_start3A_732 : memref<1x2x128xi32, #tpu.memory_space<vmem>> -> memref<2x128xi32, #tpu.memory_space<vmem>>
        %dma_start3A_734 = arith.constant 0 : i32
        %dma_start3A_735 = arith.constant 0 : i32
        %dma_start3A_736 = tpu.memref_slice %arg4[%add3A_705, %dma_start3A_734, %dma_start3A_735] : memref<2560x2x128xi32, #tpu.memory_space<hbm>> -> memref<1x2x128xi32, #tpu.memory_space<hbm>>
        %dma_start3A_737 = tpu.memref_squeeze %dma_start3A_736 : memref<1x2x128xi32, #tpu.memory_space<hbm>> -> memref<2x128xi32, #tpu.memory_space<hbm>>
        tpu.enqueue_dma source(%dma_start3A_737 : memref<2x128xi32, #tpu.memory_space<hbm>>) target(%dma_start3A_733 : memref<2x128xi32, #tpu.memory_space<vmem>>) target_semaphore(%arg17 : memref<!tpu.dma_semaphore, #tpu.memory_space<semaphore_mem>>)
      } else {
      }
      %add3A_606 = arith.constant 2 : i32
      %add3A_607 = arith.addi %while3A_600, %add3A_606 : i32
      %lt3A_608 = arith.cmpi slt, %add3A_607, %select_n3A : i32
      %convert_element_type3A_609 = arith.extui %lt3A_608 : i1 to i32
      %cond3A_610 = arith.constant 0 : i32
      %cond3A_611 = arith.cmpi ne, %convert_element_type3A_609, %cond3A_610 : i32
      scf.if %cond3A_611 {
        %add3A_703 = arith.constant 2 : i32
        %add3A_704 = arith.addi %while3A_600, %add3A_703 : i32
        %add3A_705 = arith.addi %select_n3A_10, %add3A_704 : i32
        %jit3A_706 = arith.constant 8 : i32
        %eq3A_707 = arith.constant 0 : i32
        %eq3A_708 = arith.cmpi eq, %jit3A_706, %eq3A_707 : i32
        %jit3A_709 = arith.constant 1 : i32
        %select_n3A_710 = arith.select %eq3A_708, %jit3A_709, %jit3A_706 : i32
        %rem3A_711 = arith.remsi %add3A_704, %select_n3A_710 : i32
        %ne3A_712 = arith.constant 0 : i32
        %ne3A_713 = arith.cmpi ne, %rem3A_711, %ne3A_712 : i32
        %lt3A_714 = arith.constant 0 : i32
        %lt3A_715 = arith.cmpi slt, %rem3A_711, %lt3A_714 : i32
        %lt3A_716 = arith.constant 0 : i32
        %lt3A_717 = arith.cmpi slt, %select_n3A_710, %lt3A_716 : i32
        %ne3A_718 = arith.xori %lt3A_715, %lt3A_717 : i1
        %and3A_719 = arith.andi %ne3A_718, %ne3A_713 : i1
        %add3A_720 = arith.addi %rem3A_711, %select_n3A_710 : i32
        %select_n3A_721 = arith.select %and3A_719, %add3A_720, %rem3A_711 : i32
        %dma_wait3A_722 = arith.constant 0 : i32
        %dma_wait3A_723 = arith.constant 0 : i32
        %dma_wait3A_724 = tpu.memref_slice %arg10[%select_n3A_721, %dma_wait3A_722, %dma_wait3A_723] : memref<8x2x128xi32, #tpu.memory_space<vmem>> -> memref<1x2x128xi32, #tpu.memory_space<vmem>>
        %dma_wait3A_725 = tpu.memref_squeeze %dma_wait3A_724 : memref<1x2x128xi32, #tpu.memory_space<vmem>> -> memref<2x128xi32, #tpu.memory_space<vmem>>
        %dma_wait3A_726 = arith.constant 0 : i32
        %dma_wait3A_727 = arith.constant 0 : i32
        %dma_wait3A_728 = tpu.memref_slice %arg4[%add3A_705, %dma_wait3A_726, %dma_wait3A_727] : memref<2560x2x128xi32, #tpu.memory_space<hbm>> -> memref<1x2x128xi32, #tpu.memory_space<hbm>>
        %dma_wait3A_729 = tpu.memref_squeeze %dma_wait3A_728 : memref<1x2x128xi32, #tpu.memory_space<hbm>> -> memref<2x128xi32, #tpu.memory_space<hbm>>
        %dma_wait3A_730 = arith.constant 0 : i32
        %dma_wait3A_731 = arith.constant 0 : i32
        %dma_wait3A_732 = tpu.memref_slice %arg10[%select_n3A_721, %dma_wait3A_730, %dma_wait3A_731] : memref<8x2x128xi32, #tpu.memory_space<vmem>> -> memref<1x2x128xi32, #tpu.memory_space<vmem>>
        %dma_wait3A_733 = tpu.memref_squeeze %dma_wait3A_732 : memref<1x2x128xi32, #tpu.memory_space<vmem>> -> memref<2x128xi32, #tpu.memory_space<vmem>>
        %dma_wait3A_734 = arith.constant 0 : i32
        %dma_wait3A_735 = arith.constant 0 : i32
        %dma_wait3A_736 = tpu.memref_slice %arg4[%add3A_705, %dma_wait3A_734, %dma_wait3A_735] : memref<2560x2x128xi32, #tpu.memory_space<hbm>> -> memref<1x2x128xi32, #tpu.memory_space<hbm>>
        %dma_wait3A_737 = tpu.memref_squeeze %dma_wait3A_736 : memref<1x2x128xi32, #tpu.memory_space<hbm>> -> memref<2x128xi32, #tpu.memory_space<hbm>>
        tpu.wait_dma2 semaphore(%arg17 : memref<!tpu.dma_semaphore, #tpu.memory_space<semaphore_mem>>) src(%dma_wait3A_737 : memref<2x128xi32, #tpu.memory_space<hbm>>) dst(%dma_wait3A_733 : memref<2x128xi32, #tpu.memory_space<vmem>>)
        %add3A_738 = arith.constant 2 : i32
        %add3A_739 = arith.addi %while3A_600, %add3A_738 : i32
        %jit3A_740 = arith.constant 8 : i32
        %eq3A_741 = arith.constant 0 : i32
        %eq3A_742 = arith.cmpi eq, %jit3A_740, %eq3A_741 : i32
        %jit3A_743 = arith.constant 1 : i32
        %select_n3A_744 = arith.select %eq3A_742, %jit3A_743, %jit3A_740 : i32
        %rem3A_745 = arith.remsi %add3A_739, %select_n3A_744 : i32
        %ne3A_746 = arith.constant 0 : i32
        %ne3A_747 = arith.cmpi ne, %rem3A_745, %ne3A_746 : i32
        %lt3A_748 = arith.constant 0 : i32
        %lt3A_749 = arith.cmpi slt, %rem3A_745, %lt3A_748 : i32
        %lt3A_750 = arith.constant 0 : i32
        %lt3A_751 = arith.cmpi slt, %select_n3A_744, %lt3A_750 : i32
        %ne3A_752 = arith.xori %lt3A_749, %lt3A_751 : i1
        %and3A_753 = arith.andi %ne3A_752, %ne3A_747 : i1
        %add3A_754 = arith.addi %rem3A_745, %select_n3A_744 : i32
        %select_n3A_755 = arith.select %and3A_753, %add3A_754, %rem3A_745 : i32
        %jit3A_756 = arith.constant 4 : i32
        %eq3A_757 = arith.constant 0 : i32
        %eq3A_758 = arith.cmpi eq, %jit3A_756, %eq3A_757 : i32
        %jit3A_759 = arith.constant 1 : i32
        %select_n3A_760 = arith.select %eq3A_758, %jit3A_759, %jit3A_756 : i32
        %rem3A_761 = arith.remsi %add3A_739, %select_n3A_760 : i32
        %ne3A_762 = arith.constant 0 : i32
        %ne3A_763 = arith.cmpi ne, %rem3A_761, %ne3A_762 : i32
        %lt3A_764 = arith.constant 0 : i32
        %lt3A_765 = arith.cmpi slt, %rem3A_761, %lt3A_764 : i32
        %lt3A_766 = arith.constant 0 : i32
        %lt3A_767 = arith.cmpi slt, %select_n3A_760, %lt3A_766 : i32
        %ne3A_768 = arith.xori %lt3A_765, %lt3A_767 : i1
        %and3A_769 = arith.andi %ne3A_768, %ne3A_763 : i1
        %add3A_770 = arith.addi %rem3A_761, %select_n3A_760 : i32
        %select_n3A_771 = arith.select %and3A_769, %add3A_770, %rem3A_761 : i32
        %mul3A_772 = arith.constant 128 : i32
        %mul3A_773 = arith.muli %select_n3A_771, %mul3A_772 : i32
        %dma_start3A_774 = arith.constant 0 : i32
        %dma_start3A_775 = arith.constant 0 : i32
        %dma_start3A_776 = tpu.memref_slice %arg11[%mul3A_773, %dma_start3A_775] : memref<512x64xf32, #tpu.memory_space<vmem>> -> memref<128x64xf32, #tpu.memory_space<vmem>>
        %dma_start3A_777 = arith.constant 0 : i32
        %dma_start3A_778 = tpu.memref_slice %arg10[%select_n3A_755, %dma_start3A_774, %dma_start3A_777] : memref<8x2x128xi32, #tpu.memory_space<vmem>> -> memref<1x1x128xi32, #tpu.memory_space<vmem>>
        %dma_start3A_779 = tpu.memref_squeeze %dma_start3A_778 : memref<1x1x128xi32, #tpu.memory_space<vmem>> -> memref<128xi32, #tpu.memory_space<vmem>>
        %dma_start3A_780 = arith.constant 0 : i32
        %dma_start3A_781 = arith.constant 0 : i32
        %dma_start3A_782 = tpu.memref_slice %arg15[%dma_start3A_780, %dma_start3A_781] : memref<10112x64xf32, #tpu.memory_space<vmem_shared>> -> memref<10112x64xf32, #tpu.memory_space<vmem_shared>>
        tpu.enqueue_indirect_dma source(%dma_start3A_782 : memref<10112x64xf32, #tpu.memory_space<vmem_shared>>) target(%dma_start3A_776 : memref<128x64xf32, #tpu.memory_space<vmem>>) offsets(%dma_start3A_779 : memref<128xi32, #tpu.memory_space<vmem>>) semaphore(%arg16 : memref<!tpu.dma_semaphore, #tpu.memory_space<semaphore_mem>>)
      } else {
      }
      %jit3A_612 = arith.constant 8 : i32
      %eq3A_613 = arith.constant 0 : i32
      %eq3A_614 = arith.cmpi eq, %jit3A_612, %eq3A_613 : i32
      %jit3A_615 = arith.constant 1 : i32
      %select_n3A_616 = arith.select %eq3A_614, %jit3A_615, %jit3A_612 : i32
      %rem3A_617 = arith.remsi %while3A_600, %select_n3A_616 : i32
      %ne3A_618 = arith.constant 0 : i32
      %ne3A_619 = arith.cmpi ne, %rem3A_617, %ne3A_618 : i32
      %lt3A_620 = arith.constant 0 : i32
      %lt3A_621 = arith.cmpi slt, %rem3A_617, %lt3A_620 : i32
      %lt3A_622 = arith.constant 0 : i32
      %lt3A_623 = arith.cmpi slt, %select_n3A_616, %lt3A_622 : i32
      %ne3A_624 = arith.xori %lt3A_621, %lt3A_623 : i1
      %and3A_625 = arith.andi %ne3A_624, %ne3A_619 : i1
      %add3A_626 = arith.addi %rem3A_617, %select_n3A_616 : i32
      %select_n3A_627 = arith.select %and3A_625, %add3A_626, %rem3A_617 : i32
      %jit3A_628 = arith.constant 4 : i32
      %eq3A_629 = arith.constant 0 : i32
      %eq3A_630 = arith.cmpi eq, %jit3A_628, %eq3A_629 : i32
      %jit3A_631 = arith.constant 1 : i32
      %select_n3A_632 = arith.select %eq3A_630, %jit3A_631, %jit3A_628 : i32
      %rem3A_633 = arith.remsi %while3A_600, %select_n3A_632 : i32
      %ne3A_634 = arith.constant 0 : i32
      %ne3A_635 = arith.cmpi ne, %rem3A_633, %ne3A_634 : i32
      %lt3A_636 = arith.constant 0 : i32
      %lt3A_637 = arith.cmpi slt, %rem3A_633, %lt3A_636 : i32
      %lt3A_638 = arith.constant 0 : i32
      %lt3A_639 = arith.cmpi slt, %select_n3A_632, %lt3A_638 : i32
      %ne3A_640 = arith.xori %lt3A_637, %lt3A_639 : i1
      %and3A_641 = arith.andi %ne3A_640, %ne3A_635 : i1
      %add3A_642 = arith.addi %rem3A_633, %select_n3A_632 : i32
      %select_n3A_643 = arith.select %and3A_641, %add3A_642, %rem3A_633 : i32
      %mul3A_644 = arith.constant 128 : i32
      %mul3A_645 = arith.muli %select_n3A_643, %mul3A_644 : i32
      %dma_wait3A_646 = arith.constant 0 : i32
      %dma_wait3A_647 = arith.constant 0 : i32
      %dma_wait3A_648 = tpu.memref_slice %arg11[%mul3A_645, %dma_wait3A_647] : memref<512x64xf32, #tpu.memory_space<vmem>> -> memref<128x64xf32, #tpu.memory_space<vmem>>
      %dma_wait3A_649 = arith.constant 0 : i32
      %dma_wait3A_650 = tpu.memref_slice %arg10[%select_n3A_627, %dma_wait3A_646, %dma_wait3A_649] : memref<8x2x128xi32, #tpu.memory_space<vmem>> -> memref<1x1x128xi32, #tpu.memory_space<vmem>>
      %dma_wait3A_651 = tpu.memref_squeeze %dma_wait3A_650 : memref<1x1x128xi32, #tpu.memory_space<vmem>> -> memref<128xi32, #tpu.memory_space<vmem>>
      %dma_wait3A_652 = arith.constant 0 : i32
      %dma_wait3A_653 = arith.constant 0 : i32
      %dma_wait3A_654 = tpu.memref_slice %arg15[%dma_wait3A_652, %dma_wait3A_653] : memref<10112x64xf32, #tpu.memory_space<vmem_shared>> -> memref<10112x64xf32, #tpu.memory_space<vmem_shared>>
      tpu.wait_indirect_dma semaphore(%arg16 : memref<!tpu.dma_semaphore, #tpu.memory_space<semaphore_mem>>) src(%dma_wait3A_654 : memref<10112x64xf32, #tpu.memory_space<vmem_shared>>) dst(%dma_wait3A_648 : memref<128x64xf32, #tpu.memory_space<vmem>>)
      %jit3A_655 = arith.constant 4 : i32
      %eq3A_656 = arith.constant 0 : i32
      %eq3A_657 = arith.cmpi eq, %jit3A_655, %eq3A_656 : i32
      %jit3A_658 = arith.constant 1 : i32
      %select_n3A_659 = arith.select %eq3A_657, %jit3A_658, %jit3A_655 : i32
      %rem3A_660 = arith.remsi %while3A_600, %select_n3A_659 : i32
      %ne3A_661 = arith.constant 0 : i32
      %ne3A_662 = arith.cmpi ne, %rem3A_660, %ne3A_661 : i32
      %lt3A_663 = arith.constant 0 : i32
      %lt3A_664 = arith.cmpi slt, %rem3A_660, %lt3A_663 : i32
      %lt3A_665 = arith.constant 0 : i32
      %lt3A_666 = arith.cmpi slt, %select_n3A_659, %lt3A_665 : i32
      %ne3A_667 = arith.xori %lt3A_664, %lt3A_666 : i1
      %and3A_668 = arith.andi %ne3A_667, %ne3A_662 : i1
      %add3A_669 = arith.addi %rem3A_660, %select_n3A_659 : i32
      %select_n3A_670 = arith.select %and3A_668, %add3A_669, %rem3A_660 : i32
      %mul3A_671 = arith.constant 128 : i32
      %mul3A_672 = arith.muli %select_n3A_670, %mul3A_671 : i32
      %jit3A_673 = arith.constant 8 : i32
      %eq3A_674 = arith.constant 0 : i32
      %eq3A_675 = arith.cmpi eq, %jit3A_673, %eq3A_674 : i32
      %jit3A_676 = arith.constant 1 : i32
      %select_n3A_677 = arith.select %eq3A_675, %jit3A_676, %jit3A_673 : i32
      %rem3A_678 = arith.remsi %while3A_600, %select_n3A_677 : i32
      %ne3A_679 = arith.constant 0 : i32
      %ne3A_680 = arith.cmpi ne, %rem3A_678, %ne3A_679 : i32
      %lt3A_681 = arith.constant 0 : i32
      %lt3A_682 = arith.cmpi slt, %rem3A_678, %lt3A_681 : i32
      %lt3A_683 = arith.constant 0 : i32
      %lt3A_684 = arith.cmpi slt, %select_n3A_677, %lt3A_683 : i32
      %ne3A_685 = arith.xori %lt3A_682, %lt3A_684 : i1
      %and3A_686 = arith.andi %ne3A_685, %ne3A_680 : i1
      %add3A_687 = arith.addi %rem3A_678, %select_n3A_677 : i32
      %select_n3A_688 = arith.select %and3A_686, %add3A_687, %rem3A_678 : i32
      %dma_start3A_689 = arith.constant 1 : i32
      %dma_start3A_690 = arith.constant 0 : i32
      %dma_start3A_691 = tpu.memref_slice %arg11[%mul3A_672, %dma_start3A_690] : memref<512x64xf32, #tpu.memory_space<vmem>> -> memref<128x64xf32, #tpu.memory_space<vmem>>
      %dma_start3A_692 = arith.constant 0 : i32
      %dma_start3A_693 = tpu.memref_slice %arg10[%select_n3A_688, %dma_start3A_689, %dma_start3A_692] : memref<8x2x128xi32, #tpu.memory_space<vmem>> -> memref<1x1x128xi32, #tpu.memory_space<vmem>>
      %dma_start3A_694 = tpu.memref_squeeze %dma_start3A_693 : memref<1x1x128xi32, #tpu.memory_space<vmem>> -> memref<128xi32, #tpu.memory_space<vmem>>
      %dma_start3A_695 = arith.constant 0 : i32
      %dma_start3A_696 = arith.constant 0 : i32
      %dma_start3A_697 = tpu.memref_slice %arg13[%dma_start3A_695, %dma_start3A_696] : memref<10240x64xf32, #tpu.memory_space<vmem_shared>> -> memref<10240x64xf32, #tpu.memory_space<vmem_shared>>
      tpu.enqueue_indirect_dma source(%dma_start3A_691 : memref<128x64xf32, #tpu.memory_space<vmem>>) target(%dma_start3A_697 : memref<10240x64xf32, #tpu.memory_space<vmem_shared>>) offsets(%dma_start3A_694 : memref<128xi32, #tpu.memory_space<vmem>>) semaphore(%arg18 : memref<!tpu.dma_semaphore, #tpu.memory_space<semaphore_mem>>) {add = true}
      %ge3A = arith.constant 3 : i32
      %ge3A_698 = arith.cmpi sge, %while3A_600, %ge3A : i32
      %convert_element_type3A_699 = arith.extui %ge3A_698 : i1 to i32
      %cond3A_700 = arith.constant 0 : i32
      %cond3A_701 = arith.cmpi ne, %convert_element_type3A_699, %cond3A_700 : i32
      scf.if %cond3A_701 {
        %sub3A_703 = arith.constant 3 : i32
        %sub3A_704 = arith.subi %while3A_600, %sub3A_703 : i32
        %jit3A_705 = arith.constant 4 : i32
        %eq3A_706 = arith.constant 0 : i32
        %eq3A_707 = arith.cmpi eq, %jit3A_705, %eq3A_706 : i32
        %jit3A_708 = arith.constant 1 : i32
        %select_n3A_709 = arith.select %eq3A_707, %jit3A_708, %jit3A_705 : i32
        %rem3A_710 = arith.remsi %sub3A_704, %select_n3A_709 : i32
        %ne3A_711 = arith.constant 0 : i32
        %ne3A_712 = arith.cmpi ne, %rem3A_710, %ne3A_711 : i32
        %lt3A_713 = arith.constant 0 : i32
        %lt3A_714 = arith.cmpi slt, %rem3A_710, %lt3A_713 : i32
        %lt3A_715 = arith.constant 0 : i32
        %lt3A_716 = arith.cmpi slt, %select_n3A_709, %lt3A_715 : i32
        %ne3A_717 = arith.xori %lt3A_714, %lt3A_716 : i1
        %and3A_718 = arith.andi %ne3A_717, %ne3A_712 : i1
        %add3A_719 = arith.addi %rem3A_710, %select_n3A_709 : i32
        %select_n3A_720 = arith.select %and3A_718, %add3A_719, %rem3A_710 : i32
        %mul3A_721 = arith.constant 128 : i32
        %mul3A_722 = arith.muli %select_n3A_720, %mul3A_721 : i32
        %jit3A_723 = arith.constant 8 : i32
        %eq3A_724 = arith.constant 0 : i32
        %eq3A_725 = arith.cmpi eq, %jit3A_723, %eq3A_724 : i32
        %jit3A_726 = arith.constant 1 : i32
        %select_n3A_727 = arith.select %eq3A_725, %jit3A_726, %jit3A_723 : i32
        %rem3A_728 = arith.remsi %sub3A_704, %select_n3A_727 : i32
        %ne3A_729 = arith.constant 0 : i32
        %ne3A_730 = arith.cmpi ne, %rem3A_728, %ne3A_729 : i32
        %lt3A_731 = arith.constant 0 : i32
        %lt3A_732 = arith.cmpi slt, %rem3A_728, %lt3A_731 : i32
        %lt3A_733 = arith.constant 0 : i32
        %lt3A_734 = arith.cmpi slt, %select_n3A_727, %lt3A_733 : i32
        %ne3A_735 = arith.xori %lt3A_732, %lt3A_734 : i1
        %and3A_736 = arith.andi %ne3A_735, %ne3A_730 : i1
        %add3A_737 = arith.addi %rem3A_728, %select_n3A_727 : i32
        %select_n3A_738 = arith.select %and3A_736, %add3A_737, %rem3A_728 : i32
        %dma_wait3A_739 = arith.constant 1 : i32
        %dma_wait3A_740 = arith.constant 0 : i32
        %dma_wait3A_741 = tpu.memref_slice %arg11[%mul3A_722, %dma_wait3A_740] : memref<512x64xf32, #tpu.memory_space<vmem>> -> memref<128x64xf32, #tpu.memory_space<vmem>>
        %dma_wait3A_742 = arith.constant 0 : i32
        %dma_wait3A_743 = tpu.memref_slice %arg10[%select_n3A_738, %dma_wait3A_739, %dma_wait3A_742] : memref<8x2x128xi32, #tpu.memory_space<vmem>> -> memref<1x1x128xi32, #tpu.memory_space<vmem>>
        %dma_wait3A_744 = tpu.memref_squeeze %dma_wait3A_743 : memref<1x1x128xi32, #tpu.memory_space<vmem>> -> memref<128xi32, #tpu.memory_space<vmem>>
        %dma_wait3A_745 = arith.constant 0 : i32
        %dma_wait3A_746 = arith.constant 0 : i32
        %dma_wait3A_747 = tpu.memref_slice %arg13[%dma_wait3A_745, %dma_wait3A_746] : memref<10240x64xf32, #tpu.memory_space<vmem_shared>> -> memref<10240x64xf32, #tpu.memory_space<vmem_shared>>
        tpu.wait_indirect_dma semaphore(%arg18 : memref<!tpu.dma_semaphore, #tpu.memory_space<semaphore_mem>>) src(%dma_wait3A_741 : memref<128x64xf32, #tpu.memory_space<vmem>>) dst(%dma_wait3A_747 : memref<10240x64xf32, #tpu.memory_space<vmem_shared>>)
      } else {
      }
      %while3A_702 = arith.constant 0 : i32
      scf.yield %while3A_702 : i32
    }
    %while3A_456 = arith.constant 1 : i32
    %while3A_457 = scf.for %while3A_600 = %while3A_453 to %while3A_449 step %while3A_456 iter_args(%while3A_601 = %while3A_455) -> (i32)  : i32 {
      %add3A_602 = arith.constant 3 : i32
      %add3A_603 = arith.addi %while3A_600, %add3A_602 : i32
      %lt3A_604 = arith.cmpi slt, %add3A_603, %select_n3A : i32
      %convert_element_type3A = arith.extui %lt3A_604 : i1 to i32
      %cond3A = arith.constant 0 : i32
      %cond3A_605 = arith.cmpi ne, %convert_element_type3A, %cond3A : i32
      scf.if %cond3A_605 {
        %add3A_703 = arith.constant 3 : i32
        %add3A_704 = arith.addi %while3A_600, %add3A_703 : i32
        %add3A_705 = arith.addi %select_n3A_10, %add3A_704 : i32
        %jit3A_706 = arith.constant 8 : i32
        %eq3A_707 = arith.constant 0 : i32
        %eq3A_708 = arith.cmpi eq, %jit3A_706, %eq3A_707 : i32
        %jit3A_709 = arith.constant 1 : i32
        %select_n3A_710 = arith.select %eq3A_708, %jit3A_709, %jit3A_706 : i32
        %rem3A_711 = arith.remsi %add3A_704, %select_n3A_710 : i32
        %ne3A_712 = arith.constant 0 : i32
        %ne3A_713 = arith.cmpi ne, %rem3A_711, %ne3A_712 : i32
        %lt3A_714 = arith.constant 0 : i32
        %lt3A_715 = arith.cmpi slt, %rem3A_711, %lt3A_714 : i32
        %lt3A_716 = arith.constant 0 : i32
        %lt3A_717 = arith.cmpi slt, %select_n3A_710, %lt3A_716 : i32
        %ne3A_718 = arith.xori %lt3A_715, %lt3A_717 : i1
        %and3A_719 = arith.andi %ne3A_718, %ne3A_713 : i1
        %add3A_720 = arith.addi %rem3A_711, %select_n3A_710 : i32
        %select_n3A_721 = arith.select %and3A_719, %add3A_720, %rem3A_711 : i32
        %dma_start3A_722 = arith.constant 0 : i32
        %dma_start3A_723 = arith.constant 0 : i32
        %dma_start3A_724 = tpu.memref_slice %arg10[%select_n3A_721, %dma_start3A_722, %dma_start3A_723] : memref<8x2x128xi32, #tpu.memory_space<vmem>> -> memref<1x2x128xi32, #tpu.memory_space<vmem>>
        %dma_start3A_725 = tpu.memref_squeeze %dma_start3A_724 : memref<1x2x128xi32, #tpu.memory_space<vmem>> -> memref<2x128xi32, #tpu.memory_space<vmem>>
        %dma_start3A_726 = arith.constant 0 : i32
        %dma_start3A_727 = arith.constant 0 : i32
        %dma_start3A_728 = tpu.memref_slice %arg4[%add3A_705, %dma_start3A_726, %dma_start3A_727] : memref<2560x2x128xi32, #tpu.memory_space<hbm>> -> memref<1x2x128xi32, #tpu.memory_space<hbm>>
        %dma_start3A_729 = tpu.memref_squeeze %dma_start3A_728 : memref<1x2x128xi32, #tpu.memory_space<hbm>> -> memref<2x128xi32, #tpu.memory_space<hbm>>
        %dma_start3A_730 = arith.constant 0 : i32
        %dma_start3A_731 = arith.constant 0 : i32
        %dma_start3A_732 = tpu.memref_slice %arg10[%select_n3A_721, %dma_start3A_730, %dma_start3A_731] : memref<8x2x128xi32, #tpu.memory_space<vmem>> -> memref<1x2x128xi32, #tpu.memory_space<vmem>>
        %dma_start3A_733 = tpu.memref_squeeze %dma_start3A_732 : memref<1x2x128xi32, #tpu.memory_space<vmem>> -> memref<2x128xi32, #tpu.memory_space<vmem>>
        %dma_start3A_734 = arith.constant 0 : i32
        %dma_start3A_735 = arith.constant 0 : i32
        %dma_start3A_736 = tpu.memref_slice %arg4[%add3A_705, %dma_start3A_734, %dma_start3A_735] : memref<2560x2x128xi32, #tpu.memory_space<hbm>> -> memref<1x2x128xi32, #tpu.memory_space<hbm>>
        %dma_start3A_737 = tpu.memref_squeeze %dma_start3A_736 : memref<1x2x128xi32, #tpu.memory_space<hbm>> -> memref<2x128xi32, #tpu.memory_space<hbm>>
        tpu.enqueue_dma source(%dma_start3A_737 : memref<2x128xi32, #tpu.memory_space<hbm>>) target(%dma_start3A_733 : memref<2x128xi32, #tpu.memory_space<vmem>>) target_semaphore(%arg17 : memref<!tpu.dma_semaphore, #tpu.memory_space<semaphore_mem>>)
      } else {
      }
      %add3A_606 = arith.constant 2 : i32
      %add3A_607 = arith.addi %while3A_600, %add3A_606 : i32
      %lt3A_608 = arith.cmpi slt, %add3A_607, %select_n3A : i32
      %convert_element_type3A_609 = arith.extui %lt3A_608 : i1 to i32
      %cond3A_610 = arith.constant 0 : i32
      %cond3A_611 = arith.cmpi ne, %convert_element_type3A_609, %cond3A_610 : i32
      scf.if %cond3A_611 {
        %add3A_703 = arith.constant 2 : i32
        %add3A_704 = arith.addi %while3A_600, %add3A_703 : i32
        %add3A_705 = arith.addi %select_n3A_10, %add3A_704 : i32
        %jit3A_706 = arith.constant 8 : i32
        %eq3A_707 = arith.constant 0 : i32
        %eq3A_708 = arith.cmpi eq, %jit3A_706, %eq3A_707 : i32
        %jit3A_709 = arith.constant 1 : i32
        %select_n3A_710 = arith.select %eq3A_708, %jit3A_709, %jit3A_706 : i32
        %rem3A_711 = arith.remsi %add3A_704, %select_n3A_710 : i32
        %ne3A_712 = arith.constant 0 : i32
        %ne3A_713 = arith.cmpi ne, %rem3A_711, %ne3A_712 : i32
        %lt3A_714 = arith.constant 0 : i32
        %lt3A_715 = arith.cmpi slt, %rem3A_711, %lt3A_714 : i32
        %lt3A_716 = arith.constant 0 : i32
        %lt3A_717 = arith.cmpi slt, %select_n3A_710, %lt3A_716 : i32
        %ne3A_718 = arith.xori %lt3A_715, %lt3A_717 : i1
        %and3A_719 = arith.andi %ne3A_718, %ne3A_713 : i1
        %add3A_720 = arith.addi %rem3A_711, %select_n3A_710 : i32
        %select_n3A_721 = arith.select %and3A_719, %add3A_720, %rem3A_711 : i32
        %dma_wait3A_722 = arith.constant 0 : i32
        %dma_wait3A_723 = arith.constant 0 : i32
        %dma_wait3A_724 = tpu.memref_slice %arg10[%select_n3A_721, %dma_wait3A_722, %dma_wait3A_723] : memref<8x2x128xi32, #tpu.memory_space<vmem>> -> memref<1x2x128xi32, #tpu.memory_space<vmem>>
        %dma_wait3A_725 = tpu.memref_squeeze %dma_wait3A_724 : memref<1x2x128xi32, #tpu.memory_space<vmem>> -> memref<2x128xi32, #tpu.memory_space<vmem>>
        %dma_wait3A_726 = arith.constant 0 : i32
        %dma_wait3A_727 = arith.constant 0 : i32
        %dma_wait3A_728 = tpu.memref_slice %arg4[%add3A_705, %dma_wait3A_726, %dma_wait3A_727] : memref<2560x2x128xi32, #tpu.memory_space<hbm>> -> memref<1x2x128xi32, #tpu.memory_space<hbm>>
        %dma_wait3A_729 = tpu.memref_squeeze %dma_wait3A_728 : memref<1x2x128xi32, #tpu.memory_space<hbm>> -> memref<2x128xi32, #tpu.memory_space<hbm>>
        %dma_wait3A_730 = arith.constant 0 : i32
        %dma_wait3A_731 = arith.constant 0 : i32
        %dma_wait3A_732 = tpu.memref_slice %arg10[%select_n3A_721, %dma_wait3A_730, %dma_wait3A_731] : memref<8x2x128xi32, #tpu.memory_space<vmem>> -> memref<1x2x128xi32, #tpu.memory_space<vmem>>
        %dma_wait3A_733 = tpu.memref_squeeze %dma_wait3A_732 : memref<1x2x128xi32, #tpu.memory_space<vmem>> -> memref<2x128xi32, #tpu.memory_space<vmem>>
        %dma_wait3A_734 = arith.constant 0 : i32
        %dma_wait3A_735 = arith.constant 0 : i32
        %dma_wait3A_736 = tpu.memref_slice %arg4[%add3A_705, %dma_wait3A_734, %dma_wait3A_735] : memref<2560x2x128xi32, #tpu.memory_space<hbm>> -> memref<1x2x128xi32, #tpu.memory_space<hbm>>
        %dma_wait3A_737 = tpu.memref_squeeze %dma_wait3A_736 : memref<1x2x128xi32, #tpu.memory_space<hbm>> -> memref<2x128xi32, #tpu.memory_space<hbm>>
        tpu.wait_dma2 semaphore(%arg17 : memref<!tpu.dma_semaphore, #tpu.memory_space<semaphore_mem>>) src(%dma_wait3A_737 : memref<2x128xi32, #tpu.memory_space<hbm>>) dst(%dma_wait3A_733 : memref<2x128xi32, #tpu.memory_space<vmem>>)
        %add3A_738 = arith.constant 2 : i32
        %add3A_739 = arith.addi %while3A_600, %add3A_738 : i32
        %jit3A_740 = arith.constant 8 : i32
        %eq3A_741 = arith.constant 0 : i32
        %eq3A_742 = arith.cmpi eq, %jit3A_740, %eq3A_741 : i32
        %jit3A_743 = arith.constant 1 : i32
        %select_n3A_744 = arith.select %eq3A_742, %jit3A_743, %jit3A_740 : i32
        %rem3A_745 = arith.remsi %add3A_739, %select_n3A_744 : i32
        %ne3A_746 = arith.constant 0 : i32
        %ne3A_747 = arith.cmpi ne, %rem3A_745, %ne3A_746 : i32
        %lt3A_748 = arith.constant 0 : i32
        %lt3A_749 = arith.cmpi slt, %rem3A_745, %lt3A_748 : i32
        %lt3A_750 = arith.constant 0 : i32
        %lt3A_751 = arith.cmpi slt, %select_n3A_744, %lt3A_750 : i32
        %ne3A_752 = arith.xori %lt3A_749, %lt3A_751 : i1
        %and3A_753 = arith.andi %ne3A_752, %ne3A_747 : i1
        %add3A_754 = arith.addi %rem3A_745, %select_n3A_744 : i32
        %select_n3A_755 = arith.select %and3A_753, %add3A_754, %rem3A_745 : i32
        %jit3A_756 = arith.constant 4 : i32
        %eq3A_757 = arith.constant 0 : i32
        %eq3A_758 = arith.cmpi eq, %jit3A_756, %eq3A_757 : i32
        %jit3A_759 = arith.constant 1 : i32
        %select_n3A_760 = arith.select %eq3A_758, %jit3A_759, %jit3A_756 : i32
        %rem3A_761 = arith.remsi %add3A_739, %select_n3A_760 : i32
        %ne3A_762 = arith.constant 0 : i32
        %ne3A_763 = arith.cmpi ne, %rem3A_761, %ne3A_762 : i32
        %lt3A_764 = arith.constant 0 : i32
        %lt3A_765 = arith.cmpi slt, %rem3A_761, %lt3A_764 : i32
        %lt3A_766 = arith.constant 0 : i32
        %lt3A_767 = arith.cmpi slt, %select_n3A_760, %lt3A_766 : i32
        %ne3A_768 = arith.xori %lt3A_765, %lt3A_767 : i1
        %and3A_769 = arith.andi %ne3A_768, %ne3A_763 : i1
        %add3A_770 = arith.addi %rem3A_761, %select_n3A_760 : i32
        %select_n3A_771 = arith.select %and3A_769, %add3A_770, %rem3A_761 : i32
        %mul3A_772 = arith.constant 128 : i32
        %mul3A_773 = arith.muli %select_n3A_771, %mul3A_772 : i32
        %dma_start3A_774 = arith.constant 0 : i32
        %dma_start3A_775 = arith.constant 0 : i32
        %dma_start3A_776 = tpu.memref_slice %arg11[%mul3A_773, %dma_start3A_775] : memref<512x64xf32, #tpu.memory_space<vmem>> -> memref<128x64xf32, #tpu.memory_space<vmem>>
        %dma_start3A_777 = arith.constant 0 : i32
        %dma_start3A_778 = tpu.memref_slice %arg10[%select_n3A_755, %dma_start3A_774, %dma_start3A_777] : memref<8x2x128xi32, #tpu.memory_space<vmem>> -> memref<1x1x128xi32, #tpu.memory_space<vmem>>
        %dma_start3A_779 = tpu.memref_squeeze %dma_start3A_778 : memref<1x1x128xi32, #tpu.memory_space<vmem>> -> memref<128xi32, #tpu.memory_space<vmem>>
        %dma_start3A_780 = arith.constant 0 : i32
        %dma_start3A_781 = arith.constant 0 : i32
        %dma_start3A_782 = tpu.memref_slice %arg15[%dma_start3A_780, %dma_start3A_781] : memref<10112x64xf32, #tpu.memory_space<vmem_shared>> -> memref<10112x64xf32, #tpu.memory_space<vmem_shared>>
        tpu.enqueue_indirect_dma source(%dma_start3A_782 : memref<10112x64xf32, #tpu.memory_space<vmem_shared>>) target(%dma_start3A_776 : memref<128x64xf32, #tpu.memory_space<vmem>>) offsets(%dma_start3A_779 : memref<128xi32, #tpu.memory_space<vmem>>) semaphore(%arg16 : memref<!tpu.dma_semaphore, #tpu.memory_space<semaphore_mem>>)
      } else {
      }
      %jit3A_612 = arith.constant 8 : i32
      %eq3A_613 = arith.constant 0 : i32
      %eq3A_614 = arith.cmpi eq, %jit3A_612, %eq3A_613 : i32
      %jit3A_615 = arith.constant 1 : i32
      %select_n3A_616 = arith.select %eq3A_614, %jit3A_615, %jit3A_612 : i32
      %rem3A_617 = arith.remsi %while3A_600, %select_n3A_616 : i32
      %ne3A_618 = arith.constant 0 : i32
      %ne3A_619 = arith.cmpi ne, %rem3A_617, %ne3A_618 : i32
      %lt3A_620 = arith.constant 0 : i32
      %lt3A_621 = arith.cmpi slt, %rem3A_617, %lt3A_620 : i32
      %lt3A_622 = arith.constant 0 : i32
      %lt3A_623 = arith.cmpi slt, %select_n3A_616, %lt3A_622 : i32
      %ne3A_624 = arith.xori %lt3A_621, %lt3A_623 : i1
      %and3A_625 = arith.andi %ne3A_624, %ne3A_619 : i1
      %add3A_626 = arith.addi %rem3A_617, %select_n3A_616 : i32
      %select_n3A_627 = arith.select %and3A_625, %add3A_626, %rem3A_617 : i32
      %jit3A_628 = arith.constant 4 : i32
      %eq3A_629 = arith.constant 0 : i32
      %eq3A_630 = arith.cmpi eq, %jit3A_628, %eq3A_629 : i32
      %jit3A_631 = arith.constant 1 : i32
      %select_n3A_632 = arith.select %eq3A_630, %jit3A_631, %jit3A_628 : i32
      %rem3A_633 = arith.remsi %while3A_600, %select_n3A_632 : i32
      %ne3A_634 = arith.constant 0 : i32
      %ne3A_635 = arith.cmpi ne, %rem3A_633, %ne3A_634 : i32
      %lt3A_636 = arith.constant 0 : i32
      %lt3A_637 = arith.cmpi slt, %rem3A_633, %lt3A_636 : i32
      %lt3A_638 = arith.constant 0 : i32
      %lt3A_639 = arith.cmpi slt, %select_n3A_632, %lt3A_638 : i32
      %ne3A_640 = arith.xori %lt3A_637, %lt3A_639 : i1
      %and3A_641 = arith.andi %ne3A_640, %ne3A_635 : i1
      %add3A_642 = arith.addi %rem3A_633, %select_n3A_632 : i32
      %select_n3A_643 = arith.select %and3A_641, %add3A_642, %rem3A_633 : i32
      %mul3A_644 = arith.constant 128 : i32
      %mul3A_645 = arith.muli %select_n3A_643, %mul3A_644 : i32
      %dma_wait3A_646 = arith.constant 0 : i32
      %dma_wait3A_647 = arith.constant 0 : i32
      %dma_wait3A_648 = tpu.memref_slice %arg11[%mul3A_645, %dma_wait3A_647] : memref<512x64xf32, #tpu.memory_space<vmem>> -> memref<128x64xf32, #tpu.memory_space<vmem>>
      %dma_wait3A_649 = arith.constant 0 : i32
      %dma_wait3A_650 = tpu.memref_slice %arg10[%select_n3A_627, %dma_wait3A_646, %dma_wait3A_649] : memref<8x2x128xi32, #tpu.memory_space<vmem>> -> memref<1x1x128xi32, #tpu.memory_space<vmem>>
      %dma_wait3A_651 = tpu.memref_squeeze %dma_wait3A_650 : memref<1x1x128xi32, #tpu.memory_space<vmem>> -> memref<128xi32, #tpu.memory_space<vmem>>
      %dma_wait3A_652 = arith.constant 0 : i32
      %dma_wait3A_653 = arith.constant 0 : i32
      %dma_wait3A_654 = tpu.memref_slice %arg15[%dma_wait3A_652, %dma_wait3A_653] : memref<10112x64xf32, #tpu.memory_space<vmem_shared>> -> memref<10112x64xf32, #tpu.memory_space<vmem_shared>>
      tpu.wait_indirect_dma semaphore(%arg16 : memref<!tpu.dma_semaphore, #tpu.memory_space<semaphore_mem>>) src(%dma_wait3A_654 : memref<10112x64xf32, #tpu.memory_space<vmem_shared>>) dst(%dma_wait3A_648 : memref<128x64xf32, #tpu.memory_space<vmem>>)
      %jit3A_655 = arith.constant 4 : i32
      %eq3A_656 = arith.constant 0 : i32
      %eq3A_657 = arith.cmpi eq, %jit3A_655, %eq3A_656 : i32
      %jit3A_658 = arith.constant 1 : i32
      %select_n3A_659 = arith.select %eq3A_657, %jit3A_658, %jit3A_655 : i32
      %rem3A_660 = arith.remsi %while3A_600, %select_n3A_659 : i32
      %ne3A_661 = arith.constant 0 : i32
      %ne3A_662 = arith.cmpi ne, %rem3A_660, %ne3A_661 : i32
      %lt3A_663 = arith.constant 0 : i32
      %lt3A_664 = arith.cmpi slt, %rem3A_660, %lt3A_663 : i32
      %lt3A_665 = arith.constant 0 : i32
      %lt3A_666 = arith.cmpi slt, %select_n3A_659, %lt3A_665 : i32
      %ne3A_667 = arith.xori %lt3A_664, %lt3A_666 : i1
      %and3A_668 = arith.andi %ne3A_667, %ne3A_662 : i1
      %add3A_669 = arith.addi %rem3A_660, %select_n3A_659 : i32
      %select_n3A_670 = arith.select %and3A_668, %add3A_669, %rem3A_660 : i32
      %mul3A_671 = arith.constant 128 : i32
      %mul3A_672 = arith.muli %select_n3A_670, %mul3A_671 : i32
      %jit3A_673 = arith.constant 8 : i32
      %eq3A_674 = arith.constant 0 : i32
      %eq3A_675 = arith.cmpi eq, %jit3A_673, %eq3A_674 : i32
      %jit3A_676 = arith.constant 1 : i32
      %select_n3A_677 = arith.select %eq3A_675, %jit3A_676, %jit3A_673 : i32
      %rem3A_678 = arith.remsi %while3A_600, %select_n3A_677 : i32
      %ne3A_679 = arith.constant 0 : i32
      %ne3A_680 = arith.cmpi ne, %rem3A_678, %ne3A_679 : i32
      %lt3A_681 = arith.constant 0 : i32
      %lt3A_682 = arith.cmpi slt, %rem3A_678, %lt3A_681 : i32
      %lt3A_683 = arith.constant 0 : i32
      %lt3A_684 = arith.cmpi slt, %select_n3A_677, %lt3A_683 : i32
      %ne3A_685 = arith.xori %lt3A_682, %lt3A_684 : i1
      %and3A_686 = arith.andi %ne3A_685, %ne3A_680 : i1
      %add3A_687 = arith.addi %rem3A_678, %select_n3A_677 : i32
      %select_n3A_688 = arith.select %and3A_686, %add3A_687, %rem3A_678 : i32
      %dma_start3A_689 = arith.constant 1 : i32
      %dma_start3A_690 = arith.constant 0 : i32
      %dma_start3A_691 = tpu.memref_slice %arg11[%mul3A_672, %dma_start3A_690] : memref<512x64xf32, #tpu.memory_space<vmem>> -> memref<128x64xf32, #tpu.memory_space<vmem>>
      %dma_start3A_692 = arith.constant 0 : i32
      %dma_start3A_693 = tpu.memref_slice %arg10[%select_n3A_688, %dma_start3A_689, %dma_start3A_692] : memref<8x2x128xi32, #tpu.memory_space<vmem>> -> memref<1x1x128xi32, #tpu.memory_space<vmem>>
      %dma_start3A_694 = tpu.memref_squeeze %dma_start3A_693 : memref<1x1x128xi32, #tpu.memory_space<vmem>> -> memref<128xi32, #tpu.memory_space<vmem>>
      %dma_start3A_695 = arith.constant 0 : i32
      %dma_start3A_696 = arith.constant 0 : i32
      %dma_start3A_697 = tpu.memref_slice %arg13[%dma_start3A_695, %dma_start3A_696] : memref<10240x64xf32, #tpu.memory_space<vmem_shared>> -> memref<10240x64xf32, #tpu.memory_space<vmem_shared>>
      tpu.enqueue_indirect_dma source(%dma_start3A_691 : memref<128x64xf32, #tpu.memory_space<vmem>>) target(%dma_start3A_697 : memref<10240x64xf32, #tpu.memory_space<vmem_shared>>) offsets(%dma_start3A_694 : memref<128xi32, #tpu.memory_space<vmem>>) semaphore(%arg18 : memref<!tpu.dma_semaphore, #tpu.memory_space<semaphore_mem>>) {add = true}
      %ge3A = arith.constant 3 : i32
      %ge3A_698 = arith.cmpi sge, %while3A_600, %ge3A : i32
      %convert_element_type3A_699 = arith.extui %ge3A_698 : i1 to i32
      %cond3A_700 = arith.constant 0 : i32
      %cond3A_701 = arith.cmpi ne, %convert_element_type3A_699, %cond3A_700 : i32
      scf.if %cond3A_701 {
        %sub3A_703 = arith.constant 3 : i32
        %sub3A_704 = arith.subi %while3A_600, %sub3A_703 : i32
        %jit3A_705 = arith.constant 4 : i32
        %eq3A_706 = arith.constant 0 : i32
        %eq3A_707 = arith.cmpi eq, %jit3A_705, %eq3A_706 : i32
        %jit3A_708 = arith.constant 1 : i32
        %select_n3A_709 = arith.select %eq3A_707, %jit3A_708, %jit3A_705 : i32
        %rem3A_710 = arith.remsi %sub3A_704, %select_n3A_709 : i32
        %ne3A_711 = arith.constant 0 : i32
        %ne3A_712 = arith.cmpi ne, %rem3A_710, %ne3A_711 : i32
        %lt3A_713 = arith.constant 0 : i32
        %lt3A_714 = arith.cmpi slt, %rem3A_710, %lt3A_713 : i32
        %lt3A_715 = arith.constant 0 : i32
        %lt3A_716 = arith.cmpi slt, %select_n3A_709, %lt3A_715 : i32
        %ne3A_717 = arith.xori %lt3A_714, %lt3A_716 : i1
        %and3A_718 = arith.andi %ne3A_717, %ne3A_712 : i1
        %add3A_719 = arith.addi %rem3A_710, %select_n3A_709 : i32
        %select_n3A_720 = arith.select %and3A_718, %add3A_719, %rem3A_710 : i32
        %mul3A_721 = arith.constant 128 : i32
        %mul3A_722 = arith.muli %select_n3A_720, %mul3A_721 : i32
        %jit3A_723 = arith.constant 8 : i32
        %eq3A_724 = arith.constant 0 : i32
        %eq3A_725 = arith.cmpi eq, %jit3A_723, %eq3A_724 : i32
        %jit3A_726 = arith.constant 1 : i32
        %select_n3A_727 = arith.select %eq3A_725, %jit3A_726, %jit3A_723 : i32
        %rem3A_728 = arith.remsi %sub3A_704, %select_n3A_727 : i32
        %ne3A_729 = arith.constant 0 : i32
        %ne3A_730 = arith.cmpi ne, %rem3A_728, %ne3A_729 : i32
        %lt3A_731 = arith.constant 0 : i32
        %lt3A_732 = arith.cmpi slt, %rem3A_728, %lt3A_731 : i32
        %lt3A_733 = arith.constant 0 : i32
        %lt3A_734 = arith.cmpi slt, %select_n3A_727, %lt3A_733 : i32
        %ne3A_735 = arith.xori %lt3A_732, %lt3A_734 : i1
        %and3A_736 = arith.andi %ne3A_735, %ne3A_730 : i1
        %add3A_737 = arith.addi %rem3A_728, %select_n3A_727 : i32
        %select_n3A_738 = arith.select %and3A_736, %add3A_737, %rem3A_728 : i32
        %dma_wait3A_739 = arith.constant 1 : i32
        %dma_wait3A_740 = arith.constant 0 : i32
        %dma_wait3A_741 = tpu.memref_slice %arg11[%mul3A_722, %dma_wait3A_740] : memref<512x64xf32, #tpu.memory_space<vmem>> -> memref<128x64xf32, #tpu.memory_space<vmem>>
        %dma_wait3A_742 = arith.constant 0 : i32
        %dma_wait3A_743 = tpu.memref_slice %arg10[%select_n3A_738, %dma_wait3A_739, %dma_wait3A_742] : memref<8x2x128xi32, #tpu.memory_space<vmem>> -> memref<1x1x128xi32, #tpu.memory_space<vmem>>
        %dma_wait3A_744 = tpu.memref_squeeze %dma_wait3A_743 : memref<1x1x128xi32, #tpu.memory_space<vmem>> -> memref<128xi32, #tpu.memory_space<vmem>>
        %dma_wait3A_745 = arith.constant 0 : i32
        %dma_wait3A_746 = arith.constant 0 : i32
        %dma_wait3A_747 = tpu.memref_slice %arg13[%dma_wait3A_745, %dma_wait3A_746] : memref<10240x64xf32, #tpu.memory_space<vmem_shared>> -> memref<10240x64xf32, #tpu.memory_space<vmem_shared>>
        tpu.wait_indirect_dma semaphore(%arg18 : memref<!tpu.dma_semaphore, #tpu.memory_space<semaphore_mem>>) src(%dma_wait3A_741 : memref<128x64xf32, #tpu.memory_space<vmem>>) dst(%dma_wait3A_747 : memref<10240x64xf32, #tpu.memory_space<vmem_shared>>)
      } else {
      }
      %while3A_702 = arith.constant 0 : i32
      scf.yield %while3A_702 : i32
    }
    %sub3A_458 = arith.constant 3 : i32
    %sub3A_459 = arith.subi %select_n3A, %sub3A_458 : i32
    %add3A_460 = arith.constant 0 : i32
    %add3A_461 = arith.addi %sub3A_459, %add3A_460 : i32
    %jit3A_462 = arith.constant 4 : i32
    %eq3A_463 = arith.constant 0 : i32
    %eq3A_464 = arith.cmpi eq, %jit3A_462, %eq3A_463 : i32
    %jit3A_465 = arith.constant 1 : i32
    %select_n3A_466 = arith.select %eq3A_464, %jit3A_465, %jit3A_462 : i32
    %rem3A_467 = arith.remsi %add3A_461, %select_n3A_466 : i32
    %ne3A_468 = arith.constant 0 : i32
    %ne3A_469 = arith.cmpi ne, %rem3A_467, %ne3A_468 : i32
    %lt3A_470 = arith.constant 0 : i32
    %lt3A_471 = arith.cmpi slt, %rem3A_467, %lt3A_470 : i32
    %lt3A_472 = arith.constant 0 : i32
    %lt3A_473 = arith.cmpi slt, %select_n3A_466, %lt3A_472 : i32
    %ne3A_474 = arith.xori %lt3A_471, %lt3A_473 : i1
    %and3A_475 = arith.andi %ne3A_474, %ne3A_469 : i1
    %add3A_476 = arith.addi %rem3A_467, %select_n3A_466 : i32
    %select_n3A_477 = arith.select %and3A_475, %add3A_476, %rem3A_467 : i32
    %mul3A_478 = arith.constant 128 : i32
    %mul3A_479 = arith.muli %select_n3A_477, %mul3A_478 : i32
    %jit3A_480 = arith.constant 8 : i32
    %eq3A_481 = arith.constant 0 : i32
    %eq3A_482 = arith.cmpi eq, %jit3A_480, %eq3A_481 : i32
    %jit3A_483 = arith.constant 1 : i32
    %select_n3A_484 = arith.select %eq3A_482, %jit3A_483, %jit3A_480 : i32
    %rem3A_485 = arith.remsi %add3A_461, %select_n3A_484 : i32
    %ne3A_486 = arith.constant 0 : i32
    %ne3A_487 = arith.cmpi ne, %rem3A_485, %ne3A_486 : i32
    %lt3A_488 = arith.constant 0 : i32
    %lt3A_489 = arith.cmpi slt, %rem3A_485, %lt3A_488 : i32
    %lt3A_490 = arith.constant 0 : i32
    %lt3A_491 = arith.cmpi slt, %select_n3A_484, %lt3A_490 : i32
    %ne3A_492 = arith.xori %lt3A_489, %lt3A_491 : i1
    %and3A_493 = arith.andi %ne3A_492, %ne3A_487 : i1
    %add3A_494 = arith.addi %rem3A_485, %select_n3A_484 : i32
    %select_n3A_495 = arith.select %and3A_493, %add3A_494, %rem3A_485 : i32
    %dma_wait3A_496 = arith.constant 1 : i32
    %dma_wait3A_497 = arith.constant 0 : i32
    %dma_wait3A_498 = tpu.memref_slice %arg11[%mul3A_479, %dma_wait3A_497] : memref<512x64xf32, #tpu.memory_space<vmem>> -> memref<128x64xf32, #tpu.memory_space<vmem>>
    %dma_wait3A_499 = arith.constant 0 : i32
    %dma_wait3A_500 = tpu.memref_slice %arg10[%select_n3A_495, %dma_wait3A_496, %dma_wait3A_499] : memref<8x2x128xi32, #tpu.memory_space<vmem>> -> memref<1x1x128xi32, #tpu.memory_space<vmem>>
    %dma_wait3A_501 = tpu.memref_squeeze %dma_wait3A_500 : memref<1x1x128xi32, #tpu.memory_space<vmem>> -> memref<128xi32, #tpu.memory_space<vmem>>
    %dma_wait3A_502 = arith.constant 0 : i32
    %dma_wait3A_503 = arith.constant 0 : i32
    %dma_wait3A_504 = tpu.memref_slice %arg13[%dma_wait3A_502, %dma_wait3A_503] : memref<10240x64xf32, #tpu.memory_space<vmem_shared>> -> memref<10240x64xf32, #tpu.memory_space<vmem_shared>>
    tpu.wait_indirect_dma semaphore(%arg18 : memref<!tpu.dma_semaphore, #tpu.memory_space<semaphore_mem>>) src(%dma_wait3A_498 : memref<128x64xf32, #tpu.memory_space<vmem>>) dst(%dma_wait3A_504 : memref<10240x64xf32, #tpu.memory_space<vmem_shared>>)
    %sub3A_505 = arith.constant 3 : i32
    %sub3A_506 = arith.subi %select_n3A, %sub3A_505 : i32
    %add3A_507 = arith.constant 1 : i32
    %add3A_508 = arith.addi %sub3A_506, %add3A_507 : i32
    %jit3A_509 = arith.constant 4 : i32
    %eq3A_510 = arith.constant 0 : i32
    %eq3A_511 = arith.cmpi eq, %jit3A_509, %eq3A_510 : i32
    %jit3A_512 = arith.constant 1 : i32
    %select_n3A_513 = arith.select %eq3A_511, %jit3A_512, %jit3A_509 : i32
    %rem3A_514 = arith.remsi %add3A_508, %select_n3A_513 : i32
    %ne3A_515 = arith.constant 0 : i32
    %ne3A_516 = arith.cmpi ne, %rem3A_514, %ne3A_515 : i32
    %lt3A_517 = arith.constant 0 : i32
    %lt3A_518 = arith.cmpi slt, %rem3A_514, %lt3A_517 : i32
    %lt3A_519 = arith.constant 0 : i32
    %lt3A_520 = arith.cmpi slt, %select_n3A_513, %lt3A_519 : i32
    %ne3A_521 = arith.xori %lt3A_518, %lt3A_520 : i1
    %and3A_522 = arith.andi %ne3A_521, %ne3A_516 : i1
    %add3A_523 = arith.addi %rem3A_514, %select_n3A_513 : i32
    %select_n3A_524 = arith.select %and3A_522, %add3A_523, %rem3A_514 : i32
    %mul3A_525 = arith.constant 128 : i32
    %mul3A_526 = arith.muli %select_n3A_524, %mul3A_525 : i32
    %jit3A_527 = arith.constant 8 : i32
    %eq3A_528 = arith.constant 0 : i32
    %eq3A_529 = arith.cmpi eq, %jit3A_527, %eq3A_528 : i32
    %jit3A_530 = arith.constant 1 : i32
    %select_n3A_531 = arith.select %eq3A_529, %jit3A_530, %jit3A_527 : i32
    %rem3A_532 = arith.remsi %add3A_508, %select_n3A_531 : i32
    %ne3A_533 = arith.constant 0 : i32
    %ne3A_534 = arith.cmpi ne, %rem3A_532, %ne3A_533 : i32
    %lt3A_535 = arith.constant 0 : i32
    %lt3A_536 = arith.cmpi slt, %rem3A_532, %lt3A_535 : i32
    %lt3A_537 = arith.constant 0 : i32
    %lt3A_538 = arith.cmpi slt, %select_n3A_531, %lt3A_537 : i32
    %ne3A_539 = arith.xori %lt3A_536, %lt3A_538 : i1
    %and3A_540 = arith.andi %ne3A_539, %ne3A_534 : i1
    %add3A_541 = arith.addi %rem3A_532, %select_n3A_531 : i32
    %select_n3A_542 = arith.select %and3A_540, %add3A_541, %rem3A_532 : i32
    %dma_wait3A_543 = arith.constant 1 : i32
    %dma_wait3A_544 = arith.constant 0 : i32
    %dma_wait3A_545 = tpu.memref_slice %arg11[%mul3A_526, %dma_wait3A_544] : memref<512x64xf32, #tpu.memory_space<vmem>> -> memref<128x64xf32, #tpu.memory_space<vmem>>
    %dma_wait3A_546 = arith.constant 0 : i32
    %dma_wait3A_547 = tpu.memref_slice %arg10[%select_n3A_542, %dma_wait3A_543, %dma_wait3A_546] : memref<8x2x128xi32, #tpu.memory_space<vmem>> -> memref<1x1x128xi32, #tpu.memory_space<vmem>>
    %dma_wait3A_548 = tpu.memref_squeeze %dma_wait3A_547 : memref<1x1x128xi32, #tpu.memory_space<vmem>> -> memref<128xi32, #tpu.memory_space<vmem>>
    %dma_wait3A_549 = arith.constant 0 : i32
    %dma_wait3A_550 = arith.constant 0 : i32
    %dma_wait3A_551 = tpu.memref_slice %arg13[%dma_wait3A_549, %dma_wait3A_550] : memref<10240x64xf32, #tpu.memory_space<vmem_shared>> -> memref<10240x64xf32, #tpu.memory_space<vmem_shared>>
    tpu.wait_indirect_dma semaphore(%arg18 : memref<!tpu.dma_semaphore, #tpu.memory_space<semaphore_mem>>) src(%dma_wait3A_545 : memref<128x64xf32, #tpu.memory_space<vmem>>) dst(%dma_wait3A_551 : memref<10240x64xf32, #tpu.memory_space<vmem_shared>>)
    %sub3A_552 = arith.constant 3 : i32
    %sub3A_553 = arith.subi %select_n3A, %sub3A_552 : i32
    %add3A_554 = arith.constant 2 : i32
    %add3A_555 = arith.addi %sub3A_553, %add3A_554 : i32
    %jit3A_556 = arith.constant 4 : i32
    %eq3A_557 = arith.constant 0 : i32
    %eq3A_558 = arith.cmpi eq, %jit3A_556, %eq3A_557 : i32
    %jit3A_559 = arith.constant 1 : i32
    %select_n3A_560 = arith.select %eq3A_558, %jit3A_559, %jit3A_556 : i32
    %rem3A_561 = arith.remsi %add3A_555, %select_n3A_560 : i32
    %ne3A_562 = arith.constant 0 : i32
    %ne3A_563 = arith.cmpi ne, %rem3A_561, %ne3A_562 : i32
    %lt3A_564 = arith.constant 0 : i32
    %lt3A_565 = arith.cmpi slt, %rem3A_561, %lt3A_564 : i32
    %lt3A_566 = arith.constant 0 : i32
    %lt3A_567 = arith.cmpi slt, %select_n3A_560, %lt3A_566 : i32
    %ne3A_568 = arith.xori %lt3A_565, %lt3A_567 : i1
    %and3A_569 = arith.andi %ne3A_568, %ne3A_563 : i1
    %add3A_570 = arith.addi %rem3A_561, %select_n3A_560 : i32
    %select_n3A_571 = arith.select %and3A_569, %add3A_570, %rem3A_561 : i32
    %mul3A_572 = arith.constant 128 : i32
    %mul3A_573 = arith.muli %select_n3A_571, %mul3A_572 : i32
    %jit3A_574 = arith.constant 8 : i32
    %eq3A_575 = arith.constant 0 : i32
    %eq3A_576 = arith.cmpi eq, %jit3A_574, %eq3A_575 : i32
    %jit3A_577 = arith.constant 1 : i32
    %select_n3A_578 = arith.select %eq3A_576, %jit3A_577, %jit3A_574 : i32
    %rem3A_579 = arith.remsi %add3A_555, %select_n3A_578 : i32
    %ne3A_580 = arith.constant 0 : i32
    %ne3A_581 = arith.cmpi ne, %rem3A_579, %ne3A_580 : i32
    %lt3A_582 = arith.constant 0 : i32
    %lt3A_583 = arith.cmpi slt, %rem3A_579, %lt3A_582 : i32
    %lt3A_584 = arith.constant 0 : i32
    %lt3A_585 = arith.cmpi slt, %select_n3A_578, %lt3A_584 : i32
    %ne3A_586 = arith.xori %lt3A_583, %lt3A_585 : i1
    %and3A_587 = arith.andi %ne3A_586, %ne3A_581 : i1
    %add3A_588 = arith.addi %rem3A_579, %select_n3A_578 : i32
    %select_n3A_589 = arith.select %and3A_587, %add3A_588, %rem3A_579 : i32
    %dma_wait3A_590 = arith.constant 1 : i32
    %dma_wait3A_591 = arith.constant 0 : i32
    %dma_wait3A_592 = tpu.memref_slice %arg11[%mul3A_573, %dma_wait3A_591] : memref<512x64xf32, #tpu.memory_space<vmem>> -> memref<128x64xf32, #tpu.memory_space<vmem>>
    %dma_wait3A_593 = arith.constant 0 : i32
    %dma_wait3A_594 = tpu.memref_slice %arg10[%select_n3A_589, %dma_wait3A_590, %dma_wait3A_593] : memref<8x2x128xi32, #tpu.memory_space<vmem>> -> memref<1x1x128xi32, #tpu.memory_space<vmem>>
    %dma_wait3A_595 = tpu.memref_squeeze %dma_wait3A_594 : memref<1x1x128xi32, #tpu.memory_space<vmem>> -> memref<128xi32, #tpu.memory_space<vmem>>
    %dma_wait3A_596 = arith.constant 0 : i32
    %dma_wait3A_597 = arith.constant 0 : i32
    %dma_wait3A_598 = tpu.memref_slice %arg13[%dma_wait3A_596, %dma_wait3A_597] : memref<10240x64xf32, #tpu.memory_space<vmem_shared>> -> memref<10240x64xf32, #tpu.memory_space<vmem_shared>>
    tpu.wait_indirect_dma semaphore(%arg18 : memref<!tpu.dma_semaphore, #tpu.memory_space<semaphore_mem>>) src(%dma_wait3A_592 : memref<128x64xf32, #tpu.memory_space<vmem>>) dst(%dma_wait3A_598 : memref<10240x64xf32, #tpu.memory_space<vmem_shared>>)
    %barrier3A_599 = arith.constant 0 : index
    tpu.barrier barrier_id(%barrier3A_599)
    "tpu.region"() ({
      %run_scoped3A = tpu.sem_alloc : memref<!tpu.dma_semaphore, #tpu.memory_space<semaphore_mem>>
      %dma_start3A_600 = arith.constant 0 : i32
      %dma_start3A_601 = tpu.memref_slice %arg8[%arg0, %mul3A_0, %dma_start3A_600] : memref<2x10240x64xf32, #tpu.memory_space<hbm>> -> memref<1x640x64xf32, #tpu.memory_space<hbm>>
      %dma_start3A_602 = tpu.memref_squeeze %dma_start3A_601 : memref<1x640x64xf32, #tpu.memory_space<hbm>> -> memref<640x64xf32, #tpu.memory_space<hbm>>
      %dma_start3A_603 = arith.constant 0 : i32
      %dma_start3A_604 = tpu.memref_slice %arg13[%mul3A_0, %dma_start3A_603] : memref<10240x64xf32, #tpu.memory_space<vmem_shared>> -> memref<640x64xf32, #tpu.memory_space<vmem_shared>>
      tpu.enqueue_dma source(%dma_start3A_604 : memref<640x64xf32, #tpu.memory_space<vmem_shared>>) target(%dma_start3A_602 : memref<640x64xf32, #tpu.memory_space<hbm>>) target_semaphore(%run_scoped3A : memref<!tpu.dma_semaphore, #tpu.memory_space<semaphore_mem>>)
      %dma_wait3A_605 = arith.constant 0 : i32
      %dma_wait3A_606 = tpu.memref_slice %arg8[%arg0, %mul3A_0, %dma_wait3A_605] : memref<2x10240x64xf32, #tpu.memory_space<hbm>> -> memref<1x640x64xf32, #tpu.memory_space<hbm>>
      %dma_wait3A_607 = tpu.memref_squeeze %dma_wait3A_606 : memref<1x640x64xf32, #tpu.memory_space<hbm>> -> memref<640x64xf32, #tpu.memory_space<hbm>>
      %dma_wait3A_608 = arith.constant 0 : i32
      %dma_wait3A_609 = tpu.memref_slice %arg13[%mul3A_0, %dma_wait3A_608] : memref<10240x64xf32, #tpu.memory_space<vmem_shared>> -> memref<640x64xf32, #tpu.memory_space<vmem_shared>>
      tpu.wait_dma2 semaphore(%run_scoped3A : memref<!tpu.dma_semaphore, #tpu.memory_space<semaphore_mem>>) src(%dma_wait3A_609 : memref<640x64xf32, #tpu.memory_space<vmem_shared>>) dst(%dma_wait3A_607 : memref<640x64xf32, #tpu.memory_space<hbm>>)
      tpu.yield
    }) : () -> ()
    "tpu.region"() ({
      %run_scoped3A = tpu.sem_alloc : memref<!tpu.dma_semaphore, #tpu.memory_space<semaphore_mem>>
      %dma_start3A_600 = tpu.memref_slice %arg9[%arg0, %mul3A_0] : memref<2x10240xf32, #tpu.memory_space<hbm>> -> memref<1x640xf32, #tpu.memory_space<hbm>>
      %dma_start3A_601 = tpu.memref_squeeze %dma_start3A_600 : memref<1x640xf32, #tpu.memory_space<hbm>> -> memref<640xf32, #tpu.memory_space<hbm>>
      %dma_start3A_602 = tpu.memref_slice %arg14[%mul3A_0] : memref<10240xf32, #tpu.memory_space<vmem_shared>> -> memref<640xf32, #tpu.memory_space<vmem_shared>>
      tpu.enqueue_dma source(%dma_start3A_602 : memref<640xf32, #tpu.memory_space<vmem_shared>>) target(%dma_start3A_601 : memref<640xf32, #tpu.memory_space<hbm>>) target_semaphore(%run_scoped3A : memref<!tpu.dma_semaphore, #tpu.memory_space<semaphore_mem>>)
      %dma_wait3A_603 = tpu.memref_slice %arg9[%arg0, %mul3A_0] : memref<2x10240xf32, #tpu.memory_space<hbm>> -> memref<1x640xf32, #tpu.memory_space<hbm>>
      %dma_wait3A_604 = tpu.memref_squeeze %dma_wait3A_603 : memref<1x640xf32, #tpu.memory_space<hbm>> -> memref<640xf32, #tpu.memory_space<hbm>>
      %dma_wait3A_605 = tpu.memref_slice %arg14[%mul3A_0] : memref<10240xf32, #tpu.memory_space<vmem_shared>> -> memref<640xf32, #tpu.memory_space<vmem_shared>>
      tpu.wait_dma2 semaphore(%run_scoped3A : memref<!tpu.dma_semaphore, #tpu.memory_space<semaphore_mem>>) src(%dma_wait3A_605 : memref<640xf32, #tpu.memory_space<vmem_shared>>) dst(%dma_wait3A_604 : memref<640xf32, #tpu.memory_space<hbm>>)
      tpu.yield
    }) : () -> ()
    return
  }
}

#map = affine_map<(d0, d1) -> (0, 0)>
#map1 = affine_map<(d0, d1) -> (0, 0, 0)>
#map2 = affine_map<(d0, d1) -> (0)>
module attributes {stable_mosaic.version = 14 : i64} {
  func.func @k(%arg0: i32, %arg1: i32, %arg2: memref<10240x64xf32, #tpu.memory_space<hbm>>, %arg3: memref<2560x2x128xi32, #tpu.memory_space<hbm>>, %arg4: memref<10240x64xf32, #tpu.memory_space<hbm>>, %arg5: memref<10240xf32, #tpu.memory_space<hbm>>, %arg6: memref<2x10240x64xf32, #tpu.memory_space<hbm>>, %arg7: memref<2x10240xf32, #tpu.memory_space<hbm>>, %arg8: memref<8x2x128xi32, #tpu.memory_space<vmem>>, %arg9: memref<512x64xf32, #tpu.memory_space<vmem>>, %arg10: memref<128xf32, #tpu.memory_space<vmem>>, %arg11: memref<10240x64xf32, #tpu.memory_space<vmem_shared>>, %arg12: memref<10240xf32, #tpu.memory_space<vmem_shared>>, %arg13: memref<10240x64xf32, #tpu.memory_space<vmem_shared>>, %arg14: memref<!tpu.dma_semaphore, #tpu.memory_space<semaphore_mem>>, %arg15: memref<!tpu.dma_semaphore, #tpu.memory_space<semaphore_mem>>, %arg16: memref<!tpu.dma_semaphore, #tpu.memory_space<semaphore_mem>>) attributes {dimension_semantics = [#tpu.dimension_semantics<core_parallel>, #tpu.dimension_semantics<subcore_parallel>], iteration_bounds = array<i64: 2, 16>, scalar_prefetch = 0 : i64, scratch_operands = 9 : i64, tpu.core_type = #tpu.core_type<sc_vector_subcore>, window_params = [{transform_indices = #map}, {transform_indices = #map1}, {transform_indices = #map}, {transform_indices = #map2}, {transform_indices = #map1}, {transform_indices = #map}]} {
    %mul3A = arith.constant 640 : i32
    %mul3A_0 = arith.muli %arg1, %mul3A : i32
    %eq3A = arith.constant 0 : i32
    %eq3A_1 = arith.cmpi eq, %arg0, %eq3A : i32
    %jit3A = arith.constant 80 : i32
    %jit3A_2 = arith.constant 80 : i32
    %select_n3A = arith.select %eq3A_1, %jit3A, %jit3A_2 : i32
    %eq3A_3 = arith.constant 0 : i32
    %eq3A_4 = arith.cmpi eq, %arg0, %eq3A_3 : i32
    %mul3A_5 = arith.constant 80 : i32
    %mul3A_6 = arith.muli %arg1, %mul3A_5 : i32
    %mul3A_7 = arith.constant 80 : i32
    %mul3A_8 = arith.muli %arg1, %mul3A_7 : i32
    %add3A = arith.constant 1280 : i32
    %add3A_9 = arith.addi %add3A, %mul3A_8 : i32
    %select_n3A_10 = arith.select %eq3A_4, %mul3A_6, %add3A_9 : i32
    %mul3A_11 = arith.constant 640 : i32
    %mul3A_12 = arith.muli %arg1, %mul3A_11 : i32
    %mul3A_13 = arith.constant 640 : i32
    %mul3A_14 = arith.muli %arg1, %mul3A_13 : i32
    "tpu.region"() ({
      %run_scoped3A = tpu.sem_alloc : memref<!tpu.dma_semaphore, #tpu.memory_space<semaphore_mem>>
      %dma_start3A_278 = arith.constant 0 : i32
      %dma_start3A_279 = tpu.memref_slice %arg13[%mul3A_14, %dma_start3A_278] : memref<10240x64xf32, #tpu.memory_space<vmem_shared>> -> memref<640x64xf32, #tpu.memory_space<vmem_shared>>
      %dma_start3A_280 = arith.constant 0 : i32
      %dma_start3A_281 = tpu.memref_slice %arg2[%mul3A_12, %dma_start3A_280] : memref<10240x64xf32, #tpu.memory_space<hbm>> -> memref<640x64xf32, #tpu.memory_space<hbm>>
      tpu.enqueue_dma source(%dma_start3A_281 : memref<640x64xf32, #tpu.memory_space<hbm>>) target(%dma_start3A_279 : memref<640x64xf32, #tpu.memory_space<vmem_shared>>) target_semaphore(%run_scoped3A : memref<!tpu.dma_semaphore, #tpu.memory_space<semaphore_mem>>)
      %dma_wait3A_282 = arith.constant 0 : i32
      %dma_wait3A_283 = tpu.memref_slice %arg13[%mul3A_14, %dma_wait3A_282] : memref<10240x64xf32, #tpu.memory_space<vmem_shared>> -> memref<640x64xf32, #tpu.memory_space<vmem_shared>>
      %dma_wait3A_284 = arith.constant 0 : i32
      %dma_wait3A_285 = tpu.memref_slice %arg2[%mul3A_12, %dma_wait3A_284] : memref<10240x64xf32, #tpu.memory_space<hbm>> -> memref<640x64xf32, #tpu.memory_space<hbm>>
      tpu.wait_dma2 semaphore(%run_scoped3A : memref<!tpu.dma_semaphore, #tpu.memory_space<semaphore_mem>>) src(%dma_wait3A_285 : memref<640x64xf32, #tpu.memory_space<hbm>>) dst(%dma_wait3A_283 : memref<640x64xf32, #tpu.memory_space<vmem_shared>>)
      tpu.yield
    }) : () -> ()
    "tpu.region"() ({
      %run_scoped3A = tpu.sem_alloc : memref<!tpu.dma_semaphore, #tpu.memory_space<semaphore_mem>>
      %dma_start3A_278 = arith.constant 0 : i32
      %dma_start3A_279 = tpu.memref_slice %arg11[%mul3A_0, %dma_start3A_278] : memref<10240x64xf32, #tpu.memory_space<vmem_shared>> -> memref<640x64xf32, #tpu.memory_space<vmem_shared>>
      %dma_start3A_280 = arith.constant 0 : i32
      %dma_start3A_281 = tpu.memref_slice %arg4[%mul3A_0, %dma_start3A_280] : memref<10240x64xf32, #tpu.memory_space<hbm>> -> memref<640x64xf32, #tpu.memory_space<hbm>>
      tpu.enqueue_dma source(%dma_start3A_281 : memref<640x64xf32, #tpu.memory_space<hbm>>) target(%dma_start3A_279 : memref<640x64xf32, #tpu.memory_space<vmem_shared>>) target_semaphore(%run_scoped3A : memref<!tpu.dma_semaphore, #tpu.memory_space<semaphore_mem>>)
      %dma_wait3A_282 = arith.constant 0 : i32
      %dma_wait3A_283 = tpu.memref_slice %arg11[%mul3A_0, %dma_wait3A_282] : memref<10240x64xf32, #tpu.memory_space<vmem_shared>> -> memref<640x64xf32, #tpu.memory_space<vmem_shared>>
      %dma_wait3A_284 = arith.constant 0 : i32
      %dma_wait3A_285 = tpu.memref_slice %arg4[%mul3A_0, %dma_wait3A_284] : memref<10240x64xf32, #tpu.memory_space<hbm>> -> memref<640x64xf32, #tpu.memory_space<hbm>>
      tpu.wait_dma2 semaphore(%run_scoped3A : memref<!tpu.dma_semaphore, #tpu.memory_space<semaphore_mem>>) src(%dma_wait3A_285 : memref<640x64xf32, #tpu.memory_space<hbm>>) dst(%dma_wait3A_283 : memref<640x64xf32, #tpu.memory_space<vmem_shared>>)
      tpu.yield
    }) : () -> ()
    %barrier3A = arith.constant 0 : index
    tpu.barrier barrier_id(%barrier3A)
    %add3A_15 = arith.constant 0 : i32
    %add3A_16 = arith.addi %select_n3A_10, %add3A_15 : i32
    %dma_start3A = arith.constant 0 : i32
    %dma_start3A_17 = arith.constant 0 : i32
    %dma_start3A_18 = arith.constant 0 : i32
    %dma_start3A_19 = tpu.memref_slice %arg8[%dma_start3A, %dma_start3A_17, %dma_start3A_18] : memref<8x2x128xi32, #tpu.memory_space<vmem>> -> memref<1x2x128xi32, #tpu.memory_space<vmem>>
    %dma_start3A_20 = tpu.memref_squeeze %dma_start3A_19 : memref<1x2x128xi32, #tpu.memory_space<vmem>> -> memref<2x128xi32, #tpu.memory_space<vmem>>
    %dma_start3A_21 = arith.constant 0 : i32
    %dma_start3A_22 = arith.constant 0 : i32
    %dma_start3A_23 = tpu.memref_slice %arg3[%add3A_16, %dma_start3A_21, %dma_start3A_22] : memref<2560x2x128xi32, #tpu.memory_space<hbm>> -> memref<1x2x128xi32, #tpu.memory_space<hbm>>
    %dma_start3A_24 = tpu.memref_squeeze %dma_start3A_23 : memref<1x2x128xi32, #tpu.memory_space<hbm>> -> memref<2x128xi32, #tpu.memory_space<hbm>>
    %dma_start3A_25 = arith.constant 0 : i32
    %dma_start3A_26 = arith.constant 0 : i32
    %dma_start3A_27 = tpu.memref_slice %arg8[%dma_start3A, %dma_start3A_25, %dma_start3A_26] : memref<8x2x128xi32, #tpu.memory_space<vmem>> -> memref<1x2x128xi32, #tpu.memory_space<vmem>>
    %dma_start3A_28 = tpu.memref_squeeze %dma_start3A_27 : memref<1x2x128xi32, #tpu.memory_space<vmem>> -> memref<2x128xi32, #tpu.memory_space<vmem>>
    %dma_start3A_29 = arith.constant 0 : i32
    %dma_start3A_30 = arith.constant 0 : i32
    %dma_start3A_31 = tpu.memref_slice %arg3[%add3A_16, %dma_start3A_29, %dma_start3A_30] : memref<2560x2x128xi32, #tpu.memory_space<hbm>> -> memref<1x2x128xi32, #tpu.memory_space<hbm>>
    %dma_start3A_32 = tpu.memref_squeeze %dma_start3A_31 : memref<1x2x128xi32, #tpu.memory_space<hbm>> -> memref<2x128xi32, #tpu.memory_space<hbm>>
    tpu.enqueue_dma source(%dma_start3A_32 : memref<2x128xi32, #tpu.memory_space<hbm>>) target(%dma_start3A_28 : memref<2x128xi32, #tpu.memory_space<vmem>>) target_semaphore(%arg15 : memref<!tpu.dma_semaphore, #tpu.memory_space<semaphore_mem>>)
    %add3A_33 = arith.constant 1 : i32
    %add3A_34 = arith.addi %select_n3A_10, %add3A_33 : i32
    %dma_start3A_35 = arith.constant 1 : i32
    %dma_start3A_36 = arith.constant 0 : i32
    %dma_start3A_37 = arith.constant 0 : i32
    %dma_start3A_38 = tpu.memref_slice %arg8[%dma_start3A_35, %dma_start3A_36, %dma_start3A_37] : memref<8x2x128xi32, #tpu.memory_space<vmem>> -> memref<1x2x128xi32, #tpu.memory_space<vmem>>
    %dma_start3A_39 = tpu.memref_squeeze %dma_start3A_38 : memref<1x2x128xi32, #tpu.memory_space<vmem>> -> memref<2x128xi32, #tpu.memory_space<vmem>>
    %dma_start3A_40 = arith.constant 0 : i32
    %dma_start3A_41 = arith.constant 0 : i32
    %dma_start3A_42 = tpu.memref_slice %arg3[%add3A_34, %dma_start3A_40, %dma_start3A_41] : memref<2560x2x128xi32, #tpu.memory_space<hbm>> -> memref<1x2x128xi32, #tpu.memory_space<hbm>>
    %dma_start3A_43 = tpu.memref_squeeze %dma_start3A_42 : memref<1x2x128xi32, #tpu.memory_space<hbm>> -> memref<2x128xi32, #tpu.memory_space<hbm>>
    %dma_start3A_44 = arith.constant 0 : i32
    %dma_start3A_45 = arith.constant 0 : i32
    %dma_start3A_46 = tpu.memref_slice %arg8[%dma_start3A_35, %dma_start3A_44, %dma_start3A_45] : memref<8x2x128xi32, #tpu.memory_space<vmem>> -> memref<1x2x128xi32, #tpu.memory_space<vmem>>
    %dma_start3A_47 = tpu.memref_squeeze %dma_start3A_46 : memref<1x2x128xi32, #tpu.memory_space<vmem>> -> memref<2x128xi32, #tpu.memory_space<vmem>>
    %dma_start3A_48 = arith.constant 0 : i32
    %dma_start3A_49 = arith.constant 0 : i32
    %dma_start3A_50 = tpu.memref_slice %arg3[%add3A_34, %dma_start3A_48, %dma_start3A_49] : memref<2560x2x128xi32, #tpu.memory_space<hbm>> -> memref<1x2x128xi32, #tpu.memory_space<hbm>>
    %dma_start3A_51 = tpu.memref_squeeze %dma_start3A_50 : memref<1x2x128xi32, #tpu.memory_space<hbm>> -> memref<2x128xi32, #tpu.memory_space<hbm>>
    tpu.enqueue_dma source(%dma_start3A_51 : memref<2x128xi32, #tpu.memory_space<hbm>>) target(%dma_start3A_47 : memref<2x128xi32, #tpu.memory_space<vmem>>) target_semaphore(%arg15 : memref<!tpu.dma_semaphore, #tpu.memory_space<semaphore_mem>>)
    %add3A_52 = arith.constant 2 : i32
    %add3A_53 = arith.addi %select_n3A_10, %add3A_52 : i32
    %dma_start3A_54 = arith.constant 2 : i32
    %dma_start3A_55 = arith.constant 0 : i32
    %dma_start3A_56 = arith.constant 0 : i32
    %dma_start3A_57 = tpu.memref_slice %arg8[%dma_start3A_54, %dma_start3A_55, %dma_start3A_56] : memref<8x2x128xi32, #tpu.memory_space<vmem>> -> memref<1x2x128xi32, #tpu.memory_space<vmem>>
    %dma_start3A_58 = tpu.memref_squeeze %dma_start3A_57 : memref<1x2x128xi32, #tpu.memory_space<vmem>> -> memref<2x128xi32, #tpu.memory_space<vmem>>
    %dma_start3A_59 = arith.constant 0 : i32
    %dma_start3A_60 = arith.constant 0 : i32
    %dma_start3A_61 = tpu.memref_slice %arg3[%add3A_53, %dma_start3A_59, %dma_start3A_60] : memref<2560x2x128xi32, #tpu.memory_space<hbm>> -> memref<1x2x128xi32, #tpu.memory_space<hbm>>
    %dma_start3A_62 = tpu.memref_squeeze %dma_start3A_61 : memref<1x2x128xi32, #tpu.memory_space<hbm>> -> memref<2x128xi32, #tpu.memory_space<hbm>>
    %dma_start3A_63 = arith.constant 0 : i32
    %dma_start3A_64 = arith.constant 0 : i32
    %dma_start3A_65 = tpu.memref_slice %arg8[%dma_start3A_54, %dma_start3A_63, %dma_start3A_64] : memref<8x2x128xi32, #tpu.memory_space<vmem>> -> memref<1x2x128xi32, #tpu.memory_space<vmem>>
    %dma_start3A_66 = tpu.memref_squeeze %dma_start3A_65 : memref<1x2x128xi32, #tpu.memory_space<vmem>> -> memref<2x128xi32, #tpu.memory_space<vmem>>
    %dma_start3A_67 = arith.constant 0 : i32
    %dma_start3A_68 = arith.constant 0 : i32
    %dma_start3A_69 = tpu.memref_slice %arg3[%add3A_53, %dma_start3A_67, %dma_start3A_68] : memref<2560x2x128xi32, #tpu.memory_space<hbm>> -> memref<1x2x128xi32, #tpu.memory_space<hbm>>
    %dma_start3A_70 = tpu.memref_squeeze %dma_start3A_69 : memref<1x2x128xi32, #tpu.memory_space<hbm>> -> memref<2x128xi32, #tpu.memory_space<hbm>>
    tpu.enqueue_dma source(%dma_start3A_70 : memref<2x128xi32, #tpu.memory_space<hbm>>) target(%dma_start3A_66 : memref<2x128xi32, #tpu.memory_space<vmem>>) target_semaphore(%arg15 : memref<!tpu.dma_semaphore, #tpu.memory_space<semaphore_mem>>)
    %add3A_71 = arith.constant 0 : i32
    %add3A_72 = arith.addi %select_n3A_10, %add3A_71 : i32
    %dma_wait3A = arith.constant 0 : i32
    %dma_wait3A_73 = arith.constant 0 : i32
    %dma_wait3A_74 = arith.constant 0 : i32
    %dma_wait3A_75 = tpu.memref_slice %arg8[%dma_wait3A, %dma_wait3A_73, %dma_wait3A_74] : memref<8x2x128xi32, #tpu.memory_space<vmem>> -> memref<1x2x128xi32, #tpu.memory_space<vmem>>
    %dma_wait3A_76 = tpu.memref_squeeze %dma_wait3A_75 : memref<1x2x128xi32, #tpu.memory_space<vmem>> -> memref<2x128xi32, #tpu.memory_space<vmem>>
    %dma_wait3A_77 = arith.constant 0 : i32
    %dma_wait3A_78 = arith.constant 0 : i32
    %dma_wait3A_79 = tpu.memref_slice %arg3[%add3A_72, %dma_wait3A_77, %dma_wait3A_78] : memref<2560x2x128xi32, #tpu.memory_space<hbm>> -> memref<1x2x128xi32, #tpu.memory_space<hbm>>
    %dma_wait3A_80 = tpu.memref_squeeze %dma_wait3A_79 : memref<1x2x128xi32, #tpu.memory_space<hbm>> -> memref<2x128xi32, #tpu.memory_space<hbm>>
    %dma_wait3A_81 = arith.constant 0 : i32
    %dma_wait3A_82 = arith.constant 0 : i32
    %dma_wait3A_83 = tpu.memref_slice %arg8[%dma_wait3A, %dma_wait3A_81, %dma_wait3A_82] : memref<8x2x128xi32, #tpu.memory_space<vmem>> -> memref<1x2x128xi32, #tpu.memory_space<vmem>>
    %dma_wait3A_84 = tpu.memref_squeeze %dma_wait3A_83 : memref<1x2x128xi32, #tpu.memory_space<vmem>> -> memref<2x128xi32, #tpu.memory_space<vmem>>
    %dma_wait3A_85 = arith.constant 0 : i32
    %dma_wait3A_86 = arith.constant 0 : i32
    %dma_wait3A_87 = tpu.memref_slice %arg3[%add3A_72, %dma_wait3A_85, %dma_wait3A_86] : memref<2560x2x128xi32, #tpu.memory_space<hbm>> -> memref<1x2x128xi32, #tpu.memory_space<hbm>>
    %dma_wait3A_88 = tpu.memref_squeeze %dma_wait3A_87 : memref<1x2x128xi32, #tpu.memory_space<hbm>> -> memref<2x128xi32, #tpu.memory_space<hbm>>
    tpu.wait_dma2 semaphore(%arg15 : memref<!tpu.dma_semaphore, #tpu.memory_space<semaphore_mem>>) src(%dma_wait3A_88 : memref<2x128xi32, #tpu.memory_space<hbm>>) dst(%dma_wait3A_84 : memref<2x128xi32, #tpu.memory_space<vmem>>)
    %dma_start3A_89 = arith.constant 0 : i32
    %dma_start3A_90 = arith.constant 0 : i32
    %dma_start3A_91 = arith.constant 0 : i32
    %dma_start3A_92 = arith.constant 0 : i32
    %dma_start3A_93 = tpu.memref_slice %arg9[%dma_start3A_91, %dma_start3A_92] : memref<512x64xf32, #tpu.memory_space<vmem>> -> memref<128x64xf32, #tpu.memory_space<vmem>>
    %dma_start3A_94 = arith.constant 0 : i32
    %dma_start3A_95 = tpu.memref_slice %arg8[%dma_start3A_89, %dma_start3A_90, %dma_start3A_94] : memref<8x2x128xi32, #tpu.memory_space<vmem>> -> memref<1x1x128xi32, #tpu.memory_space<vmem>>
    %dma_start3A_96 = tpu.memref_squeeze %dma_start3A_95 : memref<1x1x128xi32, #tpu.memory_space<vmem>> -> memref<128xi32, #tpu.memory_space<vmem>>
    %dma_start3A_97 = arith.constant 0 : i32
    %dma_start3A_98 = arith.constant 0 : i32
    %dma_start3A_99 = tpu.memref_slice %arg13[%dma_start3A_97, %dma_start3A_98] : memref<10240x64xf32, #tpu.memory_space<vmem_shared>> -> memref<10240x64xf32, #tpu.memory_space<vmem_shared>>
    tpu.enqueue_indirect_dma source(%dma_start3A_99 : memref<10240x64xf32, #tpu.memory_space<vmem_shared>>) target(%dma_start3A_93 : memref<128x64xf32, #tpu.memory_space<vmem>>) offsets(%dma_start3A_96 : memref<128xi32, #tpu.memory_space<vmem>>) semaphore(%arg14 : memref<!tpu.dma_semaphore, #tpu.memory_space<semaphore_mem>>)
    %add3A_100 = arith.constant 1 : i32
    %add3A_101 = arith.addi %select_n3A_10, %add3A_100 : i32
    %dma_wait3A_102 = arith.constant 1 : i32
    %dma_wait3A_103 = arith.constant 0 : i32
    %dma_wait3A_104 = arith.constant 0 : i32
    %dma_wait3A_105 = tpu.memref_slice %arg8[%dma_wait3A_102, %dma_wait3A_103, %dma_wait3A_104] : memref<8x2x128xi32, #tpu.memory_space<vmem>> -> memref<1x2x128xi32, #tpu.memory_space<vmem>>
    %dma_wait3A_106 = tpu.memref_squeeze %dma_wait3A_105 : memref<1x2x128xi32, #tpu.memory_space<vmem>> -> memref<2x128xi32, #tpu.memory_space<vmem>>
    %dma_wait3A_107 = arith.constant 0 : i32
    %dma_wait3A_108 = arith.constant 0 : i32
    %dma_wait3A_109 = tpu.memref_slice %arg3[%add3A_101, %dma_wait3A_107, %dma_wait3A_108] : memref<2560x2x128xi32, #tpu.memory_space<hbm>> -> memref<1x2x128xi32, #tpu.memory_space<hbm>>
    %dma_wait3A_110 = tpu.memref_squeeze %dma_wait3A_109 : memref<1x2x128xi32, #tpu.memory_space<hbm>> -> memref<2x128xi32, #tpu.memory_space<hbm>>
    %dma_wait3A_111 = arith.constant 0 : i32
    %dma_wait3A_112 = arith.constant 0 : i32
    %dma_wait3A_113 = tpu.memref_slice %arg8[%dma_wait3A_102, %dma_wait3A_111, %dma_wait3A_112] : memref<8x2x128xi32, #tpu.memory_space<vmem>> -> memref<1x2x128xi32, #tpu.memory_space<vmem>>
    %dma_wait3A_114 = tpu.memref_squeeze %dma_wait3A_113 : memref<1x2x128xi32, #tpu.memory_space<vmem>> -> memref<2x128xi32, #tpu.memory_space<vmem>>
    %dma_wait3A_115 = arith.constant 0 : i32
    %dma_wait3A_116 = arith.constant 0 : i32
    %dma_wait3A_117 = tpu.memref_slice %arg3[%add3A_101, %dma_wait3A_115, %dma_wait3A_116] : memref<2560x2x128xi32, #tpu.memory_space<hbm>> -> memref<1x2x128xi32, #tpu.memory_space<hbm>>
    %dma_wait3A_118 = tpu.memref_squeeze %dma_wait3A_117 : memref<1x2x128xi32, #tpu.memory_space<hbm>> -> memref<2x128xi32, #tpu.memory_space<hbm>>
    tpu.wait_dma2 semaphore(%arg15 : memref<!tpu.dma_semaphore, #tpu.memory_space<semaphore_mem>>) src(%dma_wait3A_118 : memref<2x128xi32, #tpu.memory_space<hbm>>) dst(%dma_wait3A_114 : memref<2x128xi32, #tpu.memory_space<vmem>>)
    %dma_start3A_119 = arith.constant 1 : i32
    %dma_start3A_120 = arith.constant 0 : i32
    %dma_start3A_121 = arith.constant 128 : i32
    %dma_start3A_122 = arith.constant 0 : i32
    %dma_start3A_123 = tpu.memref_slice %arg9[%dma_start3A_121, %dma_start3A_122] : memref<512x64xf32, #tpu.memory_space<vmem>> -> memref<128x64xf32, #tpu.memory_space<vmem>>
    %dma_start3A_124 = arith.constant 0 : i32
    %dma_start3A_125 = tpu.memref_slice %arg8[%dma_start3A_119, %dma_start3A_120, %dma_start3A_124] : memref<8x2x128xi32, #tpu.memory_space<vmem>> -> memref<1x1x128xi32, #tpu.memory_space<vmem>>
    %dma_start3A_126 = tpu.memref_squeeze %dma_start3A_125 : memref<1x1x128xi32, #tpu.memory_space<vmem>> -> memref<128xi32, #tpu.memory_space<vmem>>
    %dma_start3A_127 = arith.constant 0 : i32
    %dma_start3A_128 = arith.constant 0 : i32
    %dma_start3A_129 = tpu.memref_slice %arg13[%dma_start3A_127, %dma_start3A_128] : memref<10240x64xf32, #tpu.memory_space<vmem_shared>> -> memref<10240x64xf32, #tpu.memory_space<vmem_shared>>
    tpu.enqueue_indirect_dma source(%dma_start3A_129 : memref<10240x64xf32, #tpu.memory_space<vmem_shared>>) target(%dma_start3A_123 : memref<128x64xf32, #tpu.memory_space<vmem>>) offsets(%dma_start3A_126 : memref<128xi32, #tpu.memory_space<vmem>>) semaphore(%arg14 : memref<!tpu.dma_semaphore, #tpu.memory_space<semaphore_mem>>)
    %while3A = arith.constant 0 : i32
    %while3A_130 = arith.constant 0 : i32
    %while3A_131 = arith.subi %select_n3A, %while3A : i32
    %while3A_132 = arith.addi %while3A, %while3A_131 : i32
    %while3A_133 = arith.constant 1 : i32
    %while3A_134 = arith.divsi %while3A_131, %while3A_133 : i32
    %while3A_135 = arith.muli %while3A_134, %while3A_133 : i32
    %while3A_136 = arith.addi %while3A, %while3A_135 : i32
    %while3A_137 = arith.constant 1 : i32
    %while3A_138 = scf.for %while3A_278 = %while3A to %while3A_136 step %while3A_137 iter_args(%while3A_279 = %while3A_130) -> (i32)  : i32 {
      %add3A_280 = arith.constant 3 : i32
      %add3A_281 = arith.addi %while3A_278, %add3A_280 : i32
      %lt3A_282 = arith.cmpi slt, %add3A_281, %select_n3A : i32
      %convert_element_type3A = arith.extui %lt3A_282 : i1 to i32
      %cond3A = arith.constant 0 : i32
      %cond3A_283 = arith.cmpi ne, %convert_element_type3A, %cond3A : i32
      scf.if %cond3A_283 {
        %add3A_381 = arith.constant 3 : i32
        %add3A_382 = arith.addi %while3A_278, %add3A_381 : i32
        %add3A_383 = arith.addi %select_n3A_10, %add3A_382 : i32
        %jit3A_384 = arith.constant 8 : i32
        %eq3A_385 = arith.constant 0 : i32
        %eq3A_386 = arith.cmpi eq, %jit3A_384, %eq3A_385 : i32
        %jit3A_387 = arith.constant 1 : i32
        %select_n3A_388 = arith.select %eq3A_386, %jit3A_387, %jit3A_384 : i32
        %rem3A_389 = arith.remsi %add3A_382, %select_n3A_388 : i32
        %ne3A_390 = arith.constant 0 : i32
        %ne3A_391 = arith.cmpi ne, %rem3A_389, %ne3A_390 : i32
        %lt3A_392 = arith.constant 0 : i32
        %lt3A_393 = arith.cmpi slt, %rem3A_389, %lt3A_392 : i32
        %lt3A_394 = arith.constant 0 : i32
        %lt3A_395 = arith.cmpi slt, %select_n3A_388, %lt3A_394 : i32
        %ne3A_396 = arith.xori %lt3A_393, %lt3A_395 : i1
        %and3A_397 = arith.andi %ne3A_396, %ne3A_391 : i1
        %add3A_398 = arith.addi %rem3A_389, %select_n3A_388 : i32
        %select_n3A_399 = arith.select %and3A_397, %add3A_398, %rem3A_389 : i32
        %dma_start3A_400 = arith.constant 0 : i32
        %dma_start3A_401 = arith.constant 0 : i32
        %dma_start3A_402 = tpu.memref_slice %arg8[%select_n3A_399, %dma_start3A_400, %dma_start3A_401] : memref<8x2x128xi32, #tpu.memory_space<vmem>> -> memref<1x2x128xi32, #tpu.memory_space<vmem>>
        %dma_start3A_403 = tpu.memref_squeeze %dma_start3A_402 : memref<1x2x128xi32, #tpu.memory_space<vmem>> -> memref<2x128xi32, #tpu.memory_space<vmem>>
        %dma_start3A_404 = arith.constant 0 : i32
        %dma_start3A_405 = arith.constant 0 : i32
        %dma_start3A_406 = tpu.memref_slice %arg3[%add3A_383, %dma_start3A_404, %dma_start3A_405] : memref<2560x2x128xi32, #tpu.memory_space<hbm>> -> memref<1x2x128xi32, #tpu.memory_space<hbm>>
        %dma_start3A_407 = tpu.memref_squeeze %dma_start3A_406 : memref<1x2x128xi32, #tpu.memory_space<hbm>> -> memref<2x128xi32, #tpu.memory_space<hbm>>
        %dma_start3A_408 = arith.constant 0 : i32
        %dma_start3A_409 = arith.constant 0 : i32
        %dma_start3A_410 = tpu.memref_slice %arg8[%select_n3A_399, %dma_start3A_408, %dma_start3A_409] : memref<8x2x128xi32, #tpu.memory_space<vmem>> -> memref<1x2x128xi32, #tpu.memory_space<vmem>>
        %dma_start3A_411 = tpu.memref_squeeze %dma_start3A_410 : memref<1x2x128xi32, #tpu.memory_space<vmem>> -> memref<2x128xi32, #tpu.memory_space<vmem>>
        %dma_start3A_412 = arith.constant 0 : i32
        %dma_start3A_413 = arith.constant 0 : i32
        %dma_start3A_414 = tpu.memref_slice %arg3[%add3A_383, %dma_start3A_412, %dma_start3A_413] : memref<2560x2x128xi32, #tpu.memory_space<hbm>> -> memref<1x2x128xi32, #tpu.memory_space<hbm>>
        %dma_start3A_415 = tpu.memref_squeeze %dma_start3A_414 : memref<1x2x128xi32, #tpu.memory_space<hbm>> -> memref<2x128xi32, #tpu.memory_space<hbm>>
        tpu.enqueue_dma source(%dma_start3A_415 : memref<2x128xi32, #tpu.memory_space<hbm>>) target(%dma_start3A_411 : memref<2x128xi32, #tpu.memory_space<vmem>>) target_semaphore(%arg15 : memref<!tpu.dma_semaphore, #tpu.memory_space<semaphore_mem>>)
      } else {
      }
      %add3A_284 = arith.constant 2 : i32
      %add3A_285 = arith.addi %while3A_278, %add3A_284 : i32
      %lt3A_286 = arith.cmpi slt, %add3A_285, %select_n3A : i32
      %convert_element_type3A_287 = arith.extui %lt3A_286 : i1 to i32
      %cond3A_288 = arith.constant 0 : i32
      %cond3A_289 = arith.cmpi ne, %convert_element_type3A_287, %cond3A_288 : i32
      scf.if %cond3A_289 {
        %add3A_381 = arith.constant 2 : i32
        %add3A_382 = arith.addi %while3A_278, %add3A_381 : i32
        %add3A_383 = arith.addi %select_n3A_10, %add3A_382 : i32
        %jit3A_384 = arith.constant 8 : i32
        %eq3A_385 = arith.constant 0 : i32
        %eq3A_386 = arith.cmpi eq, %jit3A_384, %eq3A_385 : i32
        %jit3A_387 = arith.constant 1 : i32
        %select_n3A_388 = arith.select %eq3A_386, %jit3A_387, %jit3A_384 : i32
        %rem3A_389 = arith.remsi %add3A_382, %select_n3A_388 : i32
        %ne3A_390 = arith.constant 0 : i32
        %ne3A_391 = arith.cmpi ne, %rem3A_389, %ne3A_390 : i32
        %lt3A_392 = arith.constant 0 : i32
        %lt3A_393 = arith.cmpi slt, %rem3A_389, %lt3A_392 : i32
        %lt3A_394 = arith.constant 0 : i32
        %lt3A_395 = arith.cmpi slt, %select_n3A_388, %lt3A_394 : i32
        %ne3A_396 = arith.xori %lt3A_393, %lt3A_395 : i1
        %and3A_397 = arith.andi %ne3A_396, %ne3A_391 : i1
        %add3A_398 = arith.addi %rem3A_389, %select_n3A_388 : i32
        %select_n3A_399 = arith.select %and3A_397, %add3A_398, %rem3A_389 : i32
        %dma_wait3A_400 = arith.constant 0 : i32
        %dma_wait3A_401 = arith.constant 0 : i32
        %dma_wait3A_402 = tpu.memref_slice %arg8[%select_n3A_399, %dma_wait3A_400, %dma_wait3A_401] : memref<8x2x128xi32, #tpu.memory_space<vmem>> -> memref<1x2x128xi32, #tpu.memory_space<vmem>>
        %dma_wait3A_403 = tpu.memref_squeeze %dma_wait3A_402 : memref<1x2x128xi32, #tpu.memory_space<vmem>> -> memref<2x128xi32, #tpu.memory_space<vmem>>
        %dma_wait3A_404 = arith.constant 0 : i32
        %dma_wait3A_405 = arith.constant 0 : i32
        %dma_wait3A_406 = tpu.memref_slice %arg3[%add3A_383, %dma_wait3A_404, %dma_wait3A_405] : memref<2560x2x128xi32, #tpu.memory_space<hbm>> -> memref<1x2x128xi32, #tpu.memory_space<hbm>>
        %dma_wait3A_407 = tpu.memref_squeeze %dma_wait3A_406 : memref<1x2x128xi32, #tpu.memory_space<hbm>> -> memref<2x128xi32, #tpu.memory_space<hbm>>
        %dma_wait3A_408 = arith.constant 0 : i32
        %dma_wait3A_409 = arith.constant 0 : i32
        %dma_wait3A_410 = tpu.memref_slice %arg8[%select_n3A_399, %dma_wait3A_408, %dma_wait3A_409] : memref<8x2x128xi32, #tpu.memory_space<vmem>> -> memref<1x2x128xi32, #tpu.memory_space<vmem>>
        %dma_wait3A_411 = tpu.memref_squeeze %dma_wait3A_410 : memref<1x2x128xi32, #tpu.memory_space<vmem>> -> memref<2x128xi32, #tpu.memory_space<vmem>>
        %dma_wait3A_412 = arith.constant 0 : i32
        %dma_wait3A_413 = arith.constant 0 : i32
        %dma_wait3A_414 = tpu.memref_slice %arg3[%add3A_383, %dma_wait3A_412, %dma_wait3A_413] : memref<2560x2x128xi32, #tpu.memory_space<hbm>> -> memref<1x2x128xi32, #tpu.memory_space<hbm>>
        %dma_wait3A_415 = tpu.memref_squeeze %dma_wait3A_414 : memref<1x2x128xi32, #tpu.memory_space<hbm>> -> memref<2x128xi32, #tpu.memory_space<hbm>>
        tpu.wait_dma2 semaphore(%arg15 : memref<!tpu.dma_semaphore, #tpu.memory_space<semaphore_mem>>) src(%dma_wait3A_415 : memref<2x128xi32, #tpu.memory_space<hbm>>) dst(%dma_wait3A_411 : memref<2x128xi32, #tpu.memory_space<vmem>>)
        %add3A_416 = arith.constant 2 : i32
        %add3A_417 = arith.addi %while3A_278, %add3A_416 : i32
        %jit3A_418 = arith.constant 8 : i32
        %eq3A_419 = arith.constant 0 : i32
        %eq3A_420 = arith.cmpi eq, %jit3A_418, %eq3A_419 : i32
        %jit3A_421 = arith.constant 1 : i32
        %select_n3A_422 = arith.select %eq3A_420, %jit3A_421, %jit3A_418 : i32
        %rem3A_423 = arith.remsi %add3A_417, %select_n3A_422 : i32
        %ne3A_424 = arith.constant 0 : i32
        %ne3A_425 = arith.cmpi ne, %rem3A_423, %ne3A_424 : i32
        %lt3A_426 = arith.constant 0 : i32
        %lt3A_427 = arith.cmpi slt, %rem3A_423, %lt3A_426 : i32
        %lt3A_428 = arith.constant 0 : i32
        %lt3A_429 = arith.cmpi slt, %select_n3A_422, %lt3A_428 : i32
        %ne3A_430 = arith.xori %lt3A_427, %lt3A_429 : i1
        %and3A_431 = arith.andi %ne3A_430, %ne3A_425 : i1
        %add3A_432 = arith.addi %rem3A_423, %select_n3A_422 : i32
        %select_n3A_433 = arith.select %and3A_431, %add3A_432, %rem3A_423 : i32
        %jit3A_434 = arith.constant 4 : i32
        %eq3A_435 = arith.constant 0 : i32
        %eq3A_436 = arith.cmpi eq, %jit3A_434, %eq3A_435 : i32
        %jit3A_437 = arith.constant 1 : i32
        %select_n3A_438 = arith.select %eq3A_436, %jit3A_437, %jit3A_434 : i32
        %rem3A_439 = arith.remsi %add3A_417, %select_n3A_438 : i32
        %ne3A_440 = arith.constant 0 : i32
        %ne3A_441 = arith.cmpi ne, %rem3A_439, %ne3A_440 : i32
        %lt3A_442 = arith.constant 0 : i32
        %lt3A_443 = arith.cmpi slt, %rem3A_439, %lt3A_442 : i32
        %lt3A_444 = arith.constant 0 : i32
        %lt3A_445 = arith.cmpi slt, %select_n3A_438, %lt3A_444 : i32
        %ne3A_446 = arith.xori %lt3A_443, %lt3A_445 : i1
        %and3A_447 = arith.andi %ne3A_446, %ne3A_441 : i1
        %add3A_448 = arith.addi %rem3A_439, %select_n3A_438 : i32
        %select_n3A_449 = arith.select %and3A_447, %add3A_448, %rem3A_439 : i32
        %mul3A_450 = arith.constant 128 : i32
        %mul3A_451 = arith.muli %select_n3A_449, %mul3A_450 : i32
        %dma_start3A_452 = arith.constant 0 : i32
        %dma_start3A_453 = arith.constant 0 : i32
        %dma_start3A_454 = tpu.memref_slice %arg9[%mul3A_451, %dma_start3A_453] : memref<512x64xf32, #tpu.memory_space<vmem>> -> memref<128x64xf32, #tpu.memory_space<vmem>>
        %dma_start3A_455 = arith.constant 0 : i32
        %dma_start3A_456 = tpu.memref_slice %arg8[%select_n3A_433, %dma_start3A_452, %dma_start3A_455] : memref<8x2x128xi32, #tpu.memory_space<vmem>> -> memref<1x1x128xi32, #tpu.memory_space<vmem>>
        %dma_start3A_457 = tpu.memref_squeeze %dma_start3A_456 : memref<1x1x128xi32, #tpu.memory_space<vmem>> -> memref<128xi32, #tpu.memory_space<vmem>>
        %dma_start3A_458 = arith.constant 0 : i32
        %dma_start3A_459 = arith.constant 0 : i32
        %dma_start3A_460 = tpu.memref_slice %arg13[%dma_start3A_458, %dma_start3A_459] : memref<10240x64xf32, #tpu.memory_space<vmem_shared>> -> memref<10240x64xf32, #tpu.memory_space<vmem_shared>>
        tpu.enqueue_indirect_dma source(%dma_start3A_460 : memref<10240x64xf32, #tpu.memory_space<vmem_shared>>) target(%dma_start3A_454 : memref<128x64xf32, #tpu.memory_space<vmem>>) offsets(%dma_start3A_457 : memref<128xi32, #tpu.memory_space<vmem>>) semaphore(%arg14 : memref<!tpu.dma_semaphore, #tpu.memory_space<semaphore_mem>>)
      } else {
      }
      %jit3A_290 = arith.constant 8 : i32
      %eq3A_291 = arith.constant 0 : i32
      %eq3A_292 = arith.cmpi eq, %jit3A_290, %eq3A_291 : i32
      %jit3A_293 = arith.constant 1 : i32
      %select_n3A_294 = arith.select %eq3A_292, %jit3A_293, %jit3A_290 : i32
      %rem3A_295 = arith.remsi %while3A_278, %select_n3A_294 : i32
      %ne3A_296 = arith.constant 0 : i32
      %ne3A_297 = arith.cmpi ne, %rem3A_295, %ne3A_296 : i32
      %lt3A_298 = arith.constant 0 : i32
      %lt3A_299 = arith.cmpi slt, %rem3A_295, %lt3A_298 : i32
      %lt3A_300 = arith.constant 0 : i32
      %lt3A_301 = arith.cmpi slt, %select_n3A_294, %lt3A_300 : i32
      %ne3A_302 = arith.xori %lt3A_299, %lt3A_301 : i1
      %and3A_303 = arith.andi %ne3A_302, %ne3A_297 : i1
      %add3A_304 = arith.addi %rem3A_295, %select_n3A_294 : i32
      %select_n3A_305 = arith.select %and3A_303, %add3A_304, %rem3A_295 : i32
      %jit3A_306 = arith.constant 4 : i32
      %eq3A_307 = arith.constant 0 : i32
      %eq3A_308 = arith.cmpi eq, %jit3A_306, %eq3A_307 : i32
      %jit3A_309 = arith.constant 1 : i32
      %select_n3A_310 = arith.select %eq3A_308, %jit3A_309, %jit3A_306 : i32
      %rem3A_311 = arith.remsi %while3A_278, %select_n3A_310 : i32
      %ne3A_312 = arith.constant 0 : i32
      %ne3A_313 = arith.cmpi ne, %rem3A_311, %ne3A_312 : i32
      %lt3A_314 = arith.constant 0 : i32
      %lt3A_315 = arith.cmpi slt, %rem3A_311, %lt3A_314 : i32
      %lt3A_316 = arith.constant 0 : i32
      %lt3A_317 = arith.cmpi slt, %select_n3A_310, %lt3A_316 : i32
      %ne3A_318 = arith.xori %lt3A_315, %lt3A_317 : i1
      %and3A_319 = arith.andi %ne3A_318, %ne3A_313 : i1
      %add3A_320 = arith.addi %rem3A_311, %select_n3A_310 : i32
      %select_n3A_321 = arith.select %and3A_319, %add3A_320, %rem3A_311 : i32
      %mul3A_322 = arith.constant 128 : i32
      %mul3A_323 = arith.muli %select_n3A_321, %mul3A_322 : i32
      %dma_wait3A_324 = arith.constant 0 : i32
      %dma_wait3A_325 = arith.constant 0 : i32
      %dma_wait3A_326 = tpu.memref_slice %arg9[%mul3A_323, %dma_wait3A_325] : memref<512x64xf32, #tpu.memory_space<vmem>> -> memref<128x64xf32, #tpu.memory_space<vmem>>
      %dma_wait3A_327 = arith.constant 0 : i32
      %dma_wait3A_328 = tpu.memref_slice %arg8[%select_n3A_305, %dma_wait3A_324, %dma_wait3A_327] : memref<8x2x128xi32, #tpu.memory_space<vmem>> -> memref<1x1x128xi32, #tpu.memory_space<vmem>>
      %dma_wait3A_329 = tpu.memref_squeeze %dma_wait3A_328 : memref<1x1x128xi32, #tpu.memory_space<vmem>> -> memref<128xi32, #tpu.memory_space<vmem>>
      %dma_wait3A_330 = arith.constant 0 : i32
      %dma_wait3A_331 = arith.constant 0 : i32
      %dma_wait3A_332 = tpu.memref_slice %arg13[%dma_wait3A_330, %dma_wait3A_331] : memref<10240x64xf32, #tpu.memory_space<vmem_shared>> -> memref<10240x64xf32, #tpu.memory_space<vmem_shared>>
      tpu.wait_indirect_dma semaphore(%arg14 : memref<!tpu.dma_semaphore, #tpu.memory_space<semaphore_mem>>) src(%dma_wait3A_332 : memref<10240x64xf32, #tpu.memory_space<vmem_shared>>) dst(%dma_wait3A_326 : memref<128x64xf32, #tpu.memory_space<vmem>>)
      %jit3A_333 = arith.constant 4 : i32
      %eq3A_334 = arith.constant 0 : i32
      %eq3A_335 = arith.cmpi eq, %jit3A_333, %eq3A_334 : i32
      %jit3A_336 = arith.constant 1 : i32
      %select_n3A_337 = arith.select %eq3A_335, %jit3A_336, %jit3A_333 : i32
      %rem3A_338 = arith.remsi %while3A_278, %select_n3A_337 : i32
      %ne3A_339 = arith.constant 0 : i32
      %ne3A_340 = arith.cmpi ne, %rem3A_338, %ne3A_339 : i32
      %lt3A_341 = arith.constant 0 : i32
      %lt3A_342 = arith.cmpi slt, %rem3A_338, %lt3A_341 : i32
      %lt3A_343 = arith.constant 0 : i32
      %lt3A_344 = arith.cmpi slt, %select_n3A_337, %lt3A_343 : i32
      %ne3A_345 = arith.xori %lt3A_342, %lt3A_344 : i1
      %and3A_346 = arith.andi %ne3A_345, %ne3A_340 : i1
      %add3A_347 = arith.addi %rem3A_338, %select_n3A_337 : i32
      %select_n3A_348 = arith.select %and3A_346, %add3A_347, %rem3A_338 : i32
      %mul3A_349 = arith.constant 128 : i32
      %mul3A_350 = arith.muli %select_n3A_348, %mul3A_349 : i32
      %jit3A_351 = arith.constant 8 : i32
      %eq3A_352 = arith.constant 0 : i32
      %eq3A_353 = arith.cmpi eq, %jit3A_351, %eq3A_352 : i32
      %jit3A_354 = arith.constant 1 : i32
      %select_n3A_355 = arith.select %eq3A_353, %jit3A_354, %jit3A_351 : i32
      %rem3A_356 = arith.remsi %while3A_278, %select_n3A_355 : i32
      %ne3A_357 = arith.constant 0 : i32
      %ne3A_358 = arith.cmpi ne, %rem3A_356, %ne3A_357 : i32
      %lt3A_359 = arith.constant 0 : i32
      %lt3A_360 = arith.cmpi slt, %rem3A_356, %lt3A_359 : i32
      %lt3A_361 = arith.constant 0 : i32
      %lt3A_362 = arith.cmpi slt, %select_n3A_355, %lt3A_361 : i32
      %ne3A_363 = arith.xori %lt3A_360, %lt3A_362 : i1
      %and3A_364 = arith.andi %ne3A_363, %ne3A_358 : i1
      %add3A_365 = arith.addi %rem3A_356, %select_n3A_355 : i32
      %select_n3A_366 = arith.select %and3A_364, %add3A_365, %rem3A_356 : i32
      %dma_start3A_367 = arith.constant 1 : i32
      %dma_start3A_368 = arith.constant 0 : i32
      %dma_start3A_369 = tpu.memref_slice %arg9[%mul3A_350, %dma_start3A_368] : memref<512x64xf32, #tpu.memory_space<vmem>> -> memref<128x64xf32, #tpu.memory_space<vmem>>
      %dma_start3A_370 = arith.constant 0 : i32
      %dma_start3A_371 = tpu.memref_slice %arg8[%select_n3A_366, %dma_start3A_367, %dma_start3A_370] : memref<8x2x128xi32, #tpu.memory_space<vmem>> -> memref<1x1x128xi32, #tpu.memory_space<vmem>>
      %dma_start3A_372 = tpu.memref_squeeze %dma_start3A_371 : memref<1x1x128xi32, #tpu.memory_space<vmem>> -> memref<128xi32, #tpu.memory_space<vmem>>
      %dma_start3A_373 = arith.constant 0 : i32
      %dma_start3A_374 = arith.constant 0 : i32
      %dma_start3A_375 = tpu.memref_slice %arg11[%dma_start3A_373, %dma_start3A_374] : memref<10240x64xf32, #tpu.memory_space<vmem_shared>> -> memref<10240x64xf32, #tpu.memory_space<vmem_shared>>
      tpu.enqueue_indirect_dma source(%dma_start3A_369 : memref<128x64xf32, #tpu.memory_space<vmem>>) target(%dma_start3A_375 : memref<10240x64xf32, #tpu.memory_space<vmem_shared>>) offsets(%dma_start3A_372 : memref<128xi32, #tpu.memory_space<vmem>>) semaphore(%arg16 : memref<!tpu.dma_semaphore, #tpu.memory_space<semaphore_mem>>) {add = true}
      %ge3A = arith.constant 3 : i32
      %ge3A_376 = arith.cmpi sge, %while3A_278, %ge3A : i32
      %convert_element_type3A_377 = arith.extui %ge3A_376 : i1 to i32
      %cond3A_378 = arith.constant 0 : i32
      %cond3A_379 = arith.cmpi ne, %convert_element_type3A_377, %cond3A_378 : i32
      scf.if %cond3A_379 {
        %sub3A_381 = arith.constant 3 : i32
        %sub3A_382 = arith.subi %while3A_278, %sub3A_381 : i32
        %jit3A_383 = arith.constant 4 : i32
        %eq3A_384 = arith.constant 0 : i32
        %eq3A_385 = arith.cmpi eq, %jit3A_383, %eq3A_384 : i32
        %jit3A_386 = arith.constant 1 : i32
        %select_n3A_387 = arith.select %eq3A_385, %jit3A_386, %jit3A_383 : i32
        %rem3A_388 = arith.remsi %sub3A_382, %select_n3A_387 : i32
        %ne3A_389 = arith.constant 0 : i32
        %ne3A_390 = arith.cmpi ne, %rem3A_388, %ne3A_389 : i32
        %lt3A_391 = arith.constant 0 : i32
        %lt3A_392 = arith.cmpi slt, %rem3A_388, %lt3A_391 : i32
        %lt3A_393 = arith.constant 0 : i32
        %lt3A_394 = arith.cmpi slt, %select_n3A_387, %lt3A_393 : i32
        %ne3A_395 = arith.xori %lt3A_392, %lt3A_394 : i1
        %and3A_396 = arith.andi %ne3A_395, %ne3A_390 : i1
        %add3A_397 = arith.addi %rem3A_388, %select_n3A_387 : i32
        %select_n3A_398 = arith.select %and3A_396, %add3A_397, %rem3A_388 : i32
        %mul3A_399 = arith.constant 128 : i32
        %mul3A_400 = arith.muli %select_n3A_398, %mul3A_399 : i32
        %jit3A_401 = arith.constant 8 : i32
        %eq3A_402 = arith.constant 0 : i32
        %eq3A_403 = arith.cmpi eq, %jit3A_401, %eq3A_402 : i32
        %jit3A_404 = arith.constant 1 : i32
        %select_n3A_405 = arith.select %eq3A_403, %jit3A_404, %jit3A_401 : i32
        %rem3A_406 = arith.remsi %sub3A_382, %select_n3A_405 : i32
        %ne3A_407 = arith.constant 0 : i32
        %ne3A_408 = arith.cmpi ne, %rem3A_406, %ne3A_407 : i32
        %lt3A_409 = arith.constant 0 : i32
        %lt3A_410 = arith.cmpi slt, %rem3A_406, %lt3A_409 : i32
        %lt3A_411 = arith.constant 0 : i32
        %lt3A_412 = arith.cmpi slt, %select_n3A_405, %lt3A_411 : i32
        %ne3A_413 = arith.xori %lt3A_410, %lt3A_412 : i1
        %and3A_414 = arith.andi %ne3A_413, %ne3A_408 : i1
        %add3A_415 = arith.addi %rem3A_406, %select_n3A_405 : i32
        %select_n3A_416 = arith.select %and3A_414, %add3A_415, %rem3A_406 : i32
        %dma_wait3A_417 = arith.constant 1 : i32
        %dma_wait3A_418 = arith.constant 0 : i32
        %dma_wait3A_419 = tpu.memref_slice %arg9[%mul3A_400, %dma_wait3A_418] : memref<512x64xf32, #tpu.memory_space<vmem>> -> memref<128x64xf32, #tpu.memory_space<vmem>>
        %dma_wait3A_420 = arith.constant 0 : i32
        %dma_wait3A_421 = tpu.memref_slice %arg8[%select_n3A_416, %dma_wait3A_417, %dma_wait3A_420] : memref<8x2x128xi32, #tpu.memory_space<vmem>> -> memref<1x1x128xi32, #tpu.memory_space<vmem>>
        %dma_wait3A_422 = tpu.memref_squeeze %dma_wait3A_421 : memref<1x1x128xi32, #tpu.memory_space<vmem>> -> memref<128xi32, #tpu.memory_space<vmem>>
        %dma_wait3A_423 = arith.constant 0 : i32
        %dma_wait3A_424 = arith.constant 0 : i32
        %dma_wait3A_425 = tpu.memref_slice %arg11[%dma_wait3A_423, %dma_wait3A_424] : memref<10240x64xf32, #tpu.memory_space<vmem_shared>> -> memref<10240x64xf32, #tpu.memory_space<vmem_shared>>
        tpu.wait_indirect_dma semaphore(%arg16 : memref<!tpu.dma_semaphore, #tpu.memory_space<semaphore_mem>>) src(%dma_wait3A_419 : memref<128x64xf32, #tpu.memory_space<vmem>>) dst(%dma_wait3A_425 : memref<10240x64xf32, #tpu.memory_space<vmem_shared>>)
      } else {
      }
      %while3A_380 = arith.constant 0 : i32
      scf.yield %while3A_380 : i32
    }
    %while3A_139 = arith.constant 1 : i32
    %while3A_140 = scf.for %while3A_278 = %while3A_136 to %while3A_132 step %while3A_139 iter_args(%while3A_279 = %while3A_138) -> (i32)  : i32 {
      %add3A_280 = arith.constant 3 : i32
      %add3A_281 = arith.addi %while3A_278, %add3A_280 : i32
      %lt3A_282 = arith.cmpi slt, %add3A_281, %select_n3A : i32
      %convert_element_type3A = arith.extui %lt3A_282 : i1 to i32
      %cond3A = arith.constant 0 : i32
      %cond3A_283 = arith.cmpi ne, %convert_element_type3A, %cond3A : i32
      scf.if %cond3A_283 {
        %add3A_381 = arith.constant 3 : i32
        %add3A_382 = arith.addi %while3A_278, %add3A_381 : i32
        %add3A_383 = arith.addi %select_n3A_10, %add3A_382 : i32
        %jit3A_384 = arith.constant 8 : i32
        %eq3A_385 = arith.constant 0 : i32
        %eq3A_386 = arith.cmpi eq, %jit3A_384, %eq3A_385 : i32
        %jit3A_387 = arith.constant 1 : i32
        %select_n3A_388 = arith.select %eq3A_386, %jit3A_387, %jit3A_384 : i32
        %rem3A_389 = arith.remsi %add3A_382, %select_n3A_388 : i32
        %ne3A_390 = arith.constant 0 : i32
        %ne3A_391 = arith.cmpi ne, %rem3A_389, %ne3A_390 : i32
        %lt3A_392 = arith.constant 0 : i32
        %lt3A_393 = arith.cmpi slt, %rem3A_389, %lt3A_392 : i32
        %lt3A_394 = arith.constant 0 : i32
        %lt3A_395 = arith.cmpi slt, %select_n3A_388, %lt3A_394 : i32
        %ne3A_396 = arith.xori %lt3A_393, %lt3A_395 : i1
        %and3A_397 = arith.andi %ne3A_396, %ne3A_391 : i1
        %add3A_398 = arith.addi %rem3A_389, %select_n3A_388 : i32
        %select_n3A_399 = arith.select %and3A_397, %add3A_398, %rem3A_389 : i32
        %dma_start3A_400 = arith.constant 0 : i32
        %dma_start3A_401 = arith.constant 0 : i32
        %dma_start3A_402 = tpu.memref_slice %arg8[%select_n3A_399, %dma_start3A_400, %dma_start3A_401] : memref<8x2x128xi32, #tpu.memory_space<vmem>> -> memref<1x2x128xi32, #tpu.memory_space<vmem>>
        %dma_start3A_403 = tpu.memref_squeeze %dma_start3A_402 : memref<1x2x128xi32, #tpu.memory_space<vmem>> -> memref<2x128xi32, #tpu.memory_space<vmem>>
        %dma_start3A_404 = arith.constant 0 : i32
        %dma_start3A_405 = arith.constant 0 : i32
        %dma_start3A_406 = tpu.memref_slice %arg3[%add3A_383, %dma_start3A_404, %dma_start3A_405] : memref<2560x2x128xi32, #tpu.memory_space<hbm>> -> memref<1x2x128xi32, #tpu.memory_space<hbm>>
        %dma_start3A_407 = tpu.memref_squeeze %dma_start3A_406 : memref<1x2x128xi32, #tpu.memory_space<hbm>> -> memref<2x128xi32, #tpu.memory_space<hbm>>
        %dma_start3A_408 = arith.constant 0 : i32
        %dma_start3A_409 = arith.constant 0 : i32
        %dma_start3A_410 = tpu.memref_slice %arg8[%select_n3A_399, %dma_start3A_408, %dma_start3A_409] : memref<8x2x128xi32, #tpu.memory_space<vmem>> -> memref<1x2x128xi32, #tpu.memory_space<vmem>>
        %dma_start3A_411 = tpu.memref_squeeze %dma_start3A_410 : memref<1x2x128xi32, #tpu.memory_space<vmem>> -> memref<2x128xi32, #tpu.memory_space<vmem>>
        %dma_start3A_412 = arith.constant 0 : i32
        %dma_start3A_413 = arith.constant 0 : i32
        %dma_start3A_414 = tpu.memref_slice %arg3[%add3A_383, %dma_start3A_412, %dma_start3A_413] : memref<2560x2x128xi32, #tpu.memory_space<hbm>> -> memref<1x2x128xi32, #tpu.memory_space<hbm>>
        %dma_start3A_415 = tpu.memref_squeeze %dma_start3A_414 : memref<1x2x128xi32, #tpu.memory_space<hbm>> -> memref<2x128xi32, #tpu.memory_space<hbm>>
        tpu.enqueue_dma source(%dma_start3A_415 : memref<2x128xi32, #tpu.memory_space<hbm>>) target(%dma_start3A_411 : memref<2x128xi32, #tpu.memory_space<vmem>>) target_semaphore(%arg15 : memref<!tpu.dma_semaphore, #tpu.memory_space<semaphore_mem>>)
      } else {
      }
      %add3A_284 = arith.constant 2 : i32
      %add3A_285 = arith.addi %while3A_278, %add3A_284 : i32
      %lt3A_286 = arith.cmpi slt, %add3A_285, %select_n3A : i32
      %convert_element_type3A_287 = arith.extui %lt3A_286 : i1 to i32
      %cond3A_288 = arith.constant 0 : i32
      %cond3A_289 = arith.cmpi ne, %convert_element_type3A_287, %cond3A_288 : i32
      scf.if %cond3A_289 {
        %add3A_381 = arith.constant 2 : i32
        %add3A_382 = arith.addi %while3A_278, %add3A_381 : i32
        %add3A_383 = arith.addi %select_n3A_10, %add3A_382 : i32
        %jit3A_384 = arith.constant 8 : i32
        %eq3A_385 = arith.constant 0 : i32
        %eq3A_386 = arith.cmpi eq, %jit3A_384, %eq3A_385 : i32
        %jit3A_387 = arith.constant 1 : i32
        %select_n3A_388 = arith.select %eq3A_386, %jit3A_387, %jit3A_384 : i32
        %rem3A_389 = arith.remsi %add3A_382, %select_n3A_388 : i32
        %ne3A_390 = arith.constant 0 : i32
        %ne3A_391 = arith.cmpi ne, %rem3A_389, %ne3A_390 : i32
        %lt3A_392 = arith.constant 0 : i32
        %lt3A_393 = arith.cmpi slt, %rem3A_389, %lt3A_392 : i32
        %lt3A_394 = arith.constant 0 : i32
        %lt3A_395 = arith.cmpi slt, %select_n3A_388, %lt3A_394 : i32
        %ne3A_396 = arith.xori %lt3A_393, %lt3A_395 : i1
        %and3A_397 = arith.andi %ne3A_396, %ne3A_391 : i1
        %add3A_398 = arith.addi %rem3A_389, %select_n3A_388 : i32
        %select_n3A_399 = arith.select %and3A_397, %add3A_398, %rem3A_389 : i32
        %dma_wait3A_400 = arith.constant 0 : i32
        %dma_wait3A_401 = arith.constant 0 : i32
        %dma_wait3A_402 = tpu.memref_slice %arg8[%select_n3A_399, %dma_wait3A_400, %dma_wait3A_401] : memref<8x2x128xi32, #tpu.memory_space<vmem>> -> memref<1x2x128xi32, #tpu.memory_space<vmem>>
        %dma_wait3A_403 = tpu.memref_squeeze %dma_wait3A_402 : memref<1x2x128xi32, #tpu.memory_space<vmem>> -> memref<2x128xi32, #tpu.memory_space<vmem>>
        %dma_wait3A_404 = arith.constant 0 : i32
        %dma_wait3A_405 = arith.constant 0 : i32
        %dma_wait3A_406 = tpu.memref_slice %arg3[%add3A_383, %dma_wait3A_404, %dma_wait3A_405] : memref<2560x2x128xi32, #tpu.memory_space<hbm>> -> memref<1x2x128xi32, #tpu.memory_space<hbm>>
        %dma_wait3A_407 = tpu.memref_squeeze %dma_wait3A_406 : memref<1x2x128xi32, #tpu.memory_space<hbm>> -> memref<2x128xi32, #tpu.memory_space<hbm>>
        %dma_wait3A_408 = arith.constant 0 : i32
        %dma_wait3A_409 = arith.constant 0 : i32
        %dma_wait3A_410 = tpu.memref_slice %arg8[%select_n3A_399, %dma_wait3A_408, %dma_wait3A_409] : memref<8x2x128xi32, #tpu.memory_space<vmem>> -> memref<1x2x128xi32, #tpu.memory_space<vmem>>
        %dma_wait3A_411 = tpu.memref_squeeze %dma_wait3A_410 : memref<1x2x128xi32, #tpu.memory_space<vmem>> -> memref<2x128xi32, #tpu.memory_space<vmem>>
        %dma_wait3A_412 = arith.constant 0 : i32
        %dma_wait3A_413 = arith.constant 0 : i32
        %dma_wait3A_414 = tpu.memref_slice %arg3[%add3A_383, %dma_wait3A_412, %dma_wait3A_413] : memref<2560x2x128xi32, #tpu.memory_space<hbm>> -> memref<1x2x128xi32, #tpu.memory_space<hbm>>
        %dma_wait3A_415 = tpu.memref_squeeze %dma_wait3A_414 : memref<1x2x128xi32, #tpu.memory_space<hbm>> -> memref<2x128xi32, #tpu.memory_space<hbm>>
        tpu.wait_dma2 semaphore(%arg15 : memref<!tpu.dma_semaphore, #tpu.memory_space<semaphore_mem>>) src(%dma_wait3A_415 : memref<2x128xi32, #tpu.memory_space<hbm>>) dst(%dma_wait3A_411 : memref<2x128xi32, #tpu.memory_space<vmem>>)
        %add3A_416 = arith.constant 2 : i32
        %add3A_417 = arith.addi %while3A_278, %add3A_416 : i32
        %jit3A_418 = arith.constant 8 : i32
        %eq3A_419 = arith.constant 0 : i32
        %eq3A_420 = arith.cmpi eq, %jit3A_418, %eq3A_419 : i32
        %jit3A_421 = arith.constant 1 : i32
        %select_n3A_422 = arith.select %eq3A_420, %jit3A_421, %jit3A_418 : i32
        %rem3A_423 = arith.remsi %add3A_417, %select_n3A_422 : i32
        %ne3A_424 = arith.constant 0 : i32
        %ne3A_425 = arith.cmpi ne, %rem3A_423, %ne3A_424 : i32
        %lt3A_426 = arith.constant 0 : i32
        %lt3A_427 = arith.cmpi slt, %rem3A_423, %lt3A_426 : i32
        %lt3A_428 = arith.constant 0 : i32
        %lt3A_429 = arith.cmpi slt, %select_n3A_422, %lt3A_428 : i32
        %ne3A_430 = arith.xori %lt3A_427, %lt3A_429 : i1
        %and3A_431 = arith.andi %ne3A_430, %ne3A_425 : i1
        %add3A_432 = arith.addi %rem3A_423, %select_n3A_422 : i32
        %select_n3A_433 = arith.select %and3A_431, %add3A_432, %rem3A_423 : i32
        %jit3A_434 = arith.constant 4 : i32
        %eq3A_435 = arith.constant 0 : i32
        %eq3A_436 = arith.cmpi eq, %jit3A_434, %eq3A_435 : i32
        %jit3A_437 = arith.constant 1 : i32
        %select_n3A_438 = arith.select %eq3A_436, %jit3A_437, %jit3A_434 : i32
        %rem3A_439 = arith.remsi %add3A_417, %select_n3A_438 : i32
        %ne3A_440 = arith.constant 0 : i32
        %ne3A_441 = arith.cmpi ne, %rem3A_439, %ne3A_440 : i32
        %lt3A_442 = arith.constant 0 : i32
        %lt3A_443 = arith.cmpi slt, %rem3A_439, %lt3A_442 : i32
        %lt3A_444 = arith.constant 0 : i32
        %lt3A_445 = arith.cmpi slt, %select_n3A_438, %lt3A_444 : i32
        %ne3A_446 = arith.xori %lt3A_443, %lt3A_445 : i1
        %and3A_447 = arith.andi %ne3A_446, %ne3A_441 : i1
        %add3A_448 = arith.addi %rem3A_439, %select_n3A_438 : i32
        %select_n3A_449 = arith.select %and3A_447, %add3A_448, %rem3A_439 : i32
        %mul3A_450 = arith.constant 128 : i32
        %mul3A_451 = arith.muli %select_n3A_449, %mul3A_450 : i32
        %dma_start3A_452 = arith.constant 0 : i32
        %dma_start3A_453 = arith.constant 0 : i32
        %dma_start3A_454 = tpu.memref_slice %arg9[%mul3A_451, %dma_start3A_453] : memref<512x64xf32, #tpu.memory_space<vmem>> -> memref<128x64xf32, #tpu.memory_space<vmem>>
        %dma_start3A_455 = arith.constant 0 : i32
        %dma_start3A_456 = tpu.memref_slice %arg8[%select_n3A_433, %dma_start3A_452, %dma_start3A_455] : memref<8x2x128xi32, #tpu.memory_space<vmem>> -> memref<1x1x128xi32, #tpu.memory_space<vmem>>
        %dma_start3A_457 = tpu.memref_squeeze %dma_start3A_456 : memref<1x1x128xi32, #tpu.memory_space<vmem>> -> memref<128xi32, #tpu.memory_space<vmem>>
        %dma_start3A_458 = arith.constant 0 : i32
        %dma_start3A_459 = arith.constant 0 : i32
        %dma_start3A_460 = tpu.memref_slice %arg13[%dma_start3A_458, %dma_start3A_459] : memref<10240x64xf32, #tpu.memory_space<vmem_shared>> -> memref<10240x64xf32, #tpu.memory_space<vmem_shared>>
        tpu.enqueue_indirect_dma source(%dma_start3A_460 : memref<10240x64xf32, #tpu.memory_space<vmem_shared>>) target(%dma_start3A_454 : memref<128x64xf32, #tpu.memory_space<vmem>>) offsets(%dma_start3A_457 : memref<128xi32, #tpu.memory_space<vmem>>) semaphore(%arg14 : memref<!tpu.dma_semaphore, #tpu.memory_space<semaphore_mem>>)
      } else {
      }
      %jit3A_290 = arith.constant 8 : i32
      %eq3A_291 = arith.constant 0 : i32
      %eq3A_292 = arith.cmpi eq, %jit3A_290, %eq3A_291 : i32
      %jit3A_293 = arith.constant 1 : i32
      %select_n3A_294 = arith.select %eq3A_292, %jit3A_293, %jit3A_290 : i32
      %rem3A_295 = arith.remsi %while3A_278, %select_n3A_294 : i32
      %ne3A_296 = arith.constant 0 : i32
      %ne3A_297 = arith.cmpi ne, %rem3A_295, %ne3A_296 : i32
      %lt3A_298 = arith.constant 0 : i32
      %lt3A_299 = arith.cmpi slt, %rem3A_295, %lt3A_298 : i32
      %lt3A_300 = arith.constant 0 : i32
      %lt3A_301 = arith.cmpi slt, %select_n3A_294, %lt3A_300 : i32
      %ne3A_302 = arith.xori %lt3A_299, %lt3A_301 : i1
      %and3A_303 = arith.andi %ne3A_302, %ne3A_297 : i1
      %add3A_304 = arith.addi %rem3A_295, %select_n3A_294 : i32
      %select_n3A_305 = arith.select %and3A_303, %add3A_304, %rem3A_295 : i32
      %jit3A_306 = arith.constant 4 : i32
      %eq3A_307 = arith.constant 0 : i32
      %eq3A_308 = arith.cmpi eq, %jit3A_306, %eq3A_307 : i32
      %jit3A_309 = arith.constant 1 : i32
      %select_n3A_310 = arith.select %eq3A_308, %jit3A_309, %jit3A_306 : i32
      %rem3A_311 = arith.remsi %while3A_278, %select_n3A_310 : i32
      %ne3A_312 = arith.constant 0 : i32
      %ne3A_313 = arith.cmpi ne, %rem3A_311, %ne3A_312 : i32
      %lt3A_314 = arith.constant 0 : i32
      %lt3A_315 = arith.cmpi slt, %rem3A_311, %lt3A_314 : i32
      %lt3A_316 = arith.constant 0 : i32
      %lt3A_317 = arith.cmpi slt, %select_n3A_310, %lt3A_316 : i32
      %ne3A_318 = arith.xori %lt3A_315, %lt3A_317 : i1
      %and3A_319 = arith.andi %ne3A_318, %ne3A_313 : i1
      %add3A_320 = arith.addi %rem3A_311, %select_n3A_310 : i32
      %select_n3A_321 = arith.select %and3A_319, %add3A_320, %rem3A_311 : i32
      %mul3A_322 = arith.constant 128 : i32
      %mul3A_323 = arith.muli %select_n3A_321, %mul3A_322 : i32
      %dma_wait3A_324 = arith.constant 0 : i32
      %dma_wait3A_325 = arith.constant 0 : i32
      %dma_wait3A_326 = tpu.memref_slice %arg9[%mul3A_323, %dma_wait3A_325] : memref<512x64xf32, #tpu.memory_space<vmem>> -> memref<128x64xf32, #tpu.memory_space<vmem>>
      %dma_wait3A_327 = arith.constant 0 : i32
      %dma_wait3A_328 = tpu.memref_slice %arg8[%select_n3A_305, %dma_wait3A_324, %dma_wait3A_327] : memref<8x2x128xi32, #tpu.memory_space<vmem>> -> memref<1x1x128xi32, #tpu.memory_space<vmem>>
      %dma_wait3A_329 = tpu.memref_squeeze %dma_wait3A_328 : memref<1x1x128xi32, #tpu.memory_space<vmem>> -> memref<128xi32, #tpu.memory_space<vmem>>
      %dma_wait3A_330 = arith.constant 0 : i32
      %dma_wait3A_331 = arith.constant 0 : i32
      %dma_wait3A_332 = tpu.memref_slice %arg13[%dma_wait3A_330, %dma_wait3A_331] : memref<10240x64xf32, #tpu.memory_space<vmem_shared>> -> memref<10240x64xf32, #tpu.memory_space<vmem_shared>>
      tpu.wait_indirect_dma semaphore(%arg14 : memref<!tpu.dma_semaphore, #tpu.memory_space<semaphore_mem>>) src(%dma_wait3A_332 : memref<10240x64xf32, #tpu.memory_space<vmem_shared>>) dst(%dma_wait3A_326 : memref<128x64xf32, #tpu.memory_space<vmem>>)
      %jit3A_333 = arith.constant 4 : i32
      %eq3A_334 = arith.constant 0 : i32
      %eq3A_335 = arith.cmpi eq, %jit3A_333, %eq3A_334 : i32
      %jit3A_336 = arith.constant 1 : i32
      %select_n3A_337 = arith.select %eq3A_335, %jit3A_336, %jit3A_333 : i32
      %rem3A_338 = arith.remsi %while3A_278, %select_n3A_337 : i32
      %ne3A_339 = arith.constant 0 : i32
      %ne3A_340 = arith.cmpi ne, %rem3A_338, %ne3A_339 : i32
      %lt3A_341 = arith.constant 0 : i32
      %lt3A_342 = arith.cmpi slt, %rem3A_338, %lt3A_341 : i32
      %lt3A_343 = arith.constant 0 : i32
      %lt3A_344 = arith.cmpi slt, %select_n3A_337, %lt3A_343 : i32
      %ne3A_345 = arith.xori %lt3A_342, %lt3A_344 : i1
      %and3A_346 = arith.andi %ne3A_345, %ne3A_340 : i1
      %add3A_347 = arith.addi %rem3A_338, %select_n3A_337 : i32
      %select_n3A_348 = arith.select %and3A_346, %add3A_347, %rem3A_338 : i32
      %mul3A_349 = arith.constant 128 : i32
      %mul3A_350 = arith.muli %select_n3A_348, %mul3A_349 : i32
      %jit3A_351 = arith.constant 8 : i32
      %eq3A_352 = arith.constant 0 : i32
      %eq3A_353 = arith.cmpi eq, %jit3A_351, %eq3A_352 : i32
      %jit3A_354 = arith.constant 1 : i32
      %select_n3A_355 = arith.select %eq3A_353, %jit3A_354, %jit3A_351 : i32
      %rem3A_356 = arith.remsi %while3A_278, %select_n3A_355 : i32
      %ne3A_357 = arith.constant 0 : i32
      %ne3A_358 = arith.cmpi ne, %rem3A_356, %ne3A_357 : i32
      %lt3A_359 = arith.constant 0 : i32
      %lt3A_360 = arith.cmpi slt, %rem3A_356, %lt3A_359 : i32
      %lt3A_361 = arith.constant 0 : i32
      %lt3A_362 = arith.cmpi slt, %select_n3A_355, %lt3A_361 : i32
      %ne3A_363 = arith.xori %lt3A_360, %lt3A_362 : i1
      %and3A_364 = arith.andi %ne3A_363, %ne3A_358 : i1
      %add3A_365 = arith.addi %rem3A_356, %select_n3A_355 : i32
      %select_n3A_366 = arith.select %and3A_364, %add3A_365, %rem3A_356 : i32
      %dma_start3A_367 = arith.constant 1 : i32
      %dma_start3A_368 = arith.constant 0 : i32
      %dma_start3A_369 = tpu.memref_slice %arg9[%mul3A_350, %dma_start3A_368] : memref<512x64xf32, #tpu.memory_space<vmem>> -> memref<128x64xf32, #tpu.memory_space<vmem>>
      %dma_start3A_370 = arith.constant 0 : i32
      %dma_start3A_371 = tpu.memref_slice %arg8[%select_n3A_366, %dma_start3A_367, %dma_start3A_370] : memref<8x2x128xi32, #tpu.memory_space<vmem>> -> memref<1x1x128xi32, #tpu.memory_space<vmem>>
      %dma_start3A_372 = tpu.memref_squeeze %dma_start3A_371 : memref<1x1x128xi32, #tpu.memory_space<vmem>> -> memref<128xi32, #tpu.memory_space<vmem>>
      %dma_start3A_373 = arith.constant 0 : i32
      %dma_start3A_374 = arith.constant 0 : i32
      %dma_start3A_375 = tpu.memref_slice %arg11[%dma_start3A_373, %dma_start3A_374] : memref<10240x64xf32, #tpu.memory_space<vmem_shared>> -> memref<10240x64xf32, #tpu.memory_space<vmem_shared>>
      tpu.enqueue_indirect_dma source(%dma_start3A_369 : memref<128x64xf32, #tpu.memory_space<vmem>>) target(%dma_start3A_375 : memref<10240x64xf32, #tpu.memory_space<vmem_shared>>) offsets(%dma_start3A_372 : memref<128xi32, #tpu.memory_space<vmem>>) semaphore(%arg16 : memref<!tpu.dma_semaphore, #tpu.memory_space<semaphore_mem>>) {add = true}
      %ge3A = arith.constant 3 : i32
      %ge3A_376 = arith.cmpi sge, %while3A_278, %ge3A : i32
      %convert_element_type3A_377 = arith.extui %ge3A_376 : i1 to i32
      %cond3A_378 = arith.constant 0 : i32
      %cond3A_379 = arith.cmpi ne, %convert_element_type3A_377, %cond3A_378 : i32
      scf.if %cond3A_379 {
        %sub3A_381 = arith.constant 3 : i32
        %sub3A_382 = arith.subi %while3A_278, %sub3A_381 : i32
        %jit3A_383 = arith.constant 4 : i32
        %eq3A_384 = arith.constant 0 : i32
        %eq3A_385 = arith.cmpi eq, %jit3A_383, %eq3A_384 : i32
        %jit3A_386 = arith.constant 1 : i32
        %select_n3A_387 = arith.select %eq3A_385, %jit3A_386, %jit3A_383 : i32
        %rem3A_388 = arith.remsi %sub3A_382, %select_n3A_387 : i32
        %ne3A_389 = arith.constant 0 : i32
        %ne3A_390 = arith.cmpi ne, %rem3A_388, %ne3A_389 : i32
        %lt3A_391 = arith.constant 0 : i32
        %lt3A_392 = arith.cmpi slt, %rem3A_388, %lt3A_391 : i32
        %lt3A_393 = arith.constant 0 : i32
        %lt3A_394 = arith.cmpi slt, %select_n3A_387, %lt3A_393 : i32
        %ne3A_395 = arith.xori %lt3A_392, %lt3A_394 : i1
        %and3A_396 = arith.andi %ne3A_395, %ne3A_390 : i1
        %add3A_397 = arith.addi %rem3A_388, %select_n3A_387 : i32
        %select_n3A_398 = arith.select %and3A_396, %add3A_397, %rem3A_388 : i32
        %mul3A_399 = arith.constant 128 : i32
        %mul3A_400 = arith.muli %select_n3A_398, %mul3A_399 : i32
        %jit3A_401 = arith.constant 8 : i32
        %eq3A_402 = arith.constant 0 : i32
        %eq3A_403 = arith.cmpi eq, %jit3A_401, %eq3A_402 : i32
        %jit3A_404 = arith.constant 1 : i32
        %select_n3A_405 = arith.select %eq3A_403, %jit3A_404, %jit3A_401 : i32
        %rem3A_406 = arith.remsi %sub3A_382, %select_n3A_405 : i32
        %ne3A_407 = arith.constant 0 : i32
        %ne3A_408 = arith.cmpi ne, %rem3A_406, %ne3A_407 : i32
        %lt3A_409 = arith.constant 0 : i32
        %lt3A_410 = arith.cmpi slt, %rem3A_406, %lt3A_409 : i32
        %lt3A_411 = arith.constant 0 : i32
        %lt3A_412 = arith.cmpi slt, %select_n3A_405, %lt3A_411 : i32
        %ne3A_413 = arith.xori %lt3A_410, %lt3A_412 : i1
        %and3A_414 = arith.andi %ne3A_413, %ne3A_408 : i1
        %add3A_415 = arith.addi %rem3A_406, %select_n3A_405 : i32
        %select_n3A_416 = arith.select %and3A_414, %add3A_415, %rem3A_406 : i32
        %dma_wait3A_417 = arith.constant 1 : i32
        %dma_wait3A_418 = arith.constant 0 : i32
        %dma_wait3A_419 = tpu.memref_slice %arg9[%mul3A_400, %dma_wait3A_418] : memref<512x64xf32, #tpu.memory_space<vmem>> -> memref<128x64xf32, #tpu.memory_space<vmem>>
        %dma_wait3A_420 = arith.constant 0 : i32
        %dma_wait3A_421 = tpu.memref_slice %arg8[%select_n3A_416, %dma_wait3A_417, %dma_wait3A_420] : memref<8x2x128xi32, #tpu.memory_space<vmem>> -> memref<1x1x128xi32, #tpu.memory_space<vmem>>
        %dma_wait3A_422 = tpu.memref_squeeze %dma_wait3A_421 : memref<1x1x128xi32, #tpu.memory_space<vmem>> -> memref<128xi32, #tpu.memory_space<vmem>>
        %dma_wait3A_423 = arith.constant 0 : i32
        %dma_wait3A_424 = arith.constant 0 : i32
        %dma_wait3A_425 = tpu.memref_slice %arg11[%dma_wait3A_423, %dma_wait3A_424] : memref<10240x64xf32, #tpu.memory_space<vmem_shared>> -> memref<10240x64xf32, #tpu.memory_space<vmem_shared>>
        tpu.wait_indirect_dma semaphore(%arg16 : memref<!tpu.dma_semaphore, #tpu.memory_space<semaphore_mem>>) src(%dma_wait3A_419 : memref<128x64xf32, #tpu.memory_space<vmem>>) dst(%dma_wait3A_425 : memref<10240x64xf32, #tpu.memory_space<vmem_shared>>)
      } else {
      }
      %while3A_380 = arith.constant 0 : i32
      scf.yield %while3A_380 : i32
    }
    %sub3A = arith.constant 3 : i32
    %sub3A_141 = arith.subi %select_n3A, %sub3A : i32
    %add3A_142 = arith.constant 0 : i32
    %add3A_143 = arith.addi %sub3A_141, %add3A_142 : i32
    %jit3A_144 = arith.constant 4 : i32
    %eq3A_145 = arith.constant 0 : i32
    %eq3A_146 = arith.cmpi eq, %jit3A_144, %eq3A_145 : i32
    %jit3A_147 = arith.constant 1 : i32
    %select_n3A_148 = arith.select %eq3A_146, %jit3A_147, %jit3A_144 : i32
    %rem3A = arith.remsi %add3A_143, %select_n3A_148 : i32
    %ne3A = arith.constant 0 : i32
    %ne3A_149 = arith.cmpi ne, %rem3A, %ne3A : i32
    %lt3A = arith.constant 0 : i32
    %lt3A_150 = arith.cmpi slt, %rem3A, %lt3A : i32
    %lt3A_151 = arith.constant 0 : i32
    %lt3A_152 = arith.cmpi slt, %select_n3A_148, %lt3A_151 : i32
    %ne3A_153 = arith.xori %lt3A_150, %lt3A_152 : i1
    %and3A = arith.andi %ne3A_153, %ne3A_149 : i1
    %add3A_154 = arith.addi %rem3A, %select_n3A_148 : i32
    %select_n3A_155 = arith.select %and3A, %add3A_154, %rem3A : i32
    %mul3A_156 = arith.constant 128 : i32
    %mul3A_157 = arith.muli %select_n3A_155, %mul3A_156 : i32
    %jit3A_158 = arith.constant 8 : i32
    %eq3A_159 = arith.constant 0 : i32
    %eq3A_160 = arith.cmpi eq, %jit3A_158, %eq3A_159 : i32
    %jit3A_161 = arith.constant 1 : i32
    %select_n3A_162 = arith.select %eq3A_160, %jit3A_161, %jit3A_158 : i32
    %rem3A_163 = arith.remsi %add3A_143, %select_n3A_162 : i32
    %ne3A_164 = arith.constant 0 : i32
    %ne3A_165 = arith.cmpi ne, %rem3A_163, %ne3A_164 : i32
    %lt3A_166 = arith.constant 0 : i32
    %lt3A_167 = arith.cmpi slt, %rem3A_163, %lt3A_166 : i32
    %lt3A_168 = arith.constant 0 : i32
    %lt3A_169 = arith.cmpi slt, %select_n3A_162, %lt3A_168 : i32
    %ne3A_170 = arith.xori %lt3A_167, %lt3A_169 : i1
    %and3A_171 = arith.andi %ne3A_170, %ne3A_165 : i1
    %add3A_172 = arith.addi %rem3A_163, %select_n3A_162 : i32
    %select_n3A_173 = arith.select %and3A_171, %add3A_172, %rem3A_163 : i32
    %dma_wait3A_174 = arith.constant 1 : i32
    %dma_wait3A_175 = arith.constant 0 : i32
    %dma_wait3A_176 = tpu.memref_slice %arg9[%mul3A_157, %dma_wait3A_175] : memref<512x64xf32, #tpu.memory_space<vmem>> -> memref<128x64xf32, #tpu.memory_space<vmem>>
    %dma_wait3A_177 = arith.constant 0 : i32
    %dma_wait3A_178 = tpu.memref_slice %arg8[%select_n3A_173, %dma_wait3A_174, %dma_wait3A_177] : memref<8x2x128xi32, #tpu.memory_space<vmem>> -> memref<1x1x128xi32, #tpu.memory_space<vmem>>
    %dma_wait3A_179 = tpu.memref_squeeze %dma_wait3A_178 : memref<1x1x128xi32, #tpu.memory_space<vmem>> -> memref<128xi32, #tpu.memory_space<vmem>>
    %dma_wait3A_180 = arith.constant 0 : i32
    %dma_wait3A_181 = arith.constant 0 : i32
    %dma_wait3A_182 = tpu.memref_slice %arg11[%dma_wait3A_180, %dma_wait3A_181] : memref<10240x64xf32, #tpu.memory_space<vmem_shared>> -> memref<10240x64xf32, #tpu.memory_space<vmem_shared>>
    tpu.wait_indirect_dma semaphore(%arg16 : memref<!tpu.dma_semaphore, #tpu.memory_space<semaphore_mem>>) src(%dma_wait3A_176 : memref<128x64xf32, #tpu.memory_space<vmem>>) dst(%dma_wait3A_182 : memref<10240x64xf32, #tpu.memory_space<vmem_shared>>)
    %sub3A_183 = arith.constant 3 : i32
    %sub3A_184 = arith.subi %select_n3A, %sub3A_183 : i32
    %add3A_185 = arith.constant 1 : i32
    %add3A_186 = arith.addi %sub3A_184, %add3A_185 : i32
    %jit3A_187 = arith.constant 4 : i32
    %eq3A_188 = arith.constant 0 : i32
    %eq3A_189 = arith.cmpi eq, %jit3A_187, %eq3A_188 : i32
    %jit3A_190 = arith.constant 1 : i32
    %select_n3A_191 = arith.select %eq3A_189, %jit3A_190, %jit3A_187 : i32
    %rem3A_192 = arith.remsi %add3A_186, %select_n3A_191 : i32
    %ne3A_193 = arith.constant 0 : i32
    %ne3A_194 = arith.cmpi ne, %rem3A_192, %ne3A_193 : i32
    %lt3A_195 = arith.constant 0 : i32
    %lt3A_196 = arith.cmpi slt, %rem3A_192, %lt3A_195 : i32
    %lt3A_197 = arith.constant 0 : i32
    %lt3A_198 = arith.cmpi slt, %select_n3A_191, %lt3A_197 : i32
    %ne3A_199 = arith.xori %lt3A_196, %lt3A_198 : i1
    %and3A_200 = arith.andi %ne3A_199, %ne3A_194 : i1
    %add3A_201 = arith.addi %rem3A_192, %select_n3A_191 : i32
    %select_n3A_202 = arith.select %and3A_200, %add3A_201, %rem3A_192 : i32
    %mul3A_203 = arith.constant 128 : i32
    %mul3A_204 = arith.muli %select_n3A_202, %mul3A_203 : i32
    %jit3A_205 = arith.constant 8 : i32
    %eq3A_206 = arith.constant 0 : i32
    %eq3A_207 = arith.cmpi eq, %jit3A_205, %eq3A_206 : i32
    %jit3A_208 = arith.constant 1 : i32
    %select_n3A_209 = arith.select %eq3A_207, %jit3A_208, %jit3A_205 : i32
    %rem3A_210 = arith.remsi %add3A_186, %select_n3A_209 : i32
    %ne3A_211 = arith.constant 0 : i32
    %ne3A_212 = arith.cmpi ne, %rem3A_210, %ne3A_211 : i32
    %lt3A_213 = arith.constant 0 : i32
    %lt3A_214 = arith.cmpi slt, %rem3A_210, %lt3A_213 : i32
    %lt3A_215 = arith.constant 0 : i32
    %lt3A_216 = arith.cmpi slt, %select_n3A_209, %lt3A_215 : i32
    %ne3A_217 = arith.xori %lt3A_214, %lt3A_216 : i1
    %and3A_218 = arith.andi %ne3A_217, %ne3A_212 : i1
    %add3A_219 = arith.addi %rem3A_210, %select_n3A_209 : i32
    %select_n3A_220 = arith.select %and3A_218, %add3A_219, %rem3A_210 : i32
    %dma_wait3A_221 = arith.constant 1 : i32
    %dma_wait3A_222 = arith.constant 0 : i32
    %dma_wait3A_223 = tpu.memref_slice %arg9[%mul3A_204, %dma_wait3A_222] : memref<512x64xf32, #tpu.memory_space<vmem>> -> memref<128x64xf32, #tpu.memory_space<vmem>>
    %dma_wait3A_224 = arith.constant 0 : i32
    %dma_wait3A_225 = tpu.memref_slice %arg8[%select_n3A_220, %dma_wait3A_221, %dma_wait3A_224] : memref<8x2x128xi32, #tpu.memory_space<vmem>> -> memref<1x1x128xi32, #tpu.memory_space<vmem>>
    %dma_wait3A_226 = tpu.memref_squeeze %dma_wait3A_225 : memref<1x1x128xi32, #tpu.memory_space<vmem>> -> memref<128xi32, #tpu.memory_space<vmem>>
    %dma_wait3A_227 = arith.constant 0 : i32
    %dma_wait3A_228 = arith.constant 0 : i32
    %dma_wait3A_229 = tpu.memref_slice %arg11[%dma_wait3A_227, %dma_wait3A_228] : memref<10240x64xf32, #tpu.memory_space<vmem_shared>> -> memref<10240x64xf32, #tpu.memory_space<vmem_shared>>
    tpu.wait_indirect_dma semaphore(%arg16 : memref<!tpu.dma_semaphore, #tpu.memory_space<semaphore_mem>>) src(%dma_wait3A_223 : memref<128x64xf32, #tpu.memory_space<vmem>>) dst(%dma_wait3A_229 : memref<10240x64xf32, #tpu.memory_space<vmem_shared>>)
    %sub3A_230 = arith.constant 3 : i32
    %sub3A_231 = arith.subi %select_n3A, %sub3A_230 : i32
    %add3A_232 = arith.constant 2 : i32
    %add3A_233 = arith.addi %sub3A_231, %add3A_232 : i32
    %jit3A_234 = arith.constant 4 : i32
    %eq3A_235 = arith.constant 0 : i32
    %eq3A_236 = arith.cmpi eq, %jit3A_234, %eq3A_235 : i32
    %jit3A_237 = arith.constant 1 : i32
    %select_n3A_238 = arith.select %eq3A_236, %jit3A_237, %jit3A_234 : i32
    %rem3A_239 = arith.remsi %add3A_233, %select_n3A_238 : i32
    %ne3A_240 = arith.constant 0 : i32
    %ne3A_241 = arith.cmpi ne, %rem3A_239, %ne3A_240 : i32
    %lt3A_242 = arith.constant 0 : i32
    %lt3A_243 = arith.cmpi slt, %rem3A_239, %lt3A_242 : i32
    %lt3A_244 = arith.constant 0 : i32
    %lt3A_245 = arith.cmpi slt, %select_n3A_238, %lt3A_244 : i32
    %ne3A_246 = arith.xori %lt3A_243, %lt3A_245 : i1
    %and3A_247 = arith.andi %ne3A_246, %ne3A_241 : i1
    %add3A_248 = arith.addi %rem3A_239, %select_n3A_238 : i32
    %select_n3A_249 = arith.select %and3A_247, %add3A_248, %rem3A_239 : i32
    %mul3A_250 = arith.constant 128 : i32
    %mul3A_251 = arith.muli %select_n3A_249, %mul3A_250 : i32
    %jit3A_252 = arith.constant 8 : i32
    %eq3A_253 = arith.constant 0 : i32
    %eq3A_254 = arith.cmpi eq, %jit3A_252, %eq3A_253 : i32
    %jit3A_255 = arith.constant 1 : i32
    %select_n3A_256 = arith.select %eq3A_254, %jit3A_255, %jit3A_252 : i32
    %rem3A_257 = arith.remsi %add3A_233, %select_n3A_256 : i32
    %ne3A_258 = arith.constant 0 : i32
    %ne3A_259 = arith.cmpi ne, %rem3A_257, %ne3A_258 : i32
    %lt3A_260 = arith.constant 0 : i32
    %lt3A_261 = arith.cmpi slt, %rem3A_257, %lt3A_260 : i32
    %lt3A_262 = arith.constant 0 : i32
    %lt3A_263 = arith.cmpi slt, %select_n3A_256, %lt3A_262 : i32
    %ne3A_264 = arith.xori %lt3A_261, %lt3A_263 : i1
    %and3A_265 = arith.andi %ne3A_264, %ne3A_259 : i1
    %add3A_266 = arith.addi %rem3A_257, %select_n3A_256 : i32
    %select_n3A_267 = arith.select %and3A_265, %add3A_266, %rem3A_257 : i32
    %dma_wait3A_268 = arith.constant 1 : i32
    %dma_wait3A_269 = arith.constant 0 : i32
    %dma_wait3A_270 = tpu.memref_slice %arg9[%mul3A_251, %dma_wait3A_269] : memref<512x64xf32, #tpu.memory_space<vmem>> -> memref<128x64xf32, #tpu.memory_space<vmem>>
    %dma_wait3A_271 = arith.constant 0 : i32
    %dma_wait3A_272 = tpu.memref_slice %arg8[%select_n3A_267, %dma_wait3A_268, %dma_wait3A_271] : memref<8x2x128xi32, #tpu.memory_space<vmem>> -> memref<1x1x128xi32, #tpu.memory_space<vmem>>
    %dma_wait3A_273 = tpu.memref_squeeze %dma_wait3A_272 : memref<1x1x128xi32, #tpu.memory_space<vmem>> -> memref<128xi32, #tpu.memory_space<vmem>>
    %dma_wait3A_274 = arith.constant 0 : i32
    %dma_wait3A_275 = arith.constant 0 : i32
    %dma_wait3A_276 = tpu.memref_slice %arg11[%dma_wait3A_274, %dma_wait3A_275] : memref<10240x64xf32, #tpu.memory_space<vmem_shared>> -> memref<10240x64xf32, #tpu.memory_space<vmem_shared>>
    tpu.wait_indirect_dma semaphore(%arg16 : memref<!tpu.dma_semaphore, #tpu.memory_space<semaphore_mem>>) src(%dma_wait3A_270 : memref<128x64xf32, #tpu.memory_space<vmem>>) dst(%dma_wait3A_276 : memref<10240x64xf32, #tpu.memory_space<vmem_shared>>)
    %barrier3A_277 = arith.constant 0 : index
    tpu.barrier barrier_id(%barrier3A_277)
    "tpu.region"() ({
      %run_scoped3A = tpu.sem_alloc : memref<!tpu.dma_semaphore, #tpu.memory_space<semaphore_mem>>
      %dma_start3A_278 = arith.constant 0 : i32
      %dma_start3A_279 = tpu.memref_slice %arg6[%arg0, %mul3A_0, %dma_start3A_278] : memref<2x10240x64xf32, #tpu.memory_space<hbm>> -> memref<1x640x64xf32, #tpu.memory_space<hbm>>
      %dma_start3A_280 = tpu.memref_squeeze %dma_start3A_279 : memref<1x640x64xf32, #tpu.memory_space<hbm>> -> memref<640x64xf32, #tpu.memory_space<hbm>>
      %dma_start3A_281 = arith.constant 0 : i32
      %dma_start3A_282 = tpu.memref_slice %arg11[%mul3A_0, %dma_start3A_281] : memref<10240x64xf32, #tpu.memory_space<vmem_shared>> -> memref<640x64xf32, #tpu.memory_space<vmem_shared>>
      tpu.enqueue_dma source(%dma_start3A_282 : memref<640x64xf32, #tpu.memory_space<vmem_shared>>) target(%dma_start3A_280 : memref<640x64xf32, #tpu.memory_space<hbm>>) target_semaphore(%run_scoped3A : memref<!tpu.dma_semaphore, #tpu.memory_space<semaphore_mem>>)
      %dma_wait3A_283 = arith.constant 0 : i32
      %dma_wait3A_284 = tpu.memref_slice %arg6[%arg0, %mul3A_0, %dma_wait3A_283] : memref<2x10240x64xf32, #tpu.memory_space<hbm>> -> memref<1x640x64xf32, #tpu.memory_space<hbm>>
      %dma_wait3A_285 = tpu.memref_squeeze %dma_wait3A_284 : memref<1x640x64xf32, #tpu.memory_space<hbm>> -> memref<640x64xf32, #tpu.memory_space<hbm>>
      %dma_wait3A_286 = arith.constant 0 : i32
      %dma_wait3A_287 = tpu.memref_slice %arg11[%mul3A_0, %dma_wait3A_286] : memref<10240x64xf32, #tpu.memory_space<vmem_shared>> -> memref<640x64xf32, #tpu.memory_space<vmem_shared>>
      tpu.wait_dma2 semaphore(%run_scoped3A : memref<!tpu.dma_semaphore, #tpu.memory_space<semaphore_mem>>) src(%dma_wait3A_287 : memref<640x64xf32, #tpu.memory_space<vmem_shared>>) dst(%dma_wait3A_285 : memref<640x64xf32, #tpu.memory_space<hbm>>)
      tpu.yield
    }) : () -> ()
    return
  }
}

module attributes {stable_mosaic.version = 14 : i64} {
  func.func @body(%arg0: i32, %arg1: memref<2x512x64xf32, #tpu.memory_space<vmem>>, %arg2: memref<2x512x64xf32, #tpu.memory_space<vmem>>, %arg3: memref<2x512x1xf32, #tpu.memory_space<vmem>>, %arg4: memref<64x256xf32, #tpu.memory_space<vmem>>, %arg5: memref<64x256xf32, #tpu.memory_space<vmem>>, %arg6: memref<1x256xf32, #tpu.memory_space<vmem>>, %arg7: memref<256x64xf32, #tpu.memory_space<vmem>>, %arg8: memref<512x64xf32, #tpu.memory_space<vmem>>) attributes {dimension_semantics = [#tpu.dimension_semantics<arbitrary>], iteration_bounds = array<i64: 20>, scalar_prefetch = 0 : i64, scratch_operands = 0 : i64, tpu.core_type = #tpu.core_type<tc>, window_params = [{transform_indices = @transform_0, window_bounds = array<i64: 2, 512, 64>}, {transform_indices = @transform_1, window_bounds = array<i64: 2, 512, 64>}, {transform_indices = @transform_2, window_bounds = array<i64: 2, 512, 1>}, {pipeline_mode = #tpu.pipeline_mode<synchronous>, transform_indices = @transform_3, window_bounds = array<i64: 64, 256>}, {pipeline_mode = #tpu.pipeline_mode<synchronous>, transform_indices = @transform_4, window_bounds = array<i64: 64, 256>}, {pipeline_mode = #tpu.pipeline_mode<synchronous>, transform_indices = @transform_5, window_bounds = array<i64: 1, 256>}, {pipeline_mode = #tpu.pipeline_mode<synchronous>, transform_indices = @transform_6, window_bounds = array<i64: 256, 64>}, {transform_indices = @transform_7, window_bounds = array<i64: 512, 64>}]} {
    %get3A = arith.constant 0 : index
    %get3A_0 = arith.constant 0 : index
    %get3A_1 = arith.constant 0 : index
    %get3A_2 = vector.load %arg1[%get3A, %get3A_0, %get3A_1] : memref<2x512x64xf32, #tpu.memory_space<vmem>>, vector<1x512x64xf32>
    %get3A_3 = vector.shape_cast %get3A_2 : vector<1x512x64xf32> to vector<512x64xf32>
    %get3A_4 = arith.constant 1 : index
    %get3A_5 = arith.constant 0 : index
    %get3A_6 = arith.constant 0 : index
    %get3A_7 = vector.load %arg1[%get3A_4, %get3A_5, %get3A_6] : memref<2x512x64xf32, #tpu.memory_space<vmem>>, vector<1x512x64xf32>
    %get3A_8 = vector.shape_cast %get3A_7 : vector<1x512x64xf32> to vector<512x64xf32>
    %add3A = arith.addf %get3A_3, %get3A_8 : vector<512x64xf32>
    %get3A_9 = arith.constant 0 : index
    %get3A_10 = arith.constant 0 : index
    %get3A_11 = arith.constant 0 : index
    %get3A_12 = vector.load %arg2[%get3A_9, %get3A_10, %get3A_11] : memref<2x512x64xf32, #tpu.memory_space<vmem>>, vector<1x512x64xf32>
    %get3A_13 = vector.shape_cast %get3A_12 : vector<1x512x64xf32> to vector<512x64xf32>
    %get3A_14 = arith.constant 1 : index
    %get3A_15 = arith.constant 0 : index
    %get3A_16 = arith.constant 0 : index
    %get3A_17 = vector.load %arg2[%get3A_14, %get3A_15, %get3A_16] : memref<2x512x64xf32, #tpu.memory_space<vmem>>, vector<1x512x64xf32>
    %get3A_18 = vector.shape_cast %get3A_17 : vector<1x512x64xf32> to vector<512x64xf32>
    %add3A_19 = arith.addf %get3A_13, %get3A_18 : vector<512x64xf32>
    %get3A_20 = arith.constant 0 : index
    %get3A_21 = arith.constant 0 : index
    %get3A_22 = arith.constant 0 : index
    %get3A_23 = vector.load %arg3[%get3A_20, %get3A_21, %get3A_22] : memref<2x512x1xf32, #tpu.memory_space<vmem>>, vector<1x512x1xf32>
    %get3A_24 = vector.shape_cast %get3A_23 : vector<1x512x1xf32> to vector<512x1xf32>
    %get3A_25 = arith.constant 1 : index
    %get3A_26 = arith.constant 0 : index
    %get3A_27 = arith.constant 0 : index
    %get3A_28 = vector.load %arg3[%get3A_25, %get3A_26, %get3A_27] : memref<2x512x1xf32, #tpu.memory_space<vmem>>, vector<1x512x1xf32>
    %get3A_29 = vector.shape_cast %get3A_28 : vector<1x512x1xf32> to vector<512x1xf32>
    %add3A_30 = arith.addf %get3A_24, %get3A_29 : vector<512x1xf32>
    %get3A_31 = arith.constant 0 : index
    %get3A_32 = arith.constant 0 : index
    %get3A_33 = vector.load %arg4[%get3A_31, %get3A_32] : memref<64x256xf32, #tpu.memory_space<vmem>>, vector<64x256xf32>
    %dot_general3A = arith.constant dense<0.000000e+00> : vector<512x256xf32>
    %dot_general3A_34 = tpu.matmul %add3A, %get3A_33, %dot_general3A {dimension_numbers = #tpu.dot_dimension_numbers<[1], [0], [0], [1], [0, 0, 1, 1], [], []>, transpose_lhs_hint = false} : vector<512x64xf32>, vector<64x256xf32>, vector<512x256xf32> -> vector<512x256xf32>
    %get3A_35 = arith.constant 0 : index
    %get3A_36 = arith.constant 0 : index
    %get3A_37 = vector.load %arg5[%get3A_35, %get3A_36] : memref<64x256xf32, #tpu.memory_space<vmem>>, vector<64x256xf32>
    %dot_general3A_38 = arith.constant dense<0.000000e+00> : vector<512x256xf32>
    %dot_general3A_39 = tpu.matmul %add3A_19, %get3A_37, %dot_general3A_38 {dimension_numbers = #tpu.dot_dimension_numbers<[1], [0], [0], [1], [0, 0, 1, 1], [], []>, transpose_lhs_hint = false} : vector<512x64xf32>, vector<64x256xf32>, vector<512x256xf32> -> vector<512x256xf32>
    %add3A_40 = arith.addf %dot_general3A_34, %dot_general3A_39 : vector<512x256xf32>
    %get3A_41 = arith.constant 0 : index
    %get3A_42 = arith.constant 0 : index
    %get3A_43 = vector.load %arg6[%get3A_41, %get3A_42] : memref<1x256xf32, #tpu.memory_space<vmem>>, vector<1x256xf32>
    %mul3A = vector.broadcast %add3A_30 : vector<512x1xf32> to vector<512x256xf32>
    %mul3A_44 = vector.broadcast %get3A_43 : vector<1x256xf32> to vector<512x256xf32>
    %mul3A_45 = arith.mulf %mul3A, %mul3A_44 : vector<512x256xf32>
    %add3A_46 = arith.addf %add3A_40, %mul3A_45 : vector<512x256xf32>
    %max3A = arith.constant 0.000000e+00 : f32
    %max3A_47 = vector.broadcast %max3A : f32 to vector<512x256xf32>
    %max3A_48 = arith.maximumf %add3A_46, %max3A_47 : vector<512x256xf32>
    %get3A_49 = arith.constant 0 : index
    %get3A_50 = arith.constant 0 : index
    %get3A_51 = vector.load %arg7[%get3A_49, %get3A_50] : memref<256x64xf32, #tpu.memory_space<vmem>>, vector<256x64xf32>
    %dot_general3A_52 = arith.constant dense<0.000000e+00> : vector<512x64xf32>
    %dot_general3A_53 = tpu.matmul %max3A_48, %get3A_51, %dot_general3A_52 {dimension_numbers = #tpu.dot_dimension_numbers<[1], [0], [0], [1], [0, 0, 1, 1], [], []>, transpose_lhs_hint = false} : vector<512x256xf32>, vector<256x64xf32>, vector<512x64xf32> -> vector<512x64xf32>
    %swap3A = arith.constant 0 : index
    %swap3A_54 = arith.constant 0 : index
    %swap3A_55 = vector.load %arg8[%swap3A, %swap3A_54] : memref<512x64xf32, #tpu.memory_space<vmem>>, vector<512x64xf32>
    tpu.vector_store %arg8[%swap3A, %swap3A_54], %dot_general3A_53 {strides = array<i32>} : memref<512x64xf32, #tpu.memory_space<vmem>>, vector<512x64xf32>,
    return
  }
  func.func @transform_0(%arg0: i32) -> (i32, i32, i32) {
    %c0_i32 = arith.constant 0 : i32
    %c0_i32_0 = arith.constant 0 : i32
    %c0_i32_1 = arith.constant 0 : i32
    return %c0_i32, %arg0, %c0_i32_0 : i32, i32, i32
  }
  func.func @transform_1(%arg0: i32) -> (i32, i32, i32) {
    %c0_i32 = arith.constant 0 : i32
    %c0_i32_0 = arith.constant 0 : i32
    %c0_i32_1 = arith.constant 0 : i32
    return %c0_i32, %arg0, %c0_i32_0 : i32, i32, i32
  }
  func.func @transform_2(%arg0: i32) -> (i32, i32, i32) {
    %c0_i32 = arith.constant 0 : i32
    %c0_i32_0 = arith.constant 0 : i32
    %c0_i32_1 = arith.constant 0 : i32
    return %c0_i32, %arg0, %c0_i32_0 : i32, i32, i32
  }
  func.func @transform_3(%arg0: i32) -> (i32, i32) {
    %c0_i32 = arith.constant 0 : i32
    %c0_i32_0 = arith.constant 0 : i32
    %c0_i32_1 = arith.constant 0 : i32
    return %c0_i32, %c0_i32_0 : i32, i32
  }
  func.func @transform_4(%arg0: i32) -> (i32, i32) {
    %c0_i32 = arith.constant 0 : i32
    %c0_i32_0 = arith.constant 0 : i32
    %c0_i32_1 = arith.constant 0 : i32
    return %c0_i32, %c0_i32_0 : i32, i32
  }
  func.func @transform_5(%arg0: i32) -> (i32, i32) {
    %c0_i32 = arith.constant 0 : i32
    %c0_i32_0 = arith.constant 0 : i32
    %c0_i32_1 = arith.constant 0 : i32
    return %c0_i32, %c0_i32_0 : i32, i32
  }
  func.func @transform_6(%arg0: i32) -> (i32, i32) {
    %c0_i32 = arith.constant 0 : i32
    %c0_i32_0 = arith.constant 0 : i32
    %c0_i32_1 = arith.constant 0 : i32
    return %c0_i32, %c0_i32_0 : i32, i32
  }
  func.func @transform_7(%arg0: i32) -> (i32, i32) {
    %c0_i32 = arith.constant 0 : i32
    %c0_i32_0 = arith.constant 0 : i32
    return %arg0, %c0_i32 : i32, i32
  }
}

module attributes {stable_mosaic.version = 14 : i64} {
  func.func @body(%arg0: i32, %arg1: memref<2x1024x64xf32, #tpu.memory_space<vmem>>, %arg2: memref<2x1024x1xf32, #tpu.memory_space<vmem>>, %arg3: memref<1x64xf32, #tpu.memory_space<vmem>>, %arg4: memref<1024x64xf32, #tpu.memory_space<vmem>>) attributes {dimension_semantics = [#tpu.dimension_semantics<arbitrary>], iteration_bounds = array<i64: 10>, scalar_prefetch = 0 : i64, scratch_operands = 0 : i64, tpu.core_type = #tpu.core_type<tc>, window_params = [{transform_indices = @transform_0, window_bounds = array<i64: 2, 1024, 64>}, {transform_indices = @transform_1, window_bounds = array<i64: 2, 1024, 1>}, {pipeline_mode = #tpu.pipeline_mode<synchronous>, transform_indices = @transform_2, window_bounds = array<i64: 1, 64>}, {transform_indices = @transform_3, window_bounds = array<i64: 1024, 64>}]} {
    %get3A = arith.constant 0 : index
    %get3A_0 = arith.constant 0 : index
    %get3A_1 = arith.constant 0 : index
    %get3A_2 = vector.load %arg2[%get3A, %get3A_0, %get3A_1] : memref<2x1024x1xf32, #tpu.memory_space<vmem>>, vector<1x1024x1xf32>
    %get3A_3 = vector.shape_cast %get3A_2 : vector<1x1024x1xf32> to vector<1024x1xf32>
    %get3A_4 = arith.constant 1 : index
    %get3A_5 = arith.constant 0 : index
    %get3A_6 = arith.constant 0 : index
    %get3A_7 = vector.load %arg2[%get3A_4, %get3A_5, %get3A_6] : memref<2x1024x1xf32, #tpu.memory_space<vmem>>, vector<1x1024x1xf32>
    %get3A_8 = vector.shape_cast %get3A_7 : vector<1x1024x1xf32> to vector<1024x1xf32>
    %add3A = arith.addf %get3A_3, %get3A_8 : vector<1024x1xf32>
    %get3A_9 = arith.constant 0 : index
    %get3A_10 = arith.constant 0 : index
    %get3A_11 = arith.constant 0 : index
    %get3A_12 = vector.load %arg1[%get3A_9, %get3A_10, %get3A_11] : memref<2x1024x64xf32, #tpu.memory_space<vmem>>, vector<1x1024x64xf32>
    %get3A_13 = vector.shape_cast %get3A_12 : vector<1x1024x64xf32> to vector<1024x64xf32>
    %get3A_14 = arith.constant 1 : index
    %get3A_15 = arith.constant 0 : index
    %get3A_16 = arith.constant 0 : index
    %get3A_17 = vector.load %arg1[%get3A_14, %get3A_15, %get3A_16] : memref<2x1024x64xf32, #tpu.memory_space<vmem>>, vector<1x1024x64xf32>
    %get3A_18 = vector.shape_cast %get3A_17 : vector<1x1024x64xf32> to vector<1024x64xf32>
    %add3A_19 = arith.addf %get3A_13, %get3A_18 : vector<1024x64xf32>
    %get3A_20 = arith.constant 0 : index
    %get3A_21 = arith.constant 0 : index
    %get3A_22 = vector.load %arg3[%get3A_20, %get3A_21] : memref<1x64xf32, #tpu.memory_space<vmem>>, vector<1x64xf32>
    %mul3A = vector.broadcast %add3A : vector<1024x1xf32> to vector<1024x64xf32>
    %mul3A_23 = vector.broadcast %get3A_22 : vector<1x64xf32> to vector<1024x64xf32>
    %mul3A_24 = arith.mulf %mul3A, %mul3A_23 : vector<1024x64xf32>
    %add3A_25 = arith.addf %add3A_19, %mul3A_24 : vector<1024x64xf32>
    %swap3A = arith.constant 0 : index
    %swap3A_26 = arith.constant 0 : index
    %swap3A_27 = vector.load %arg4[%swap3A, %swap3A_26] : memref<1024x64xf32, #tpu.memory_space<vmem>>, vector<1024x64xf32>
    tpu.vector_store %arg4[%swap3A, %swap3A_26], %add3A_25 {strides = array<i32>} : memref<1024x64xf32, #tpu.memory_space<vmem>>, vector<1024x64xf32>,
    return
  }
  func.func @transform_0(%arg0: i32) -> (i32, i32, i32) {
    %c0_i32 = arith.constant 0 : i32
    %c0_i32_0 = arith.constant 0 : i32
    %c0_i32_1 = arith.constant 0 : i32
    return %c0_i32, %arg0, %c0_i32_0 : i32, i32, i32
  }
  func.func @transform_1(%arg0: i32) -> (i32, i32, i32) {
    %c0_i32 = arith.constant 0 : i32
    %c0_i32_0 = arith.constant 0 : i32
    %c0_i32_1 = arith.constant 0 : i32
    return %c0_i32, %arg0, %c0_i32_0 : i32, i32, i32
  }
  func.func @transform_2(%arg0: i32) -> (i32, i32) {
    %c0_i32 = arith.constant 0 : i32
    %c0_i32_0 = arith.constant 0 : i32
    %c0_i32_1 = arith.constant 0 : i32
    return %c0_i32, %c0_i32_0 : i32, i32
  }
  func.func @transform_3(%arg0: i32) -> (i32, i32) {
    %c0_i32 = arith.constant 0 : i32
    %c0_i32_0 = arith.constant 0 : i32
    return %arg0, %c0_i32 : i32, i32
  }
}

</mosaic_0001>

<sc_bundles>
// kernel: kernel.6.cloned.1.call-start
scs
__scs_entry_jumppad:
0x0: {  	(pc) =	sbr.rel $0x88, $3  }
0x1: {  	(tag) =	ssettag $0x0;
	lr =	simm.s32 $0x1  }
0x2: {  	[smem:$0x3F9B] =	sst lr;
	_ =	strace $0xD0000000  }
0x3: {  	_ = 	snop  }
0x4: {  	_ = 	snop  }
0x5: {  	_ = 	snop  }
0x6: {  	_ = 	snop  }
0x7: {  	_ = 	snop  }
__scs_overlays_trampoline_lowered:
0x8: {  	[smem:$0x3FAA] =	sst s0  }
0x9: {  	[smem:$0x3FAB] =	sst s1  }
0xa: {  	[smem:$0x3FAC] =	sst s2  }
0xb: {  	[smem:$0x3FAD] =	sst s3  }
0xc: {  	[smem:$0x3FAE] =	sst s4  }
0xd: {  	[smem:$0x3FAF] =	sst s5  }
0xe: {  	[smem:$0x3FB0] =	sst s6  }
0xf: {  	[smem:$0x3FB1] =	sst s7  }
0x10: {  	[smem:$0x3FB2] =	sst s8  }
0x11: {  	[smem:$0x3FB3] =	sst s9;
	s0 =	simm.s32 @!p0 $0x0  }
0x12: {  	s1 =	sld [smem:$0x3F99];
	s0 =	simm.s32 @p0 $0x1  }
0x13: {  	[smem:$0x3FB4] =	sst s0;
	s0 =	simm.s32 @!p1 $0x0  }
0x14: {  	s2 =	sld [smem:$0x3F98];
	s0 =	simm.s32 @p1 $0x1  }
0x15: {  	[smem:$0x3FB5] =	sst s0;
	s0 =	simm.s32 @!p2 $0x0  }
0x16: {  	s3 =	sld [smem:$0x3FDB];
	s0 =	simm.s32 @p2 $0x1  }
0x17: {  	s4 =	simm.s32 $0x1BF5;
	[smem:$0x3FB7] =	sst s0  }
0x18: {  	s0 =	sld [smem:$0x3F9A];
	_ =	swait.ge [sflag:s4], $0x0  }
0x19: {  	s7 =	sld [smem:$0x3F9B]  }
0x1a: {  	s8 =	sadd.s32 $0xFFFFE003, lr  }
0x1b: {  	s9 =	sadd.s32 $0xFFFFFEF7, lr;
	s5 =	simm.s32 $0xFFFFFFFF;
	p2 =	slt.u32 s8, $0xFFFFF086  }
0x1c: {  	p1 =	slt.u32 s9, $0xF7A;
	s5 =	simm.s32 @!p2 $0x0  }
0x1d: {  	s5 =	simm.s32 @p1 $0x1;
	p0 =	seq.s32 s7, s2  }
0x1e: {  	s7 =	smul.u32 @!p0 $0xF7A, s2;
	p2 =	seq.s32 @!p0 s5, $0x0  }
0x1f: {  	s9 =	smul.u32 $0xF7A, s1;
	s8 =	simm.s32 @!p0 $0x1BF5;
	p2 =	por !p2, p0  }
0x20: {  	[sflag:s8] =	ssyncset.s32 @!p0 $0xFFFFF086;
	s6 =	sadd.s32 @!p0 s3, s7;
	s7 =	simm.s32 @!p0 $0x108  }
0x21: {  	s3 =	sadd.s32 s3, s9;
	s6 =	sadd.s32 @!p0 $0x88, s6;
	s7 =	simm.s32 @p2 $0x1082  }
0x22: {  	[simem:s7], [sflag:s8] =	dma.local @!p0 [hbm:s6], $0xF7A  }
0x23: {  	s9 =	sor.u32 $0xD0000000, s2;
	s6 =	simm.s32 $0x108;
	_ =	swait.ge @!p0 [sflag:s8], $0x0  }
0x24: {  	s3 =	sadd.s32 $0x88, s3;
	s6 =	simm.s32 @!p1 $0x1082;
	[sflag:s4] =	ssyncset.s32 $0xFFFFF086  }
0x25: {  	[simem:s6], [sflag:s4] =	dma.local [hbm:s3], $0xF7A  }
0x26: {  	[smem:$0x3F9B] =	sst s1;
	(tag) =	ssettag s2;
	_ =	strace s9  }
0x27: {  	s1 =	sld [smem:$0x3FAB]  }
0x28: {  	s2 =	sld [smem:$0x3FAC]  }
0x29: {  	s4 =	sld [smem:$0x3FAE]  }
0x2a: {  	p0 =	seq.s32 s5, $0x0;
	s5 =	sld [smem:$0x3FAF]  }
0x2b: {  	s6 =	sld [smem:$0x3FB0]  }
0x2c: {  	s7 =	sld [smem:$0x3FB1]  }
0x2d: {  	s3 =	simm.s32 $0x108;
	s8 =	sld [smem:$0x3FB2]  }
0x2e: {  	s3 =	simm.s32 @!p0 $0x1082;
	s9 =	sld [smem:$0x3FB3]  }
0x2f: {  	lr =	sadd.s32 s0, s3;
	s0 =	sld [smem:$0x3FAA]  }
0x30: {  	s3 =	sld [smem:$0x3FAD]  }
0x31: {  	[smem:$0x3FB6] =	sst s10  }
0x32: {  	s10 =	sld [smem:$0x3FB4];
	_ =	sdelay $0x3  }
0x33: {  	p0 =	seq.s32 s10, $0x1;
	s10 =	sld [smem:$0x3FB6];
	_ =	sdelay $0x3  }
0x34: {  	[smem:$0x3FB6] =	sst s10  }
0x35: {  	s10 =	sld [smem:$0x3FB5];
	_ =	sdelay $0x3  }
0x36: {  	p1 =	seq.s32 s10, $0x1;
	s10 =	sld [smem:$0x3FB6];
	_ =	sdelay $0x3  }
0x37: {  	[smem:$0x3FB6] =	sst s10  }
0x38: {  	s10 =	sld [smem:$0x3FB7]  }
0x39: {  	_ = 	snop;
	(pc) =	sbr.ind lr, $3  }
0x3a: {  	_ = 	snop  }
0x3b: {  	_ = 	snop  }
0x3c: {  	p2 =	seq.s32 s10, $0x1;
	s10 =	sld [smem:$0x3FB6]  }
0x3d: {  	_ =	shalt  }
0x3e: {  	_ =	shalt  }
0x3f: {  	_ =	shalt  }
0x40: {  	_ =	shalt  }
0x41: {  	_ =	shalt  }
0x42: {  	_ =	shalt  }
0x43: {  	_ =	shalt  }
0x44: {  	_ =	shalt  }
0x45: {  	_ =	shalt  }
0x46: {  	_ =	shalt  }
0x47: {  	_ =	shalt  }
0x48: {  	_ =	shalt  }
0x49: {  	_ =	shalt  }
0x4a: {  	_ =	shalt  }
0x4b: {  	_ =	shalt  }
0x4c: {  	_ =	shalt  }
0x4d: {  	_ =	shalt  }
0x4e: {  	_ =	shalt  }
0x4f: {  	_ =	shalt  }
0x50: {  	_ =	shalt  }
0x51: {  	_ =	shalt  }
0x52: {  	_ =	shalt  }
0x53: {  	_ =	shalt  }
0x54: {  	_ =	shalt  }
0x55: {  	_ =	shalt  }
0x56: {  	_ =	shalt  }
0x57: {  	_ =	shalt  }
0x58: {  	_ =	shalt  }
0x59: {  	_ =	shalt  }
0x5a: {  	_ =	shalt  }
0x5b: {  	_ =	shalt  }
0x5c: {  	_ =	shalt  }
0x5d: {  	_ =	shalt  }
0x5e: {  	_ =	shalt  }
0x5f: {  	_ =	shalt  }
0x60: {  	_ =	shalt  }
0x61: {  	_ =	shalt  }
0x62: {  	_ =	shalt  }
0x63: {  	_ =	shalt  }
0x64: {  	_ =	shalt  }
0x65: {  	_ =	shalt  }
0x66: {  	_ =	shalt  }
0x67: {  	_ =	shalt  }
0x68: {  	_ =	shalt  }
0x69: {  	_ =	shalt  }
0x6a: {  	_ =	shalt  }
0x6b: {  	_ =	shalt  }
0x6c: {  	_ =	shalt  }
0x6d: {  	_ =	shalt  }
0x6e: {  	_ =	shalt  }
0x6f: {  	_ =	shalt  }
0x70: {  	_ =	shalt  }
0x71: {  	_ =	shalt  }
0x72: {  	_ =	shalt  }
0x73: {  	_ =	shalt  }
0x74: {  	_ =	shalt  }
0x75: {  	_ =	shalt  }
0x76: {  	_ =	shalt  }
0x77: {  	_ =	shalt  }
0x78: {  	_ =	shalt  }
0x79: {  	_ =	shalt  }
0x7a: {  	_ =	shalt  }
0x7b: {  	_ =	shalt  }
0x7c: {  	_ =	shalt  }
0x7d: {  	_ =	shalt  }
0x7e: {  	_ =	shalt  }
0x7f: {  	_ =	shalt  }
0x80: {  	_ =	shalt  }
0x81: {  	_ =	shalt  }
0x82: {  	_ =	shalt  }
0x83: {  	_ =	shalt  }
0x84: {  	_ =	shalt  }
0x85: {  	_ =	shalt  }
0x86: {  	_ =	shalt  }
0x87: {  	_ =	shalt  }
.Lfunc_end0:
.L_simem_size_0:
called_computation_lowered:
.L_overlay_start_0:
0x88: {  	s2 =	sld [smem:$0x3FD9]  }
0x89: {  	s3 =	sld [smem:$0x3FFE];
	_ =	sdelay $0x1  }
0x8a: {  	s1 =	srdreg.scid  }
0x8b: {  	s0 =	sand.u32 $0x1, s1  }
0x8c: {  	s17 =	sshll.u32 s0, $0xA;
	s2 =	sadd.s32 s3, s2  }
0x8d: {  	s2 =	sadd.s32 s2, s17  }
0x8e: {  	[smem:$0x3FC2] =	sst s2  }
0x8f: {  	_ = 	snop  }
0x90: {  	s2 =	sld [smem:$0x3FD0];
	(tm) =	ssettm $0x1  }
0x91: {  	s18 =	sld [smem:$0x3FFB];
	_ =	sdelay $0x3  }
0x92: {  	_ =	strace s18  }
0x93: {  	s3 =	sld [smem:$0x3FFC];
	_ =	sdelay $0x3  }
0x94: {  	_ =	strace s3  }
0x95: {  	s3 =	sld [smem:$0x3FFD];
	_ =	sdelay $0x3  }
0x96: {  	_ =	strace s3  }
0x97: {  	_ =	strace $0x8FFFFFFF  }
0x98: {  	s19 =	sld [smem:$0x3FDB];
	_ =	sdelay $0x1  }
0x99: {  	s4 =	simm.s32 $_scs_section_size  }
0x9a: {  	s5 =	simm.s32 $_size__tile_overlayer_lowered;
	s6 =	simm.s32 $_tile_overlayer_lowered  }
0x9b: {  	s22 =	simm.s32 $0x1BFF;
	s21 =	sshll.u32 s6, $0x1;
	s3 =	sadd.s32 s4, s19  }
0x9c: {  	s7 =	simm.s32 $0x0;
	s20 =	sshll.u32 s5, $0x1;
	s5 =	sadd.s32 s21, s3  }
0x9d: {  	[timem:s7], [sflag:s22] =	dma.local [hbm:s5], s20  }
0x9e: {  	_ =	swait.ge [sflag:s22], s20  }
0x9f: {  	s4 =	ssub.s32 $0x0, s20;
	[sflag:s22] =	ssyncset.done $0x0  }
0xa0: {  	[sflag:s22] =	ssyncadd.s32 s4;
	_ =	sdelay $0x1  }
0xa1: {  	s23 =	simm.s32 $0x1B8B  }
0xa2: {  	_ =	swait.ge [sflag:s23], $0x1  }
0xa3: {  	[sflag:s23] =	ssyncset.done $0x0  }
0xa4: {  	s25 =	simm.s32 $0x1B8E;
	s24 =	sld [smem:$0x3FFE];
	[sflag:s23] =	ssyncadd.s32 $0xFFFFFFFF  }
0xa5: {  	s26 =	simm.s32 $execute0_lowered;
	[smem:$0x3FD2] =	sst s25  }
0xa6: {  	s5 =	sshll.u32 s26, $0x1;
	_ =	strace $0x80000046;
	[dreg:$0x1] =	wrdreg $0xFFFFFFFF  }
0xa7: {  	s28 =	simm.s32 $_size_execute0_lowered;
	s3 =	sadd.s32 s3, s5;
	[dreg:$0x0] =	wrdreg $0x0  }
0xa8: {  	s5 =	sshll.u32 s28, $0x1;
	[dreg:$0x2] =	wrdreg s3  }
0xa9: {  	[dreg:$0x3] =	wrdreg s5  }
0xaa: {  	[dreg:$0x4] =	wrdreg $0xC0  }
0xab: {  	_ =	task [dreg:s7], $0x5FFFF  }
0xac: {  	[dreg:$0x1] =	wrdreg $0xFFFFFFFF  }
0xad: {  	[dreg:$0x0] =	wrdreg $0x60  }
0xae: {  	[dreg:$0x2] =	wrdreg s2  }
0xaf: {  	[dreg:$0x3] =	wrdreg s24  }
0xb0: {  	[dreg:$0x4] =	wrdreg $0x128800  }
0xb1: {  	[dreg:$0x5] =	wrdreg $0x12B000  }
0xb2: {  	[dreg:$0x6] =	wrdreg $0x88800  }
0xb3: {  	[dreg:$0x7] =	wrdreg $0x9  }
0xb4: {  	_ =	task.clear_ibuf [dreg:s7], $0x8FFFF;
	_ =	strace $0x90000046  }
0xb5: {  	s29 =	simm.s32 $0x9;
	_ =	strace $0x80000048  }
0xb6: {  	_ =	swait.ge [sflag:s29], $0x1  }
0xb7: {  	[sflag:s29] =	ssyncadd.s32 $0xFFFFFFFF  }
0xb8: {  	_ =	strace $0x90000048  }
0xb9: {  	_ =	sfence  }
0xba: {  	s30 =	sld [smem:$0x0];
	_ =	sdelay $0x2  }
0xbb: {  	s31 =	sshll.u32 s1, $0xD;
	s1 =	sshrl.u32 s1, $0x2  }
0xbc: {  	s3 =	sand.u32 $0x4000, s31;
	s1 =	sadd.s32 s1, s30  }
0xbd: {  	s0 =	sor.u32 s3, s0;
	s1 =	sshll.u32 s1, $0x11  }
0xbe: {  	s0 =	sor.u32 s1, s0  }
0xbf: {  	s0 =	sadd.s32 $0x8F2B, s0  }
0xc0: {  	[sflag:s0] =	ssyncadd.remote.s32 $0x1  }
0xc1: {  	_ =	sfence.sel $0xFFFF  }
0xc2: {  	[dreg:$0x0] =	wrdreg $0xFFFFFFFF;
	(pc) =	sbr.abs _section_cstart, $3  }
0xc3: {  	[dreg:$0x1] =	wrdreg $0xFFFFFFFF  }
0xc4: {  	_ =	task.clear_ibuf [dreg:s7], $0x2FFFF;
	_ =	strace $0x9FFFFFFF  }
0xc5: {  	(tm) =	ssettm $0x7FFFFFFF  }
tec
execute0_lowered:
.L_overlay_start_1:
0x0: {  	(tag) =	ssettag $0x1  }
0x1: {  	s0 =	rddreg [dreg:$0x0]  }
0x2: {  	s1 =	rddreg [dreg:$0x1]  }
0x3: {  	s2 =	rddreg [dreg:$0x2]  }
0x4: {  	s3 =	rddreg [dreg:$0x3]  }
0x5: {  	s4 =	rddreg [dreg:$0x4];
	s15 =	stileid.u32  }
0x6: {  	s5 =	simm.s32 $0x0;
	s6 =	srdreg.scid;
	s7 =	smul.u32 $0x50, s15  }
0x7: {  	s28 =	simm.s32 $0x800;
	s29 =	simm.s32 $0x2800;
	s9 =	smul.u32 $0x9E00, s15  }
0x8: {  	s30 =	simm.s32 $0x1;
	s31 =	simm.s32 $0x8800;
	s25 =	smul.u32 $0xA000, s15  }
0x9: {  	[smem:$0x7FF] =	sst s5;
	s6 =	sand.u32 $0x1, s6;
	s11 =	smul.u32 $0x280, s15  }
0xa: {  	s20 =	sshll.u32 s15, $0x6;
	p0 =	seq.s32 s6, $0x0;
	s26 =	smul.u32 $0xA0000, s6  }
0xb: {  	_ =	strace $0x80000047;
	s14 =	smul.u32 $0x2800, s6;
	s6 =	ssub.s32 $0x2, s6  }
0xc: {  	s8 =	sadd.s32 $0x500, s7;
	s10 =	sshrl.u32 s9, $0x3;
	s12 =	sshrl.u32 s25, $0x3  }
0xd: {  	s13 =	sshrl.u32 s11, $0x3;
	s19 =	sshrl.u32 s6, $0x1;
	s9 =	sadd.s32 s9, s3  }
0xe: {  	s22 =	sadd.s32 s25, s4;
	s8 =	smov.u32 @p0 s7;
	s16 =	sadd.s32 s10, s1  }
0xf: {  	s12 =	sadd.s32 s12, s1;
	s13 =	sadd.s32 s13, s1;
	s14 =	sadd.s32 s11, s14  }
0x10: {  	s6 =	ssub.s32 s6, s19;
	s11 =	sadd.s32 s11, s2;
	[dreg:$0x8] =	wrdreg s9  }
0x11: {  	s0 =	sadd.s32 s0, s10;
	[dreg:$0xa] =	wrdreg s22;
	s22 =	simm.s32 $0x4  }
0x12: {  	s8 =	sshll.u32 s8, $0x5;
	s14 =	sshrl.u32 s14, $0x3;
	[dreg:$0x6] =	wrdreg s11  }
0x13: {  	s21 =	sadd.s32 $0x29600, s13;
	[dreg:$0x9] =	wrdreg s0;
	s12 =	sadd.s32 $0x29C00, s12  }
0x14: {  	s24 =	sadd.s32 $0x1A00, s16;
	s0 =	simm.s32 $0x3;
	[dreg:$0x7] =	wrdreg s21  }
0x15: {  	s17 =	sadd.s32 s8, s1;
	s8 =	sadd.s32 s25, s26;
	[dreg:$0xc] =	wrdreg s24  }
0x16: {  	s24 =	simm.s32 $0x200;
	s8 =	sshrl.u32 s8, $0x3;
	s13 =	sadd.s32 $0x15600, s17  }
0x17: {  	s15 =	sadd.s32 $0x15640, s17;
	s16 =	sadd.s32 $0x15660, s17;
	s18 =	sadd.s32 s8, s1  }
.Ltmp0:
0x18: {  	s1 =	sadd.s32 s14, s1;
	s23 =	sadd.s32 $0x65C00, s18;
	(pc) =	sbr.rel .LBB2_1-.Ltmp0, $4  }
0x19: {  	s8 =	sor.u32 $0x1C04, s20;
	s25 =	sadd.s32 $0x3DC00, s18;
	[dreg:$0xb] =	wrdreg s23  }
0x1a: {  	s14 =	sadd.s32 $0x15620, s17;
	s26 =	sadd.s32 $0x8DC00, s1;
	[dreg:$0xd] =	wrdreg s25  }
0x1b: {  	s20 =	smax.u32 s6, $0x1;
	s1 =	simm.s32 $0x0;
	[dreg:$0xe] =	wrdreg s26  }
0x1c: {  	v0 =	vimm.f32 $1.000000000e+00;
	s23 =	simm.s32 $0x100;
	s25 =	simm.s32 $0x2;
	s26 =	simm.s32 $0x80  }
.LBB2_13:
0x1d: {  	_ =	swait.ge [sflag:s0], $0x2000  }
0x1e: {  	[sflag:s0] =	ssyncset.done $0x0  }
0x1f: {  	[sflag:s0] =	ssyncadd.s32 $0xFFFFE000  }
0x20: {  	_ =	swait.ge [sflag:s0], $0x2000  }
0x21: {  	[sflag:s0] =	ssyncset.done $0x0  }
0x22: {  	[sflag:s0] =	ssyncadd.s32 $0xFFFFE000  }
0x23: {  	_ =	swait.ge [sflag:s0], $0x2000  }
0x24: {  	[sflag:s0] =	ssyncset.done $0x0  }
0x25: {  	[sflag:s0] =	ssyncadd.s32 $0xFFFFE000  }
0x26: {  	[bflag:$0x0] =	sbarrier.arrive $0xFFFF  }
0x27: {  	s9 =	rddreg [dreg:$0xd]  }
0x28: {  	[hbm:s9], [sflag:s8] =	dma.local [spmem:s7], $0x1400  }
0x29: {  	s1 =	sadd.s32 $0x1, s1;
	_ =	swait.ge [sflag:s22], $0x1400  }
0x2a: {  	p0 =	sne.s32 s1, s20;
	[sflag:s22] =	ssyncset.done $0x0  }
.Ltmp1:
0x2b: {  	s21 =	rddreg [dreg:$0xe];
	[sflag:s22] =	ssyncadd.s32 $0xFFFFEC00;
	(pc) =	sbr.rel @!p0 .LBB2_14-.Ltmp1, $4  }
0x2c: {  	[hbm:s21], [sflag:s8] =	dma.local [spmem:s6], $0x50  }
0x2d: {  	_ =	swait.ge [sflag:s22], $0x50  }
0x2e: {  	[sflag:s22] =	ssyncset.done $0x0  }
0x2f: {  	[sflag:s22] =	ssyncadd.s32 $0xFFFFFFB0  }
.LBB2_1:
0x30: {  	s6 =	rddreg [dreg:$0x6]  }
0x31: {  	s7 =	rddreg [dreg:$0x7];
	s6 =	sshrl.u32 s6, $0x3  }
0x32: {  	[spmem:s6], [sflag:s8] =	dma.local [hbm:s7], $0x50  }
0x33: {  	_ =	swait.ge [sflag:s22], $0x50  }
0x34: {  	[sflag:s22] =	ssyncset.done $0x0  }
0x35: {  	[sflag:s22] =	ssyncadd.s32 $0xFFFFFFB0  }
0x36: {  	[tilespmem:$0x8800] =	vst v0  }
0x37: {  	[tilespmem:$0x8810] =	vst v0  }
0x38: {  	[tilespmem:$0x8820] =	vst v0  }
0x39: {  	[tilespmem:$0x8830] =	vst v0  }
0x3a: {  	[tilespmem:$0x8840] =	vst v0  }
0x3b: {  	[tilespmem:$0x8850] =	vst v0  }
0x3c: {  	s18 =	rddreg [dreg:$0x8];
	[tilespmem:$0x8860] =	vst v0  }
0x3d: {  	s19 =	rddreg [dreg:$0x9];
	s9 =	sshrl.u32 s18, $0x3;
	[tilespmem:$0x8870] =	vst v0  }
0x3e: {  	[spmem:s9], [sflag:s8] =	dma.local [hbm:s19], $0x13C0  }
0x3f: {  	_ =	swait.ge [sflag:s22], $0x13C0  }
0x40: {  	[sflag:s22] =	ssyncset.done $0x0;
	s21 =	rddreg [dreg:$0xa]  }
0x41: {  	[sflag:s22] =	ssyncadd.s32 $0xFFFFEC40;
	s7 =	sshrl.u32 s21, $0x3  }
0x42: {  	[spmem:s7], [sflag:s8] =	dma.local [hbm:s12], $0x1400  }
0x43: {  	_ =	swait.ge [sflag:s22], $0x1400  }
0x44: {  	[sflag:s22] =	ssyncset.done $0x0  }
0x45: {  	[sflag:s22] =	ssyncadd.s32 $0xFFFFEC00  }
0x46: {  	[bflag:$0x0] =	sbarrier.arrive $0xFFFF  }
0x47: {  	[tilespmem:s5], [sflag:$0x2] =	stream.linear.gather [hbm4b:s13+s5], $0x100, $0x38;
	[tilespmem:$0x1C900] =	vst v63  }
0x48: {  	_ = 	snop  }
0x49: {  	[tilespmem:s23], [sflag:$0x2] =	stream.linear.gather [hbm4b:s14+s5], $0x100, $0x38;
	[tilespmem:$0x1C900] =	vst v63  }
0x4a: {  	_ = 	snop  }
0x4b: {  	[tilespmem:s24], [sflag:$0x2] =	stream.linear.gather [hbm4b:s15+s5], $0x100, $0x38;
	[tilespmem:$0x1C900] =	vst v63  }
0x4c: {  	_ =	swait.ge [sflag:s25], $0x100  }
0x4d: {  	[sflag:s25] =	ssyncset.done $0x0  }
0x4e: {  	[sflag:s25] =	ssyncadd.s32 $0xFFFFFF00  }
0x4f: {  	[tilespmem:s28], [sflag:$0x1] =	stream.indirect.gather [spmem:s3], $0x40, s5, s26, $0xb8;
	[tilespmem:$0x1C900] =	vst v63  }
.Ltmp2:
0x50: {  	_ = 	snop;
	(pc) =	sbr.rel .LBB2_2-.Ltmp2, $4  }
0x51: {  	_ =	swait.ge [sflag:s25], $0x100  }
0x52: {  	s10 =	simm.s32 $0x300;
	s11 =	simm.s32 $0x0;
	[sflag:s25] =	ssyncset.done $0x0  }
0x53: {  	s17 =	simm.s32 $0x0;
	s21 =	smov.u32 s16;
	[sflag:s25] =	ssyncadd.s32 $0xFFFFFF00  }
0x54: {  	[tilespmem:s29], [sflag:$0x1] =	stream.indirect.gather [spmem:s3], $0x40, s23, s26, $0xb8;
	[tilespmem:$0x1C900] =	vst v63  }
.LBB2_3:
0x55: {  	s18 =	sand.u32 $0x700, s10  }
0x56: {  	[tilespmem:s18], [sflag:$0x2] =	stream.linear.gather [hbm4b:s21+s5], $0x100, $0x38;
	[tilespmem:$0x1C900] =	vst v63  }
.LBB2_5:
0x57: {  	_ =	swait.ge [sflag:s25], $0x100;
	s18 =	sadd.s32 $0x4000, s11  }
0x58: {  	s19 =	sadd.s32 $0xFFFFFF00, s10;
	[sflag:s25] =	ssyncset.done $0x0;
	s18 =	sand.u32 $0x6000, s18  }
0x59: {  	s19 =	sand.u32 $0x700, s19;
	[sflag:s25] =	ssyncadd.s32 $0xFFFFFF00;
	s18 =	sor.u32 $0x800, s18  }
0x5a: {  	[tilespmem:s18], [sflag:$0x1] =	stream.indirect.gather [spmem:s3], $0x40, s19, s26, $0xb8;
	[tilespmem:$0x1C900] =	vst v63  }
.LBB2_6:
0x5b: {  	_ =	swait.ge [sflag:s30], $0x2000;
	s18 =	sadd.s32 $0xFFFFFD00, s10  }
0x5c: {  	s19 =	sand.u32 $0x6000, s11;
	[sflag:s30] =	ssyncset.done $0x0;
	s18 =	sand.u32 $0x700, s18  }
0x5d: {  	s19 =	sor.u32 $0x800, s19;
	[sflag:s30] =	ssyncadd.s32 $0xFFFFE000;
	s18 =	sor.u32 $0x80, s18  }
0x5e: {  	[spmem:s4] =	stream.indirect.scatter.add.f32 [tilespmem:s19], [sflag:$0x3], $0x40, s18, s26, $0xb8;
	[tilespmem:$0x1C900] =	vst v63  }
0x5f: {  	_ = 	snop  }
0x60: {  	[spmem:s2] =	stream.indirect.scatter.add.f32 [tilespmem:s31], [sflag:$0x4], $0x1, s18, s26, $0xb8;
	[tilespmem:$0x1C900] =	vst v63  }
0x61: {  	_ =	swait.ge [sflag:s22], $0x80  }
0x62: {  	p0 =	slt.u32 s17, $0x3;
	[sflag:s22] =	ssyncset.done $0x0  }
0x63: {  	s18 =	simm.s32 @!p0 $0x3;
	[sflag:s22] =	ssyncadd.s32 $0xFFFFFF80  }
0x64: {  	_ =	swait.ge @!p0 [sflag:s18], $0x2000  }
0x65: {  	s10 =	sadd.s32 $0x100, s10;
	[sflag:s18] =	ssyncset.done @!p0 $0x0  }
0x66: {  	[sflag:s18] =	ssyncadd.s32 @!p0 $0xFFFFE000;
	p0 =	sne.s32 s10, $0x5300  }
.Ltmp3:
0x67: {  	_ = 	snop;
	(pc) =	sbr.rel @!p0 .LBB2_7-.Ltmp3, $2  }
0x68: {  	_ =	sdelay $0x2  }
0x69: {  	s17 =	sadd.s32 $0x1, s17;
	s21 =	sadd.s32 $0x20, s21;
	s11 =	sadd.s32 $0x2000, s11  }
.LBB2_2:
0x6a: {  	p0 =	sgt.u32 s17, $0x4C  }
.Ltmp4:
0x6b: {  	_ = 	snop;
	(pc) =	sbr.rel @!p0 .LBB2_3-.Ltmp4, $1  }
0x6c: {  	_ =	sdelay $0x3  }
0x6d: {  	p0 =	sne.s32 s10, $0x5000  }
.Ltmp5:
0x6e: {  	_ = 	snop;
	(pc) =	sbr.rel @p0 .LBB2_6-.Ltmp5, $4  }
.Ltmp6:
0x6f: {  	_ = 	snop;
	(pc) =	sbr.rel @!p0 .LBB2_5-.Ltmp6, $4  }
0x70: {  	_ = 	snop  }
0x71: {  	_ = 	snop  }
0x72: {  	_ = 	snop  }
0x73: {  	_ = 	snop  }
.LBB2_7:
0x74: {  	_ =	swait.ge [sflag:s0], $0x2000  }
0x75: {  	[sflag:s0] =	ssyncset.done $0x0  }
0x76: {  	[sflag:s0] =	ssyncadd.s32 $0xFFFFE000  }
0x77: {  	_ =	swait.ge [sflag:s0], $0x2000  }
0x78: {  	[sflag:s0] =	ssyncset.done $0x0  }
0x79: {  	[sflag:s0] =	ssyncadd.s32 $0xFFFFE000  }
0x7a: {  	_ =	swait.ge [sflag:s0], $0x2000  }
0x7b: {  	[sflag:s0] =	ssyncset.done $0x0  }
0x7c: {  	[sflag:s0] =	ssyncadd.s32 $0xFFFFE000  }
0x7d: {  	[bflag:$0x0] =	sbarrier.arrive $0xFFFF  }
0x7e: {  	s10 =	rddreg [dreg:$0xb]  }
0x7f: {  	[hbm:s10], [sflag:s8] =	dma.local [spmem:s7], $0x1400  }
0x80: {  	_ =	swait.ge [sflag:s22], $0x1400  }
0x81: {  	[sflag:s22] =	ssyncset.done $0x0  }
0x82: {  	s21 =	rddreg [dreg:$0xc];
	[sflag:s22] =	ssyncadd.s32 $0xFFFFEC00  }
0x83: {  	[spmem:s9], [sflag:s8] =	dma.local [hbm:s21], $0x13C0  }
0x84: {  	_ =	swait.ge [sflag:s22], $0x13C0  }
0x85: {  	[sflag:s22] =	ssyncset.done $0x0  }
0x86: {  	[sflag:s22] =	ssyncadd.s32 $0xFFFFEC40  }
0x87: {  	[spmem:s7], [sflag:s8] =	dma.local [hbm:s12], $0x1400  }
0x88: {  	_ =	swait.ge [sflag:s22], $0x1400  }
0x89: {  	[sflag:s22] =	ssyncset.done $0x0  }
0x8a: {  	[sflag:s22] =	ssyncadd.s32 $0xFFFFEC00  }
0x8b: {  	s9 =	simm.s32 $0x0;
	[bflag:$0x0] =	sbarrier.arrive $0xFFFF  }
0x8c: {  	[tilespmem:s9], [sflag:$0x2] =	stream.linear.gather [hbm4b:s13+s9], $0x100, $0x38;
	[tilespmem:$0x1C900] =	vst v63  }
0x8d: {  	_ = 	snop  }
0x8e: {  	[tilespmem:s23], [sflag:$0x2] =	stream.linear.gather [hbm4b:s14+s9], $0x100, $0x38;
	[tilespmem:$0x1C900] =	vst v63  }
0x8f: {  	_ = 	snop  }
0x90: {  	[tilespmem:s24], [sflag:$0x2] =	stream.linear.gather [hbm4b:s15+s9], $0x100, $0x38;
	[tilespmem:$0x1C900] =	vst v63  }
0x91: {  	_ =	swait.ge [sflag:s25], $0x100  }
0x92: {  	[sflag:s25] =	ssyncset.done $0x0  }
0x93: {  	[sflag:s25] =	ssyncadd.s32 $0xFFFFFF00  }
0x94: {  	[tilespmem:s28], [sflag:$0x1] =	stream.indirect.gather [spmem:s3], $0x40, s9, s26, $0xb8;
	[tilespmem:$0x1C900] =	vst v63  }
.Ltmp7:
0x95: {  	_ = 	snop;
	(pc) =	sbr.rel .LBB2_8-.Ltmp7, $4  }
0x96: {  	_ =	swait.ge [sflag:s25], $0x100  }
0x97: {  	s11 =	smov.u32 s16;
	[sflag:s25] =	ssyncset.done $0x0  }
0x98: {  	s17 =	simm.s32 $0x0;
	s10 =	simm.s32 $0x300;
	[sflag:s25] =	ssyncadd.s32 $0xFFFFFF00  }
0x99: {  	[tilespmem:s29], [sflag:$0x1] =	stream.indirect.gather [spmem:s3], $0x40, s23, s26, $0xb8;
	[tilespmem:$0x1C900] =	vst v63  }
.LBB2_9:
0x9a: {  	s18 =	sand.u32 $0x700, s10  }
0x9b: {  	[tilespmem:s18], [sflag:$0x2] =	stream.linear.gather [hbm4b:s11+s5], $0x100, $0x38;
	[tilespmem:$0x1C900] =	vst v63  }
.LBB2_11:
0x9c: {  	_ =	swait.ge [sflag:s25], $0x100;
	s18 =	sadd.s32 $0x4000, s9  }
0x9d: {  	s19 =	sadd.s32 $0xFFFFFF00, s10;
	[sflag:s25] =	ssyncset.done $0x0;
	s18 =	sand.u32 $0x6000, s18  }
0x9e: {  	s19 =	sand.u32 $0x700, s19;
	[sflag:s25] =	ssyncadd.s32 $0xFFFFFF00;
	s18 =	sor.u32 $0x800, s18  }
0x9f: {  	[tilespmem:s18], [sflag:$0x1] =	stream.indirect.gather [spmem:s3], $0x40, s19, s26, $0xb8;
	[tilespmem:$0x1C900] =	vst v63  }
.LBB2_12:
0xa0: {  	_ =	swait.ge [sflag:s30], $0x2000;
	s18 =	sadd.s32 $0xFFFFFD00, s10;
	s19 =	sand.u32 $0x6000, s9  }
0xa1: {  	p0 =	slt.u32 s17, $0x3;
	[sflag:s30] =	ssyncset.done $0x0;
	s18 =	sand.u32 $0x700, s18  }
0xa2: {  	s19 =	sor.u32 $0x800, s19;
	[sflag:s30] =	ssyncadd.s32 $0xFFFFE000;
	s18 =	sor.u32 $0x80, s18  }
0xa3: {  	[spmem:s4] =	stream.indirect.scatter.add.f32 [tilespmem:s19], [sflag:$0x3], $0x40, s18, s26, $0xb8;
	[tilespmem:$0x1C900] =	vst v63  }
0xa4: {  	s18 =	simm.s32 @!p0 $0x3  }
0xa5: {  	_ =	swait.ge @!p0 [sflag:s18], $0x2000  }
0xa6: {  	s10 =	sadd.s32 $0x100, s10;
	[sflag:s18] =	ssyncset.done @!p0 $0x0  }
0xa7: {  	[sflag:s18] =	ssyncadd.s32 @!p0 $0xFFFFE000;
	p0 =	sne.s32 s10, $0x5300  }
.Ltmp8:
0xa8: {  	_ = 	snop;
	(pc) =	sbr.rel @!p0 .LBB2_13-.Ltmp8, $2  }
0xa9: {  	_ =	sdelay $0x2  }
0xaa: {  	s17 =	sadd.s32 $0x1, s17;
	s11 =	sadd.s32 $0x20, s11;
	s9 =	sadd.s32 $0x2000, s9  }
.LBB2_8:
0xab: {  	p0 =	sgt.u32 s17, $0x4C  }
.Ltmp9:
0xac: {  	_ = 	snop;
	(pc) =	sbr.rel @!p0 .LBB2_9-.Ltmp9, $1  }
0xad: {  	_ =	sdelay $0x3  }
0xae: {  	p0 =	sne.s32 s10, $0x5000  }
.Ltmp10:
0xaf: {  	_ = 	snop;
	(pc) =	sbr.rel @p0 .LBB2_12-.Ltmp10, $4  }
.Ltmp11:
0xb0: {  	_ = 	snop;
	(pc) =	sbr.rel @!p0 .LBB2_11-.Ltmp11, $4  }
0xb1: {  	_ = 	snop  }
0xb2: {  	_ = 	snop  }
0xb3: {  	_ = 	snop  }
0xb4: {  	_ = 	snop  }
.LBB2_14:
0xb5: {  	_ =	sfence.sel $0x180000  }
0xb6: {  	[bflag:$0x0] =	sbarrier.arrive $0xFFFF  }
0xb7: {  	_ =	strace $0x90000047  }
0xb8: {  	s0 =	stileid.u32;
	[bflag:$0x2] =	sbarrier.arrive $0xFFFF  }
0xb9: {  	p0 =	sne.s32 s0, $0x0;
	s0 =	rddreg [dreg:$0x5]  }
0xba: {  	s0 =	sadd.s32 @!p0 $0x100000, s0  }
0xbb: {  	[sflag:s0] =	ssyncadd.tile.s32 @!p0 $0x1;
	_ =	shalt  }
.Lfunc_end2:
_tile_overlayer_lowered:
.L_overlay_start_2:
0xbc: {  	(tag) =	ssettag $0x2  }
0xbd: {  	s0 =	rddreg [dreg:$0x0];
	s2 =	stileid.u32  }
0xbe: {  	s1 =	rddreg [dreg:$0x1];
	p0 =	sne.s32 s2, $0x0  }
0xbf: {  	s3 =	rddreg [dreg:$0x2];
	[bflag:$0x3] =	sbarrier.arrive $0xFFFF;
	s2 =	simm.s32 @!p0 $0x1C04  }
0xc0: {  	[timem:s3], [sflag:s2] =	dma.local @!p0 [hbm:s0], s1  }
0xc1: {  	s0 =	simm.s32 @!p0 $0x4  }
0xc2: {  	_ =	swait.ge @!p0 [sflag:s0], s1  }
0xc3: {  	s1 =	ssub.s32 @!p0 $0x0, s1;
	[sflag:s0] =	ssyncset.done @!p0 $0x0  }
0xc4: {  	[sflag:s0] =	ssyncadd.s32 @!p0 s1  }
0xc5: {  	[bflag:$0x3] =	sbarrier.arrive $0xFFFF  }
0xc6: {  	_ =	shalt  }

// kernel: kernel.9.cloned.1.call-start
scs
__scs_entry_jumppad:
0x0: {  	(pc) =	sbr.rel $0x88, $3  }
0x1: {  	(tag) =	ssettag $0x0;
	lr =	simm.s32 $0x1  }
0x2: {  	[smem:$0x3F9B] =	sst lr;
	_ =	strace $0xD0000000  }
0x3: {  	_ = 	snop  }
0x4: {  	_ = 	snop  }
0x5: {  	_ = 	snop  }
0x6: {  	_ = 	snop  }
0x7: {  	_ = 	snop  }
__scs_overlays_trampoline_lowered:
0x8: {  	[smem:$0x3FAA] =	sst s0  }
0x9: {  	[smem:$0x3FAB] =	sst s1  }
0xa: {  	[smem:$0x3FAC] =	sst s2  }
0xb: {  	[smem:$0x3FAD] =	sst s3  }
0xc: {  	[smem:$0x3FAE] =	sst s4  }
0xd: {  	[smem:$0x3FAF] =	sst s5  }
0xe: {  	[smem:$0x3FB0] =	sst s6  }
0xf: {  	[smem:$0x3FB1] =	sst s7  }
0x10: {  	[smem:$0x3FB2] =	sst s8  }
0x11: {  	[smem:$0x3FB3] =	sst s9;
	s0 =	simm.s32 @!p0 $0x0  }
0x12: {  	s1 =	sld [smem:$0x3F99];
	s0 =	simm.s32 @p0 $0x1  }
0x13: {  	[smem:$0x3FB4] =	sst s0;
	s0 =	simm.s32 @!p1 $0x0  }
0x14: {  	s2 =	sld [smem:$0x3F98];
	s0 =	simm.s32 @p1 $0x1  }
0x15: {  	[smem:$0x3FB5] =	sst s0;
	s0 =	simm.s32 @!p2 $0x0  }
0x16: {  	s3 =	sld [smem:$0x3FDB];
	s0 =	simm.s32 @p2 $0x1  }
0x17: {  	s4 =	simm.s32 $0x1BF5;
	[smem:$0x3FB7] =	sst s0  }
0x18: {  	s0 =	sld [smem:$0x3F9A];
	_ =	swait.ge [sflag:s4], $0x0  }
0x19: {  	s7 =	sld [smem:$0x3F9B]  }
0x1a: {  	s8 =	sadd.s32 $0xFFFFE003, lr  }
0x1b: {  	s9 =	sadd.s32 $0xFFFFFEF7, lr;
	s5 =	simm.s32 $0xFFFFFFFF;
	p2 =	slt.u32 s8, $0xFFFFF086  }
0x1c: {  	p1 =	slt.u32 s9, $0xF7A;
	s5 =	simm.s32 @!p2 $0x0  }
0x1d: {  	s5 =	simm.s32 @p1 $0x1;
	p0 =	seq.s32 s7, s2  }
0x1e: {  	s7 =	smul.u32 @!p0 $0xF7A, s2;
	p2 =	seq.s32 @!p0 s5, $0x0  }
0x1f: {  	s9 =	smul.u32 $0xF7A, s1;
	s8 =	simm.s32 @!p0 $0x1BF5;
	p2 =	por !p2, p0  }
0x20: {  	[sflag:s8] =	ssyncset.s32 @!p0 $0xFFFFF086;
	s6 =	sadd.s32 @!p0 s3, s7;
	s7 =	simm.s32 @!p0 $0x108  }
0x21: {  	s3 =	sadd.s32 s3, s9;
	s6 =	sadd.s32 @!p0 $0x88, s6;
	s7 =	simm.s32 @p2 $0x1082  }
0x22: {  	[simem:s7], [sflag:s8] =	dma.local @!p0 [hbm:s6], $0xF7A  }
0x23: {  	s9 =	sor.u32 $0xD0000000, s2;
	s6 =	simm.s32 $0x108;
	_ =	swait.ge @!p0 [sflag:s8], $0x0  }
0x24: {  	s3 =	sadd.s32 $0x88, s3;
	s6 =	simm.s32 @!p1 $0x1082;
	[sflag:s4] =	ssyncset.s32 $0xFFFFF086  }
0x25: {  	[simem:s6], [sflag:s4] =	dma.local [hbm:s3], $0xF7A  }
0x26: {  	[smem:$0x3F9B] =	sst s1;
	(tag) =	ssettag s2;
	_ =	strace s9  }
0x27: {  	s1 =	sld [smem:$0x3FAB]  }
0x28: {  	s2 =	sld [smem:$0x3FAC]  }
0x29: {  	s4 =	sld [smem:$0x3FAE]  }
0x2a: {  	p0 =	seq.s32 s5, $0x0;
	s5 =	sld [smem:$0x3FAF]  }
0x2b: {  	s6 =	sld [smem:$0x3FB0]  }
0x2c: {  	s7 =	sld [smem:$0x3FB1]  }
0x2d: {  	s3 =	simm.s32 $0x108;
	s8 =	sld [smem:$0x3FB2]  }
0x2e: {  	s3 =	simm.s32 @!p0 $0x1082;
	s9 =	sld [smem:$0x3FB3]  }
0x2f: {  	lr =	sadd.s32 s0, s3;
	s0 =	sld [smem:$0x3FAA]  }
0x30: {  	s3 =	sld [smem:$0x3FAD]  }
0x31: {  	[smem:$0x3FB6] =	sst s10  }
0x32: {  	s10 =	sld [smem:$0x3FB4];
	_ =	sdelay $0x3  }
0x33: {  	p0 =	seq.s32 s10, $0x1;
	s10 =	sld [smem:$0x3FB6];
	_ =	sdelay $0x3  }
0x34: {  	[smem:$0x3FB6] =	sst s10  }
0x35: {  	s10 =	sld [smem:$0x3FB5];
	_ =	sdelay $0x3  }
0x36: {  	p1 =	seq.s32 s10, $0x1;
	s10 =	sld [smem:$0x3FB6];
	_ =	sdelay $0x3  }
0x37: {  	[smem:$0x3FB6] =	sst s10  }
0x38: {  	s10 =	sld [smem:$0x3FB7]  }
0x39: {  	_ = 	snop;
	(pc) =	sbr.ind lr, $3  }
0x3a: {  	_ = 	snop  }
0x3b: {  	_ = 	snop  }
0x3c: {  	p2 =	seq.s32 s10, $0x1;
	s10 =	sld [smem:$0x3FB6]  }
0x3d: {  	_ =	shalt  }
0x3e: {  	_ =	shalt  }
0x3f: {  	_ =	shalt  }
0x40: {  	_ =	shalt  }
0x41: {  	_ =	shalt  }
0x42: {  	_ =	shalt  }
0x43: {  	_ =	shalt  }
0x44: {  	_ =	shalt  }
0x45: {  	_ =	shalt  }
0x46: {  	_ =	shalt  }
0x47: {  	_ =	shalt  }
0x48: {  	_ =	shalt  }
0x49: {  	_ =	shalt  }
0x4a: {  	_ =	shalt  }
0x4b: {  	_ =	shalt  }
0x4c: {  	_ =	shalt  }
0x4d: {  	_ =	shalt  }
0x4e: {  	_ =	shalt  }
0x4f: {  	_ =	shalt  }
0x50: {  	_ =	shalt  }
0x51: {  	_ =	shalt  }
0x52: {  	_ =	shalt  }
0x53: {  	_ =	shalt  }
0x54: {  	_ =	shalt  }
0x55: {  	_ =	shalt  }
0x56: {  	_ =	shalt  }
0x57: {  	_ =	shalt  }
0x58: {  	_ =	shalt  }
0x59: {  	_ =	shalt  }
0x5a: {  	_ =	shalt  }
0x5b: {  	_ =	shalt  }
0x5c: {  	_ =	shalt  }
0x5d: {  	_ =	shalt  }
0x5e: {  	_ =	shalt  }
0x5f: {  	_ =	shalt  }
0x60: {  	_ =	shalt  }
0x61: {  	_ =	shalt  }
0x62: {  	_ =	shalt  }
0x63: {  	_ =	shalt  }
0x64: {  	_ =	shalt  }
0x65: {  	_ =	shalt  }
0x66: {  	_ =	shalt  }
0x67: {  	_ =	shalt  }
0x68: {  	_ =	shalt  }
0x69: {  	_ =	shalt  }
0x6a: {  	_ =	shalt  }
0x6b: {  	_ =	shalt  }
0x6c: {  	_ =	shalt  }
0x6d: {  	_ =	shalt  }
0x6e: {  	_ =	shalt  }
0x6f: {  	_ =	shalt  }
0x70: {  	_ =	shalt  }
0x71: {  	_ =	shalt  }
0x72: {  	_ =	shalt  }
0x73: {  	_ =	shalt  }
0x74: {  	_ =	shalt  }
0x75: {  	_ =	shalt  }
0x76: {  	_ =	shalt  }
0x77: {  	_ =	shalt  }
0x78: {  	_ =	shalt  }
0x79: {  	_ =	shalt  }
0x7a: {  	_ =	shalt  }
0x7b: {  	_ =	shalt  }
0x7c: {  	_ =	shalt  }
0x7d: {  	_ =	shalt  }
0x7e: {  	_ =	shalt  }
0x7f: {  	_ =	shalt  }
0x80: {  	_ =	shalt  }
0x81: {  	_ =	shalt  }
0x82: {  	_ =	shalt  }
0x83: {  	_ =	shalt  }
0x84: {  	_ =	shalt  }
0x85: {  	_ =	shalt  }
0x86: {  	_ =	shalt  }
0x87: {  	_ =	shalt  }
.Lfunc_end0:
.L_simem_size_0:
called_computation.1_lowered:
.L_overlay_start_0:
0x88: {  	s2 =	sld [smem:$0x3FD9]  }
0x89: {  	s3 =	sld [smem:$0x3FFE];
	_ =	sdelay $0x1  }
0x8a: {  	s1 =	srdreg.scid  }
0x8b: {  	s0 =	sand.u32 $0x1, s1  }
0x8c: {  	s16 =	sshll.u32 s0, $0xA;
	s2 =	sadd.s32 s3, s2  }
0x8d: {  	s2 =	sadd.s32 s2, s16  }
0x8e: {  	[smem:$0x3FC2] =	sst s2  }
0x8f: {  	_ = 	snop  }
0x90: {  	(tm) =	ssettm $0x1  }
0x91: {  	s17 =	sld [smem:$0x3FFB];
	_ =	sdelay $0x3  }
0x92: {  	_ =	strace s17  }
0x93: {  	s2 =	sld [smem:$0x3FFC];
	_ =	sdelay $0x3  }
0x94: {  	_ =	strace s2  }
0x95: {  	s2 =	sld [smem:$0x3FFD];
	_ =	sdelay $0x3  }
0x96: {  	_ =	strace s2  }
0x97: {  	_ =	strace $0x8FFFFFFF  }
0x98: {  	s18 =	sld [smem:$0x3FDB];
	_ =	sdelay $0x1  }
0x99: {  	s19 =	simm.s32 $_scs_section_size  }
0x9a: {  	s4 =	simm.s32 $_size__tile_overlayer_lowered;
	s5 =	simm.s32 $_tile_overlayer_lowered  }
0x9b: {  	s22 =	simm.s32 $0x1BFF;
	s21 =	sshll.u32 s5, $0x1;
	s2 =	sadd.s32 s19, s18  }
0x9c: {  	s6 =	simm.s32 $0x0;
	s20 =	sshll.u32 s4, $0x1;
	s4 =	sadd.s32 s21, s2  }
0x9d: {  	[timem:s6], [sflag:s22] =	dma.local [hbm:s4], s20  }
0x9e: {  	_ =	swait.ge [sflag:s22], s20  }
0x9f: {  	s3 =	ssub.s32 $0x0, s20;
	[sflag:s22] =	ssyncset.done $0x0  }
0xa0: {  	[sflag:s22] =	ssyncadd.s32 s3;
	_ =	sdelay $0x1  }
0xa1: {  	s23 =	simm.s32 $0x1B8B  }
0xa2: {  	_ =	swait.ge [sflag:s23], $0x1  }
0xa3: {  	[sflag:s23] =	ssyncset.done $0x0  }
0xa4: {  	s25 =	simm.s32 $0x1B8E;
	s24 =	sld [smem:$0x3FFE];
	[sflag:s23] =	ssyncadd.s32 $0xFFFFFFFF  }
0xa5: {  	s26 =	simm.s32 $execute0_lowered;
	[smem:$0x3FD2] =	sst s25  }
0xa6: {  	s4 =	sshll.u32 s26, $0x1;
	_ =	strace $0x80000049;
	[dreg:$0x1] =	wrdreg $0xFFFFFFFF  }
0xa7: {  	s28 =	simm.s32 $_size_execute0_lowered;
	s2 =	sadd.s32 s2, s4;
	[dreg:$0x0] =	wrdreg $0x0  }
0xa8: {  	s4 =	sshll.u32 s28, $0x1;
	[dreg:$0x2] =	wrdreg s2  }
0xa9: {  	[dreg:$0x3] =	wrdreg s4  }
0xaa: {  	[dreg:$0x4] =	wrdreg $0xC0  }
0xab: {  	_ =	task [dreg:s6], $0x5FFFF  }
0xac: {  	[dreg:$0x1] =	wrdreg $0xFFFFFFFF  }
0xad: {  	[dreg:$0x0] =	wrdreg $0x60  }
0xae: {  	[dreg:$0x2] =	wrdreg s24  }
0xaf: {  	[dreg:$0x3] =	wrdreg $0x128000  }
0xb0: {  	[dreg:$0x4] =	wrdreg $0x88000  }
0xb1: {  	[dreg:$0x5] =	wrdreg $0x9  }
0xb2: {  	_ =	task.clear_ibuf [dreg:s6], $0x6FFFF;
	_ =	strace $0x90000049  }
0xb3: {  	s29 =	simm.s32 $0x9;
	_ =	strace $0x8000004B  }
0xb4: {  	_ =	swait.ge [sflag:s29], $0x1  }
0xb5: {  	[sflag:s29] =	ssyncadd.s32 $0xFFFFFFFF  }
0xb6: {  	_ =	strace $0x9000004B  }
0xb7: {  	_ =	sfence  }
0xb8: {  	s30 =	sld [smem:$0x0];
	_ =	sdelay $0x2  }
0xb9: {  	s31 =	sshll.u32 s1, $0xD;
	s1 =	sshrl.u32 s1, $0x2  }
0xba: {  	s3 =	sand.u32 $0x4000, s31;
	s1 =	sadd.s32 s1, s30  }
0xbb: {  	s0 =	sor.u32 s3, s0;
	s1 =	sshll.u32 s1, $0x11  }
0xbc: {  	s0 =	sor.u32 s1, s0  }
0xbd: {  	s0 =	sadd.s32 $0x8F2B, s0  }
0xbe: {  	[sflag:s0] =	ssyncadd.remote.s32 $0x1  }
0xbf: {  	_ =	sfence.sel $0xFFFF  }
0xc0: {  	[dreg:$0x0] =	wrdreg $0xFFFFFFFF;
	(pc) =	sbr.abs _section_cstart, $3  }
0xc1: {  	[dreg:$0x1] =	wrdreg $0xFFFFFFFF  }
0xc2: {  	_ =	task.clear_ibuf [dreg:s6], $0x2FFFF;
	_ =	strace $0x9FFFFFFF  }
0xc3: {  	(tm) =	ssettm $0x7FFFFFFF  }
tec
execute0_lowered:
.L_overlay_start_1:
0x0: {  	(tag) =	ssettag $0x1  }
0x1: {  	s5 =	rddreg [dreg:$0x0]  }
0x2: {  	s2 =	rddreg [dreg:$0x1]  }
0x3: {  	s3 =	rddreg [dreg:$0x2];
	s1 =	stileid.u32;
	s4 =	simm.s32 $0x0  }
0x4: {  	s6 =	srdreg.scid;
	s15 =	simm.s32 $0x4;
	s17 =	simm.s32 $0x100  }
0x5: {  	s18 =	simm.s32 $0x200;
	s19 =	simm.s32 $0x2;
	s20 =	simm.s32 $0x80  }
0x6: {  	s21 =	simm.s32 $0x800;
	s22 =	simm.s32 $0x2800;
	s23 =	simm.s32 $0x1  }
0x7: {  	s24 =	simm.s32 $0x3;
	s25 =	simm.s32 $0x0;
	s7 =	smul.u32 $0x50, s1  }
0x8: {  	[smem:$0x7FF] =	sst s4;
	s6 =	sand.u32 $0x1, s6;
	s9 =	smul.u32 $0xA000, s1  }
0x9: {  	s31 =	sshll.u32 s1, $0x6;
	p0 =	seq.s32 s6, $0x0;
	s29 =	smul.u32 $0xA0000, s6  }
0xa: {  	_ =	strace $0x8000004A;
	s6 =	ssub.s32 $0x2, s6;
	s8 =	sadd.s32 $0x500, s7  }
0xb: {  	s30 =	sshrl.u32 s9, $0x3;
	s10 =	sshrl.u32 s6, $0x1;
	s14 =	sadd.s32 s9, s2  }
0xc: {  	s16 =	sadd.s32 s9, s3;
	s8 =	smov.u32 @p0 s7;
	s7 =	sadd.s32 s9, s29  }
0xd: {  	s12 =	ssub.s32 s6, s10;
	s6 =	sor.u32 $0x1C04, s31;
	s14 =	sshrl.u32 s14, $0x3  }
.Ltmp0:
0xe: {  	s16 =	sshrl.u32 s16, $0x3;
	s8 =	sshll.u32 s8, $0x5;
	(pc) =	sbr.rel .LBB2_1-.Ltmp0, $4  }
0xf: {  	s7 =	sshrl.u32 s7, $0x3;
	s13 =	sadd.s32 s8, s5;
	s8 =	sadd.s32 s30, s5  }
0x10: {  	s12 =	smax.u32 s12, $0x1;
	s11 =	sadd.s32 s7, s5;
	s5 =	sadd.s32 $0x8DC00, s8  }
0x11: {  	s7 =	sadd.s32 $0x29C00, s8;
	s8 =	sadd.s32 $0x15600, s13;
	s9 =	sadd.s32 $0x15620, s13  }
0x12: {  	s10 =	sadd.s32 $0x15640, s13;
	s11 =	sadd.s32 $0xA1C00, s11;
	s13 =	sadd.s32 $0x15660, s13  }
.LBB2_7:
0x13: {  	_ =	swait.ge [sflag:s24], $0x2000  }
0x14: {  	[sflag:s24] =	ssyncset.done $0x0  }
0x15: {  	[sflag:s24] =	ssyncadd.s32 $0xFFFFE000  }
0x16: {  	_ =	swait.ge [sflag:s24], $0x2000  }
0x17: {  	[sflag:s24] =	ssyncset.done $0x0  }
0x18: {  	[sflag:s24] =	ssyncadd.s32 $0xFFFFE000  }
0x19: {  	_ =	swait.ge [sflag:s24], $0x2000  }
0x1a: {  	s25 =	sadd.s32 $0x1, s25;
	[sflag:s24] =	ssyncset.done $0x0  }
0x1b: {  	p0 =	sne.s32 s25, s12;
	[sflag:s24] =	ssyncadd.s32 $0xFFFFE000  }
.Ltmp1:
0x1c: {  	[bflag:$0x0] =	sbarrier.arrive $0xFFFF;
	(pc) =	sbr.rel @!p0 .LBB2_8-.Ltmp1, $4  }
0x1d: {  	[hbm:s11], [sflag:s6] =	dma.local [spmem:s16], $0x1400  }
0x1e: {  	_ =	swait.ge [sflag:s15], $0x1400  }
0x1f: {  	[sflag:s15] =	ssyncset.done $0x0  }
0x20: {  	[sflag:s15] =	ssyncadd.s32 $0xFFFFEC00  }
.LBB2_1:
0x21: {  	[spmem:s14], [sflag:s6] =	dma.local [hbm:s5], $0x1400  }
0x22: {  	_ =	swait.ge [sflag:s15], $0x1400  }
0x23: {  	[sflag:s15] =	ssyncset.done $0x0  }
0x24: {  	[sflag:s15] =	ssyncadd.s32 $0xFFFFEC00  }
0x25: {  	[spmem:s16], [sflag:s6] =	dma.local [hbm:s7], $0x1400  }
0x26: {  	_ =	swait.ge [sflag:s15], $0x1400  }
0x27: {  	[sflag:s15] =	ssyncset.done $0x0  }
0x28: {  	[sflag:s15] =	ssyncadd.s32 $0xFFFFEC00  }
0x29: {  	[bflag:$0x0] =	sbarrier.arrive $0xFFFF  }
0x2a: {  	[tilespmem:s4], [sflag:$0x2] =	stream.linear.gather [hbm4b:s8+s4], $0x100, $0x38;
	[tilespmem:$0x1C800] =	vst v63  }
0x2b: {  	_ = 	snop  }
0x2c: {  	[tilespmem:s17], [sflag:$0x2] =	stream.linear.gather [hbm4b:s9+s4], $0x100, $0x38;
	[tilespmem:$0x1C800] =	vst v63  }
0x2d: {  	_ = 	snop  }
0x2e: {  	[tilespmem:s18], [sflag:$0x2] =	stream.linear.gather [hbm4b:s10+s4], $0x100, $0x38;
	[tilespmem:$0x1C800] =	vst v63  }
0x2f: {  	_ =	swait.ge [sflag:s19], $0x100  }
0x30: {  	[sflag:s19] =	ssyncset.done $0x0  }
0x31: {  	[sflag:s19] =	ssyncadd.s32 $0xFFFFFF00  }
0x32: {  	[tilespmem:s21], [sflag:$0x1] =	stream.indirect.gather [spmem:s2], $0x40, s4, s20, $0xb8;
	[tilespmem:$0x1C800] =	vst v63  }
.Ltmp2:
0x33: {  	_ = 	snop;
	(pc) =	sbr.rel .LBB2_2-.Ltmp2, $4  }
0x34: {  	_ =	swait.ge [sflag:s19], $0x100  }
0x35: {  	s26 =	simm.s32 $0x300;
	s28 =	simm.s32 $0x0;
	[sflag:s19] =	ssyncset.done $0x0  }
0x36: {  	s29 =	smov.u32 s13;
	s30 =	simm.s32 $0x0;
	[sflag:s19] =	ssyncadd.s32 $0xFFFFFF00  }
0x37: {  	[tilespmem:s22], [sflag:$0x1] =	stream.indirect.gather [spmem:s2], $0x40, s17, s20, $0xb8;
	[tilespmem:$0x1C800] =	vst v63  }
.LBB2_3:
0x38: {  	s31 =	sand.u32 $0x700, s26  }
0x39: {  	[tilespmem:s31], [sflag:$0x2] =	stream.linear.gather [hbm4b:s29+s4], $0x100, $0x38;
	[tilespmem:$0x1C800] =	vst v63  }
.LBB2_5:
0x3a: {  	_ =	swait.ge [sflag:s19], $0x100;
	s31 =	sadd.s32 $0x4000, s28  }
0x3b: {  	s0 =	sadd.s32 $0xFFFFFF00, s26;
	[sflag:s19] =	ssyncset.done $0x0;
	s31 =	sand.u32 $0x6000, s31  }
0x3c: {  	s0 =	sand.u32 $0x700, s0;
	[sflag:s19] =	ssyncadd.s32 $0xFFFFFF00;
	s31 =	sor.u32 $0x800, s31  }
0x3d: {  	[tilespmem:s31], [sflag:$0x1] =	stream.indirect.gather [spmem:s2], $0x40, s0, s20, $0xb8;
	[tilespmem:$0x1C800] =	vst v63  }
.LBB2_6:
0x3e: {  	_ =	swait.ge [sflag:s23], $0x2000;
	s0 =	sadd.s32 $0xFFFFFD00, s26;
	s31 =	sand.u32 $0x6000, s28  }
0x3f: {  	p0 =	slt.u32 s30, $0x3;
	[sflag:s23] =	ssyncset.done $0x0;
	s0 =	sand.u32 $0x700, s0  }
0x40: {  	s31 =	sor.u32 $0x800, s31;
	[sflag:s23] =	ssyncadd.s32 $0xFFFFE000;
	s0 =	sor.u32 $0x80, s0  }
0x41: {  	[spmem:s3] =	stream.indirect.scatter.add.f32 [tilespmem:s31], [sflag:$0x3], $0x40, s0, s20, $0xb8;
	[tilespmem:$0x1C800] =	vst v63  }
0x42: {  	s0 =	simm.s32 @!p0 $0x3  }
0x43: {  	_ =	swait.ge @!p0 [sflag:s0], $0x2000  }
0x44: {  	s26 =	sadd.s32 $0x100, s26;
	[sflag:s0] =	ssyncset.done @!p0 $0x0  }
0x45: {  	[sflag:s0] =	ssyncadd.s32 @!p0 $0xFFFFE000;
	p0 =	sne.s32 s26, $0x5300  }
.Ltmp3:
0x46: {  	_ = 	snop;
	(pc) =	sbr.rel @!p0 .LBB2_7-.Ltmp3, $2  }
0x47: {  	_ =	sdelay $0x2  }
0x48: {  	s30 =	sadd.s32 $0x1, s30;
	s29 =	sadd.s32 $0x20, s29;
	s28 =	sadd.s32 $0x2000, s28  }
.LBB2_2:
0x49: {  	p0 =	sgt.u32 s30, $0x4C  }
.Ltmp4:
0x4a: {  	_ = 	snop;
	(pc) =	sbr.rel @!p0 .LBB2_3-.Ltmp4, $1  }
0x4b: {  	_ =	sdelay $0x3  }
0x4c: {  	p0 =	sne.s32 s26, $0x5000  }
.Ltmp5:
0x4d: {  	_ = 	snop;
	(pc) =	sbr.rel @p0 .LBB2_6-.Ltmp5, $4  }
.Ltmp6:
0x4e: {  	_ = 	snop;
	(pc) =	sbr.rel @!p0 .LBB2_5-.Ltmp6, $4  }
0x4f: {  	_ = 	snop  }
0x50: {  	_ = 	snop  }
0x51: {  	_ = 	snop  }
0x52: {  	_ = 	snop  }
.LBB2_8:
0x53: {  	_ =	sfence.sel $0x180000  }
0x54: {  	[bflag:$0x0] =	sbarrier.arrive $0xFFFF  }
0x55: {  	_ =	strace $0x9000004A  }
0x56: {  	[bflag:$0x2] =	sbarrier.arrive $0xFFFF  }
0x57: {  	p0 =	sne.s32 s1, $0x0;
	s0 =	rddreg [dreg:$0x3]  }
0x58: {  	s0 =	sadd.s32 @!p0 $0x100000, s0  }
0x59: {  	[sflag:s0] =	ssyncadd.tile.s32 @!p0 $0x1;
	_ =	shalt  }
.Lfunc_end2:
_tile_overlayer_lowered:
.L_overlay_start_2:
0x5a: {  	(tag) =	ssettag $0x2  }
0x5b: {  	s0 =	rddreg [dreg:$0x0];
	s2 =	stileid.u32  }
0x5c: {  	s1 =	rddreg [dreg:$0x1];
	p0 =	sne.s32 s2, $0x0  }
0x5d: {  	s3 =	rddreg [dreg:$0x2];
	[bflag:$0x3] =	sbarrier.arrive $0xFFFF;
	s2 =	simm.s32 @!p0 $0x1C04  }
0x5e: {  	[timem:s3], [sflag:s2] =	dma.local @!p0 [hbm:s0], s1  }
0x5f: {  	s0 =	simm.s32 @!p0 $0x4  }
0x60: {  	_ =	swait.ge @!p0 [sflag:s0], s1  }
0x61: {  	s1 =	ssub.s32 @!p0 $0x0, s1;
	[sflag:s0] =	ssyncset.done @!p0 $0x0  }
0x62: {  	[sflag:s0] =	ssyncadd.s32 @!p0 s1  }
0x63: {  	[bflag:$0x3] =	sbarrier.arrive $0xFFFF  }
0x64: {  	_ =	shalt  }

</sc_bundles>
